<compile_context>
chip_gen: v7x
topology: tpu7x:2x2x1
jax: 0.10.2.dev20260603
libtpu: 0.0.44.dev20260713+nightly
codegen_flags: <defaults>
</compile_context>

<pallas_src>
import functools
import math

import jax
import jax.numpy as jnp
from jax import lax
from jax.experimental import pallas as pl
from jax.experimental.pallas import tpu as pltpu
from jax.experimental.pallas import tpu_sc as plsc

NC = 2
NS = 16
LANES = 16

CHUNK = 16
NBUF = 7
WDEFER = 2


@functools.partial(jax.jit, static_argnames=("b", "s", "d"))
def _emb_lookup(x, table, b, s, d):
    n_rows = b * s
    nw = NC * NS
    per_w = n_rows // nw
    w_per_row = s // per_w
    n_chunks = per_w // CHUNK
    nbuf = min(NBUF, n_chunks)
    scale = float(math.sqrt(d))
    mesh = plsc.VectorSubcoreMesh(
        core_axis_name="c", subcore_axis_name="s",
        num_cores=NC, num_subcores=NS)

    @functools.partial(
        pl.kernel,
        out_type=jax.ShapeDtypeStruct((b, s, d), jnp.float32),
        mesh=mesh,
        scratch_types=(
            pltpu.VMEM((per_w,), jnp.int32),
            pltpu.VMEM((nbuf * CHUNK, d), jnp.float32),
            pltpu.SemaphoreType.DMA((nbuf,)),
            pltpu.SemaphoreType.DMA((nbuf,)),
        ),
    )
    def k(idx_hbm, table_hbm, out_hbm, idx_v, bufall, gsem, wsem):
        wid = lax.axis_index("s") * NC + lax.axis_index("c")
        row = wid // w_per_row
        col = (wid % w_per_row) * per_w
        pltpu.sync_copy(idx_hbm.at[row, pl.ds(col, per_w)], idx_v)

        def gather_copy(g, slot):
            return pltpu.make_async_copy(
                table_hbm.at[idx_v.at[pl.ds(g * CHUNK, CHUNK)]],
                bufall.at[pl.ds(slot * CHUNK, CHUNK)], gsem.at[slot])

        def wb_copy(g, slot):
            return pltpu.make_async_copy(
                bufall.at[pl.ds(slot * CHUNK, CHUNK)],
                out_hbm.at[row, pl.ds(col + g * CHUNK, CHUNK)], wsem.at[slot])

        def prime(g, carry):
            gather_copy(g, g).start()
            return carry
        lax.fori_loop(0, nbuf, prime, 0)

        def step(g, carry):
            slot = lax.rem(g, nbuf)
            gather_copy(g, slot).wait()
            prev = g - WDEFER
            pslot = lax.rem(prev + nbuf, nbuf)

            @pl.when((prev >= 0) & (prev + nbuf < n_chunks))
            def _():
                wb_copy(prev, pslot).wait()
                gather_copy(prev + nbuf, pslot).start()

            rbase = slot * CHUNK

            def scale_rows(r2, c2):
                r = rbase + 2 * r2
                for j in range(d // LANES):
                    sl = pl.ds(j * LANES, LANES)
                    bufall[r, sl] = bufall[r, sl] * scale
                    bufall[r + 1, sl] = bufall[r + 1, sl] * scale
                return c2
            lax.fori_loop(0, CHUNK // 2, scale_rows, 0)

            wb_copy(g, slot).start()
            return carry
        lax.fori_loop(0, n_chunks, step, 0)

        def drain(g, carry):
            wb_copy(g, lax.rem(g, nbuf)).wait()
            return carry
        lax.fori_loop(max(0, n_chunks - nbuf), n_chunks, drain, 0)

    return k(x, table)


def kernel(x, table):
    b, s = x.shape
    v, d = table.shape
    if x.dtype != jnp.int32:
        x = x.astype(jnp.int32)
    return _emb_lookup(x, table, b=b, s=s, d=d)

# --- scband reference (transcript-rebuilt; emitter-appended) ---
"""Pipeline reference for scband-input-embeddings-17446157157105 (READ-ONLY COPY).

The authoritative reference and input builder live on the scoring server;
editing this copy changes nothing except your own understanding.
"""

import jax, jax.numpy as jnp
import numpy as np
import math

D_MODEL = 1024
VOCAB = 100000
B, S = 4, 2048

def setup_inputs(seed: int = 0) -> dict:
    key = jax.random.key(seed)
    k1, k2 = jax.random.split(key)
    x = jax.random.randint(k1, (B, S), 0, VOCAB, dtype=jnp.int64 if jax.config.jax_enable_x64 else jnp.int32)
    table = jax.random.normal(k2, (VOCAB, D_MODEL), dtype=jnp.float32) * 0.02
    return {"x": x, "table": table}

def reference(x, table):
    # InputEmbeddings.forward: embedding lookup scaled by sqrt(d_model)
    emb = jnp.take(table, x, axis=0)
    return emb * math.sqrt(D_MODEL)

if __name__ == "__main__":
    import jax
    _d = setup_inputs()
    print(jax.jit(kernel)(*tuple(_d.values())))

</pallas_src>

<mosaic_0001>
#map = affine_map<(d0, d1) -> (0, 0)>
#map1 = affine_map<(d0, d1) -> (0, 0, 0)>
module attributes {stable_mosaic.version = 14 : i64} {
  func.func @k(%arg0: i32, %arg1: i32, %arg2: memref<4x2048xi32, #tpu.memory_space<hbm>>, %arg3: memref<100000x1024xf32, #tpu.memory_space<hbm>>, %arg4: memref<4x2048x1024xf32, #tpu.memory_space<hbm>>, %arg5: memref<256xi32, #tpu.memory_space<vmem>>, %arg6: memref<112x1024xf32, #tpu.memory_space<vmem>>, %arg7: memref<7x!tpu.dma_semaphore, #tpu.memory_space<semaphore_mem>>, %arg8: memref<7x!tpu.dma_semaphore, #tpu.memory_space<semaphore_mem>>) attributes {dimension_semantics = [#tpu.dimension_semantics<core_parallel>, #tpu.dimension_semantics<subcore_parallel>], iteration_bounds = array<i64: 2, 16>, scalar_prefetch = 0 : i64, scratch_operands = 4 : i64, tpu.core_type = #tpu.core_type<sc_vector_subcore>, window_params = [{transform_indices = #map}, {transform_indices = #map}, {transform_indices = #map1}]} {
    %mul3A = arith.constant 2 : i32
    %mul3A_0 = arith.muli %arg1, %mul3A : i32
    %add3A = arith.addi %mul3A_0, %arg0 : i32
    %jit3A = arith.constant 8 : i32
    %div3A = arith.divsi %add3A, %jit3A : i32
    %sign3A = arith.constant 0 : i32
    %sign3A_1 = arith.cmpi sgt, %add3A, %sign3A : i32
    %sign3A_2 = arith.extui %sign3A_1 : i1 to i32
    %sign3A_3 = arith.constant 0 : i32
    %sign3A_4 = arith.cmpi slt, %add3A, %sign3A_3 : i32
    %sign3A_5 = arith.extui %sign3A_4 : i1 to i32
    %sign3A_6 = arith.subi %sign3A_2, %sign3A_5 : i32
    %sign3A_7 = arith.constant 0 : i32
    %sign3A_8 = arith.cmpi sgt, %jit3A, %sign3A_7 : i32
    %sign3A_9 = arith.extui %sign3A_8 : i1 to i32
    %sign3A_10 = arith.constant 0 : i32
    %sign3A_11 = arith.cmpi slt, %jit3A, %sign3A_10 : i32
    %sign3A_12 = arith.extui %sign3A_11 : i1 to i32
    %sign3A_13 = arith.subi %sign3A_9, %sign3A_12 : i32
    %ne3A = arith.cmpi ne, %sign3A_6, %sign3A_13 : i32
    %rem3A = arith.remsi %add3A, %jit3A : i32
    %ne3A_14 = arith.constant 0 : i32
    %ne3A_15 = arith.cmpi ne, %rem3A, %ne3A_14 : i32
    %and3A = arith.andi %ne3A, %ne3A_15 : i1
    %sub3A = arith.constant 1 : i32
    %sub3A_16 = arith.subi %div3A, %sub3A : i32
    %select_n3A = arith.select %and3A, %sub3A_16, %div3A : i32
    %jit3A_17 = arith.constant 8 : i32
    %eq3A = arith.constant 0 : i32
    %eq3A_18 = arith.cmpi eq, %jit3A_17, %eq3A : i32
    %jit3A_19 = arith.constant 1 : i32
    %select_n3A_20 = arith.select %eq3A_18, %jit3A_19, %jit3A_17 : i32
    %rem3A_21 = arith.remsi %add3A, %select_n3A_20 : i32
    %ne3A_22 = arith.constant 0 : i32
    %ne3A_23 = arith.cmpi ne, %rem3A_21, %ne3A_22 : i32
    %lt3A = arith.constant 0 : i32
    %lt3A_24 = arith.cmpi slt, %rem3A_21, %lt3A : i32
    %lt3A_25 = arith.constant 0 : i32
    %lt3A_26 = arith.cmpi slt, %select_n3A_20, %lt3A_25 : i32
    %ne3A_27 = arith.xori %lt3A_24, %lt3A_26 : i1
    %and3A_28 = arith.andi %ne3A_27, %ne3A_23 : i1
    %add3A_29 = arith.addi %rem3A_21, %select_n3A_20 : i32
    %select_n3A_30 = arith.select %and3A_28, %add3A_29, %rem3A_21 : i32
    %mul3A_31 = arith.constant 256 : i32
    %mul3A_32 = arith.muli %select_n3A_30, %mul3A_31 : i32
    "tpu.region"() ({
      %run_scoped3A = tpu.sem_alloc : memref<!tpu.dma_semaphore, #tpu.memory_space<semaphore_mem>>
      %dma_start3A = tpu.memref_slice %arg2[%select_n3A, %mul3A_32] : memref<4x2048xi32, #tpu.memory_space<hbm>> -> memref<1x256xi32, #tpu.memory_space<hbm>>
      %dma_start3A_50 = tpu.memref_squeeze %dma_start3A : memref<1x256xi32, #tpu.memory_space<hbm>> -> memref<256xi32, #tpu.memory_space<hbm>>
      %dma_start3A_51 = tpu.memref_slice %arg2[%select_n3A, %mul3A_32] : memref<4x2048xi32, #tpu.memory_space<hbm>> -> memref<1x256xi32, #tpu.memory_space<hbm>>
      %dma_start3A_52 = tpu.memref_squeeze %dma_start3A_51 : memref<1x256xi32, #tpu.memory_space<hbm>> -> memref<256xi32, #tpu.memory_space<hbm>>
      tpu.enqueue_dma source(%dma_start3A_52 : memref<256xi32, #tpu.memory_space<hbm>>) target(%arg5 : memref<256xi32, #tpu.memory_space<vmem>>) target_semaphore(%run_scoped3A : memref<!tpu.dma_semaphore, #tpu.memory_space<semaphore_mem>>)
      %dma_wait3A = tpu.memref_slice %arg2[%select_n3A, %mul3A_32] : memref<4x2048xi32, #tpu.memory_space<hbm>> -> memref<1x256xi32, #tpu.memory_space<hbm>>
      %dma_wait3A_53 = tpu.memref_squeeze %dma_wait3A : memref<1x256xi32, #tpu.memory_space<hbm>> -> memref<256xi32, #tpu.memory_space<hbm>>
      %dma_wait3A_54 = tpu.memref_slice %arg2[%select_n3A, %mul3A_32] : memref<4x2048xi32, #tpu.memory_space<hbm>> -> memref<1x256xi32, #tpu.memory_space<hbm>>
      %dma_wait3A_55 = tpu.memref_squeeze %dma_wait3A_54 : memref<1x256xi32, #tpu.memory_space<hbm>> -> memref<256xi32, #tpu.memory_space<hbm>>
      tpu.wait_dma2 semaphore(%run_scoped3A : memref<!tpu.dma_semaphore, #tpu.memory_space<semaphore_mem>>) src(%dma_wait3A_55 : memref<256xi32, #tpu.memory_space<hbm>>) dst(%arg5 : memref<256xi32, #tpu.memory_space<vmem>>)
      tpu.yield
    }) : () -> ()
    %scan3A = arith.constant 0 : i32
    %scan3A_33 = arith.constant 0 : i32
    %scan3A_34 = arith.constant 7 : i32
    %scan3A_35 = arith.addi %scan3A_33, %scan3A_34 : i32
    %scan3A_36 = arith.constant 1 : i32
    scf.for %scan3A_50 = %scan3A_33 to %scan3A_35 step %scan3A_36  : i32 {
      %mul3A_51 = arith.constant 16 : i32
      %mul3A_52 = arith.muli %scan3A_50, %mul3A_51 : i32
      %mul3A_53 = arith.constant 16 : i32
      %mul3A_54 = arith.muli %scan3A_50, %mul3A_53 : i32
      %dma_start3A = arith.constant 0 : i32
      %dma_start3A_55 = tpu.memref_slice %arg6[%mul3A_54, %dma_start3A] : memref<112x1024xf32, #tpu.memory_space<vmem>> -> memref<16x1024xf32, #tpu.memory_space<vmem>>
      %dma_start3A_56 = tpu.memref_slice %arg5[%mul3A_52] : memref<256xi32, #tpu.memory_space<vmem>> -> memref<16xi32, #tpu.memory_space<vmem>>
      %dma_start3A_57 = arith.constant 0 : i32
      %dma_start3A_58 = arith.constant 0 : i32
      %dma_start3A_59 = tpu.memref_slice %arg3[%dma_start3A_57, %dma_start3A_58] : memref<100000x1024xf32, #tpu.memory_space<hbm>> -> memref<100000x1024xf32, #tpu.memory_space<hbm>>
      %dma_start3A_60 = tpu.memref_slice %arg7[%scan3A_50] : memref<7x!tpu.dma_semaphore, #tpu.memory_space<semaphore_mem>> -> memref<1x!tpu.dma_semaphore, #tpu.memory_space<semaphore_mem>>
      %dma_start3A_61 = tpu.memref_squeeze %dma_start3A_60 : memref<1x!tpu.dma_semaphore, #tpu.memory_space<semaphore_mem>> -> memref<!tpu.dma_semaphore, #tpu.memory_space<semaphore_mem>>
      tpu.enqueue_indirect_dma source(%dma_start3A_59 : memref<100000x1024xf32, #tpu.memory_space<hbm>>) target(%dma_start3A_55 : memref<16x1024xf32, #tpu.memory_space<vmem>>) offsets(%dma_start3A_56 : memref<16xi32, #tpu.memory_space<vmem>>) semaphore(%dma_start3A_61 : memref<!tpu.dma_semaphore, #tpu.memory_space<semaphore_mem>>)
    }
    %scan3A_37 = arith.constant 7 : i32
    %scan3A_38 = arith.constant 0 : i32
    %scan3A_39 = arith.constant 0 : i32
    %scan3A_40 = arith.constant 16 : i32
    %scan3A_41 = arith.addi %scan3A_39, %scan3A_40 : i32
    %scan3A_42 = arith.constant 1 : i32
    scf.for %scan3A_50 = %scan3A_39 to %scan3A_41 step %scan3A_42  : i32 {
      %rem3A_51 = arith.constant 7 : i32
      %rem3A_52 = arith.remsi %scan3A_50, %rem3A_51 : i32
      %mul3A_53 = arith.constant 16 : i32
      %mul3A_54 = arith.muli %scan3A_50, %mul3A_53 : i32
      %mul3A_55 = arith.constant 16 : i32
      %mul3A_56 = arith.muli %rem3A_52, %mul3A_55 : i32
      %dma_wait3A = arith.constant 0 : i32
      %dma_wait3A_57 = tpu.memref_slice %arg6[%mul3A_56, %dma_wait3A] : memref<112x1024xf32, #tpu.memory_space<vmem>> -> memref<16x1024xf32, #tpu.memory_space<vmem>>
      %dma_wait3A_58 = tpu.memref_slice %arg5[%mul3A_54] : memref<256xi32, #tpu.memory_space<vmem>> -> memref<16xi32, #tpu.memory_space<vmem>>
      %dma_wait3A_59 = arith.constant 0 : i32
      %dma_wait3A_60 = arith.constant 0 : i32
      %dma_wait3A_61 = tpu.memref_slice %arg3[%dma_wait3A_59, %dma_wait3A_60] : memref<100000x1024xf32, #tpu.memory_space<hbm>> -> memref<100000x1024xf32, #tpu.memory_space<hbm>>
      %dma_wait3A_62 = tpu.memref_slice %arg7[%rem3A_52] : memref<7x!tpu.dma_semaphore, #tpu.memory_space<semaphore_mem>> -> memref<1x!tpu.dma_semaphore, #tpu.memory_space<semaphore_mem>>
      %dma_wait3A_63 = tpu.memref_squeeze %dma_wait3A_62 : memref<1x!tpu.dma_semaphore, #tpu.memory_space<semaphore_mem>> -> memref<!tpu.dma_semaphore, #tpu.memory_space<semaphore_mem>>
      tpu.wait_indirect_dma semaphore(%dma_wait3A_63 : memref<!tpu.dma_semaphore, #tpu.memory_space<semaphore_mem>>) src(%dma_wait3A_61 : memref<100000x1024xf32, #tpu.memory_space<hbm>>) dst(%dma_wait3A_57 : memref<16x1024xf32, #tpu.memory_space<vmem>>)
      %sub3A_64 = arith.constant 2 : i32
      %sub3A_65 = arith.subi %scan3A_50, %sub3A_64 : i32
      %add3A_66 = arith.constant 7 : i32
      %add3A_67 = arith.addi %sub3A_65, %add3A_66 : i32
      %rem3A_68 = arith.constant 7 : i32
      %rem3A_69 = arith.remsi %add3A_67, %rem3A_68 : i32
      %ge3A = arith.constant 0 : i32
      %ge3A_70 = arith.cmpi sge, %sub3A_65, %ge3A : i32
      %add3A_71 = arith.constant 7 : i32
      %add3A_72 = arith.addi %sub3A_65, %add3A_71 : i32
      %lt3A_73 = arith.constant 16 : i32
      %lt3A_74 = arith.cmpi slt, %add3A_72, %lt3A_73 : i32
      %and3A_75 = arith.andi %ge3A_70, %lt3A_74 : i1
      %convert_element_type3A = arith.extui %and3A_75 : i1 to i32
      %cond3A = arith.constant 0 : i32
      %cond3A_76 = arith.cmpi ne, %convert_element_type3A, %cond3A : i32
      scf.if %cond3A_76 {
        %mul3A_101 = arith.constant 16 : i32
        %mul3A_102 = arith.muli %rem3A_69, %mul3A_101 : i32
        %mul3A_103 = arith.constant 16 : i32
        %mul3A_104 = arith.muli %sub3A_65, %mul3A_103 : i32
        %add3A_105 = arith.addi %mul3A_32, %mul3A_104 : i32
        %dma_wait3A_106 = arith.constant 0 : i32
        %dma_wait3A_107 = tpu.memref_slice %arg6[%mul3A_102, %dma_wait3A_106] : memref<112x1024xf32, #tpu.memory_space<vmem>> -> memref<16x1024xf32, #tpu.memory_space<vmem>>
        %dma_wait3A_108 = arith.constant 0 : i32
        %dma_wait3A_109 = tpu.memref_slice %arg4[%select_n3A, %add3A_105, %dma_wait3A_108] : memref<4x2048x1024xf32, #tpu.memory_space<hbm>> -> memref<1x16x1024xf32, #tpu.memory_space<hbm>>
        %dma_wait3A_110 = tpu.memref_squeeze %dma_wait3A_109 : memref<1x16x1024xf32, #tpu.memory_space<hbm>> -> memref<16x1024xf32, #tpu.memory_space<hbm>>
        %dma_wait3A_111 = tpu.memref_slice %arg8[%rem3A_69] : memref<7x!tpu.dma_semaphore, #tpu.memory_space<semaphore_mem>> -> memref<1x!tpu.dma_semaphore, #tpu.memory_space<semaphore_mem>>
        %dma_wait3A_112 = tpu.memref_squeeze %dma_wait3A_111 : memref<1x!tpu.dma_semaphore, #tpu.memory_space<semaphore_mem>> -> memref<!tpu.dma_semaphore, #tpu.memory_space<semaphore_mem>>
        %dma_wait3A_113 = arith.constant 0 : i32
        %dma_wait3A_114 = tpu.memref_slice %arg4[%select_n3A, %add3A_105, %dma_wait3A_113] : memref<4x2048x1024xf32, #tpu.memory_space<hbm>> -> memref<1x16x1024xf32, #tpu.memory_space<hbm>>
        %dma_wait3A_115 = tpu.memref_squeeze %dma_wait3A_114 : memref<1x16x1024xf32, #tpu.memory_space<hbm>> -> memref<16x1024xf32, #tpu.memory_space<hbm>>
        %dma_wait3A_116 = arith.constant 0 : i32
        %dma_wait3A_117 = tpu.memref_slice %arg6[%mul3A_102, %dma_wait3A_116] : memref<112x1024xf32, #tpu.memory_space<vmem>> -> memref<16x1024xf32, #tpu.memory_space<vmem>>
        tpu.wait_dma2 semaphore(%dma_wait3A_112 : memref<!tpu.dma_semaphore, #tpu.memory_space<semaphore_mem>>) src(%dma_wait3A_117 : memref<16x1024xf32, #tpu.memory_space<vmem>>) dst(%dma_wait3A_115 : memref<16x1024xf32, #tpu.memory_space<hbm>>)
        %add3A_118 = arith.constant 7 : i32
        %add3A_119 = arith.addi %sub3A_65, %add3A_118 : i32
        %mul3A_120 = arith.constant 16 : i32
        %mul3A_121 = arith.muli %add3A_119, %mul3A_120 : i32
        %mul3A_122 = arith.constant 16 : i32
        %mul3A_123 = arith.muli %rem3A_69, %mul3A_122 : i32
        %dma_start3A_124 = arith.constant 0 : i32
        %dma_start3A_125 = tpu.memref_slice %arg6[%mul3A_123, %dma_start3A_124] : memref<112x1024xf32, #tpu.memory_space<vmem>> -> memref<16x1024xf32, #tpu.memory_space<vmem>>
        %dma_start3A_126 = tpu.memref_slice %arg5[%mul3A_121] : memref<256xi32, #tpu.memory_space<vmem>> -> memref<16xi32, #tpu.memory_space<vmem>>
        %dma_start3A_127 = arith.constant 0 : i32
        %dma_start3A_128 = arith.constant 0 : i32
        %dma_start3A_129 = tpu.memref_slice %arg3[%dma_start3A_127, %dma_start3A_128] : memref<100000x1024xf32, #tpu.memory_space<hbm>> -> memref<100000x1024xf32, #tpu.memory_space<hbm>>
        %dma_start3A_130 = tpu.memref_slice %arg7[%rem3A_69] : memref<7x!tpu.dma_semaphore, #tpu.memory_space<semaphore_mem>> -> memref<1x!tpu.dma_semaphore, #tpu.memory_space<semaphore_mem>>
        %dma_start3A_131 = tpu.memref_squeeze %dma_start3A_130 : memref<1x!tpu.dma_semaphore, #tpu.memory_space<semaphore_mem>> -> memref<!tpu.dma_semaphore, #tpu.memory_space<semaphore_mem>>
        tpu.enqueue_indirect_dma source(%dma_start3A_129 : memref<100000x1024xf32, #tpu.memory_space<hbm>>) target(%dma_start3A_125 : memref<16x1024xf32, #tpu.memory_space<vmem>>) offsets(%dma_start3A_126 : memref<16xi32, #tpu.memory_space<vmem>>) semaphore(%dma_start3A_131 : memref<!tpu.dma_semaphore, #tpu.memory_space<semaphore_mem>>)
      } else {
      }
      %mul3A_77 = arith.constant 16 : i32
      %mul3A_78 = arith.muli %rem3A_52, %mul3A_77 : i32
      %scan3A_79 = arith.constant 0 : i32
      %scan3A_80 = arith.constant 0 : i32
      %scan3A_81 = arith.constant 8 : i32
      %scan3A_82 = arith.addi %scan3A_80, %scan3A_81 : i32
      %scan3A_83 = arith.constant 1 : i32
      scf.for %scan3A_101 = %scan3A_80 to %scan3A_82 step %scan3A_83  : i32 {
        %mul3A_102 = arith.constant 2 : i32
        %mul3A_103 = arith.muli %mul3A_102, %scan3A_101 : i32
        %add3A_104 = arith.addi %mul3A_78, %mul3A_103 : i32
        %get3A = arith.index_cast %add3A_104 : i32 to index
        %get3A_105 = arith.constant 0 : index
        %get3A_106 = tpu.vector_load %arg6[%get3A, %get3A_105] {strides = array<i32>} : memref<112x1024xf32, #tpu.memory_space<vmem>>, vector<1x16xf32>,
        %get3A_107 = vector.shape_cast %get3A_106 : vector<1x16xf32> to vector<16xf32>
        %mul3A_108 = arith.constant 3.200000e+01 : f32
        %mul3A_109 = vector.broadcast %mul3A_108 : f32 to vector<16xf32>
        %mul3A_110 = arith.mulf %get3A_107, %mul3A_109 : vector<16xf32>
        %swap3A = arith.index_cast %add3A_104 : i32 to index
        %swap3A_111 = arith.constant 0 : index
        %swap3A_112 = tpu.vector_load %arg6[%swap3A, %swap3A_111] {strides = array<i32>} : memref<112x1024xf32, #tpu.memory_space<vmem>>, vector<1x16xf32>,
        %swap3A_113 = vector.shape_cast %swap3A_112 : vector<1x16xf32> to vector<16xf32>
        %swap3A_114 = vector.shape_cast %mul3A_110 : vector<16xf32> to vector<1x16xf32>
        tpu.vector_store %arg6[%swap3A, %swap3A_111], %swap3A_114 {strides = array<i32>} : memref<112x1024xf32, #tpu.memory_space<vmem>>, vector<1x16xf32>,
        %add3A_115 = arith.constant 1 : i32
        %add3A_116 = arith.addi %add3A_104, %add3A_115 : i32
        %get3A_117 = arith.index_cast %add3A_116 : i32 to index
        %get3A_118 = arith.constant 0 : index
        %get3A_119 = tpu.vector_load %arg6[%get3A_117, %get3A_118] {strides = array<i32>} : memref<112x1024xf32, #tpu.memory_space<vmem>>, vector<1x16xf32>,
        %get3A_120 = vector.shape_cast %get3A_119 : vector<1x16xf32> to vector<16xf32>
        %mul3A_121 = arith.constant 3.200000e+01 : f32
        %mul3A_122 = vector.broadcast %mul3A_121 : f32 to vector<16xf32>
        %mul3A_123 = arith.mulf %get3A_120, %mul3A_122 : vector<16xf32>
        %add3A_124 = arith.constant 1 : i32
        %add3A_125 = arith.addi %add3A_104, %add3A_124 : i32
        %swap3A_126 = arith.index_cast %add3A_125 : i32 to index
        %swap3A_127 = arith.constant 0 : index
        %swap3A_128 = tpu.vector_load %arg6[%swap3A_126, %swap3A_127] {strides = array<i32>} : memref<112x1024xf32, #tpu.memory_space<vmem>>, vector<1x16xf32>,
        %swap3A_129 = vector.shape_cast %swap3A_128 : vector<1x16xf32> to vector<16xf32>
        %swap3A_130 = vector.shape_cast %mul3A_123 : vector<16xf32> to vector<1x16xf32>
        tpu.vector_store %arg6[%swap3A_126, %swap3A_127], %swap3A_130 {strides = array<i32>} : memref<112x1024xf32, #tpu.memory_space<vmem>>, vector<1x16xf32>,
        %get3A_131 = arith.index_cast %add3A_104 : i32 to index
        %get3A_132 = arith.constant 16 : index
        %get3A_133 = tpu.vector_load %arg6[%get3A_131, %get3A_132] {strides = array<i32>} : memref<112x1024xf32, #tpu.memory_space<vmem>>, vector<1x16xf32>,
        %get3A_134 = vector.shape_cast %get3A_133 : vector<1x16xf32> to vector<16xf32>
        %mul3A_135 = arith.constant 3.200000e+01 : f32
        %mul3A_136 = vector.broadcast %mul3A_135 : f32 to vector<16xf32>
        %mul3A_137 = arith.mulf %get3A_134, %mul3A_136 : vector<16xf32>
        %swap3A_138 = arith.index_cast %add3A_104 : i32 to index
        %swap3A_139 = arith.constant 16 : index
        %swap3A_140 = tpu.vector_load %arg6[%swap3A_138, %swap3A_139] {strides = array<i32>} : memref<112x1024xf32, #tpu.memory_space<vmem>>, vector<1x16xf32>,
        %swap3A_141 = vector.shape_cast %swap3A_140 : vector<1x16xf32> to vector<16xf32>
        %swap3A_142 = vector.shape_cast %mul3A_137 : vector<16xf32> to vector<1x16xf32>
        tpu.vector_store %arg6[%swap3A_138, %swap3A_139], %swap3A_142 {strides = array<i32>} : memref<112x1024xf32, #tpu.memory_space<vmem>>, vector<1x16xf32>,
        %add3A_143 = arith.constant 1 : i32
        %add3A_144 = arith.addi %add3A_104, %add3A_143 : i32
        %get3A_145 = arith.index_cast %add3A_144 : i32 to index
        %get3A_146 = arith.constant 16 : index
        %get3A_147 = tpu.vector_load %arg6[%get3A_145, %get3A_146] {strides = array<i32>} : memref<112x1024xf32, #tpu.memory_space<vmem>>, vector<1x16xf32>,
        %get3A_148 = vector.shape_cast %get3A_147 : vector<1x16xf32> to vector<16xf32>
        %mul3A_149 = arith.constant 3.200000e+01 : f32
        %mul3A_150 = vector.broadcast %mul3A_149 : f32 to vector<16xf32>
        %mul3A_151 = arith.mulf %get3A_148, %mul3A_150 : vector<16xf32>
        %add3A_152 = arith.constant 1 : i32
        %add3A_153 = arith.addi %add3A_104, %add3A_152 : i32
        %swap3A_154 = arith.index_cast %add3A_153 : i32 to index
        %swap3A_155 = arith.constant 16 : index
        %swap3A_156 = tpu.vector_load %arg6[%swap3A_154, %swap3A_155] {strides = array<i32>} : memref<112x1024xf32, #tpu.memory_space<vmem>>, vector<1x16xf32>,
        %swap3A_157 = vector.shape_cast %swap3A_156 : vector<1x16xf32> to vector<16xf32>
        %swap3A_158 = vector.shape_cast %mul3A_151 : vector<16xf32> to vector<1x16xf32>
        tpu.vector_store %arg6[%swap3A_154, %swap3A_155], %swap3A_158 {strides = array<i32>} : memref<112x1024xf32, #tpu.memory_space<vmem>>, vector<1x16xf32>,
        %get3A_159 = arith.index_cast %add3A_104 : i32 to index
        %get3A_160 = arith.constant 32 : index
        %get3A_161 = tpu.vector_load %arg6[%get3A_159, %get3A_160] {strides = array<i32>} : memref<112x1024xf32, #tpu.memory_space<vmem>>, vector<1x16xf32>,
        %get3A_162 = vector.shape_cast %get3A_161 : vector<1x16xf32> to vector<16xf32>
        %mul3A_163 = arith.constant 3.200000e+01 : f32
        %mul3A_164 = vector.broadcast %mul3A_163 : f32 to vector<16xf32>
        %mul3A_165 = arith.mulf %get3A_162, %mul3A_164 : vector<16xf32>
        %swap3A_166 = arith.index_cast %add3A_104 : i32 to index
        %swap3A_167 = arith.constant 32 : index
        %swap3A_168 = tpu.vector_load %arg6[%swap3A_166, %swap3A_167] {strides = array<i32>} : memref<112x1024xf32, #tpu.memory_space<vmem>>, vector<1x16xf32>,
        %swap3A_169 = vector.shape_cast %swap3A_168 : vector<1x16xf32> to vector<16xf32>
        %swap3A_170 = vector.shape_cast %mul3A_165 : vector<16xf32> to vector<1x16xf32>
        tpu.vector_store %arg6[%swap3A_166, %swap3A_167], %swap3A_170 {strides = array<i32>} : memref<112x1024xf32, #tpu.memory_space<vmem>>, vector<1x16xf32>,
        %add3A_171 = arith.constant 1 : i32
        %add3A_172 = arith.addi %add3A_104, %add3A_171 : i32
        %get3A_173 = arith.index_cast %add3A_172 : i32 to index
        %get3A_174 = arith.constant 32 : index
        %get3A_175 = tpu.vector_load %arg6[%get3A_173, %get3A_174] {strides = array<i32>} : memref<112x1024xf32, #tpu.memory_space<vmem>>, vector<1x16xf32>,
        %get3A_176 = vector.shape_cast %get3A_175 : vector<1x16xf32> to vector<16xf32>
        %mul3A_177 = arith.constant 3.200000e+01 : f32
        %mul3A_178 = vector.broadcast %mul3A_177 : f32 to vector<16xf32>
        %mul3A_179 = arith.mulf %get3A_176, %mul3A_178 : vector<16xf32>
        %add3A_180 = arith.constant 1 : i32
        %add3A_181 = arith.addi %add3A_104, %add3A_180 : i32
        %swap3A_182 = arith.index_cast %add3A_181 : i32 to index
        %swap3A_183 = arith.constant 32 : index
        %swap3A_184 = tpu.vector_load %arg6[%swap3A_182, %swap3A_183] {strides = array<i32>} : memref<112x1024xf32, #tpu.memory_space<vmem>>, vector<1x16xf32>,
        %swap3A_185 = vector.shape_cast %swap3A_184 : vector<1x16xf32> to vector<16xf32>
        %swap3A_186 = vector.shape_cast %mul3A_179 : vector<16xf32> to vector<1x16xf32>
        tpu.vector_store %arg6[%swap3A_182, %swap3A_183], %swap3A_186 {strides = array<i32>} : memref<112x1024xf32, #tpu.memory_space<vmem>>, vector<1x16xf32>,
        %get3A_187 = arith.index_cast %add3A_104 : i32 to index
        %get3A_188 = arith.constant 48 : index
        %get3A_189 = tpu.vector_load %arg6[%get3A_187, %get3A_188] {strides = array<i32>} : memref<112x1024xf32, #tpu.memory_space<vmem>>, vector<1x16xf32>,
        %get3A_190 = vector.shape_cast %get3A_189 : vector<1x16xf32> to vector<16xf32>
        %mul3A_191 = arith.constant 3.200000e+01 : f32
        %mul3A_192 = vector.broadcast %mul3A_191 : f32 to vector<16xf32>
        %mul3A_193 = arith.mulf %get3A_190, %mul3A_192 : vector<16xf32>
        %swap3A_194 = arith.index_cast %add3A_104 : i32 to index
        %swap3A_195 = arith.constant 48 : index
        %swap3A_196 = tpu.vector_load %arg6[%swap3A_194, %swap3A_195] {strides = array<i32>} : memref<112x1024xf32, #tpu.memory_space<vmem>>, vector<1x16xf32>,
        %swap3A_197 = vector.shape_cast %swap3A_196 : vector<1x16xf32> to vector<16xf32>
        %swap3A_198 = vector.shape_cast %mul3A_193 : vector<16xf32> to vector<1x16xf32>
        tpu.vector_store %arg6[%swap3A_194, %swap3A_195], %swap3A_198 {strides = array<i32>} : memref<112x1024xf32, #tpu.memory_space<vmem>>, vector<1x16xf32>,
        %add3A_199 = arith.constant 1 : i32
        %add3A_200 = arith.addi %add3A_104, %add3A_199 : i32
        %get3A_201 = arith.index_cast %add3A_200 : i32 to index
        %get3A_202 = arith.constant 48 : index
        %get3A_203 = tpu.vector_load %arg6[%get3A_201, %get3A_202] {strides = array<i32>} : memref<112x1024xf32, #tpu.memory_space<vmem>>, vector<1x16xf32>,
        %get3A_204 = vector.shape_cast %get3A_203 : vector<1x16xf32> to vector<16xf32>
        %mul3A_205 = arith.constant 3.200000e+01 : f32
        %mul3A_206 = vector.broadcast %mul3A_205 : f32 to vector<16xf32>
        %mul3A_207 = arith.mulf %get3A_204, %mul3A_206 : vector<16xf32>
        %add3A_208 = arith.constant 1 : i32
        %add3A_209 = arith.addi %add3A_104, %add3A_208 : i32
        %swap3A_210 = arith.index_cast %add3A_209 : i32 to index
        %swap3A_211 = arith.constant 48 : index
        %swap3A_212 = tpu.vector_load %arg6[%swap3A_210, %swap3A_211] {strides = array<i32>} : memref<112x1024xf32, #tpu.memory_space<vmem>>, vector<1x16xf32>,
        %swap3A_213 = vector.shape_cast %swap3A_212 : vector<1x16xf32> to vector<16xf32>
        %swap3A_214 = vector.shape_cast %mul3A_207 : vector<16xf32> to vector<1x16xf32>
        tpu.vector_store %arg6[%swap3A_210, %swap3A_211], %swap3A_214 {strides = array<i32>} : memref<112x1024xf32, #tpu.memory_space<vmem>>, vector<1x16xf32>,
        %get3A_215 = arith.index_cast %add3A_104 : i32 to index
        %get3A_216 = arith.constant 64 : index
        %get3A_217 = tpu.vector_load %arg6[%get3A_215, %get3A_216] {strides = array<i32>} : memref<112x1024xf32, #tpu.memory_space<vmem>>, vector<1x16xf32>,
        %get3A_218 = vector.shape_cast %get3A_217 : vector<1x16xf32> to vector<16xf32>
        %mul3A_219 = arith.constant 3.200000e+01 : f32
        %mul3A_220 = vector.broadcast %mul3A_219 : f32 to vector<16xf32>
        %mul3A_221 = arith.mulf %get3A_218, %mul3A_220 : vector<16xf32>
        %swap3A_222 = arith.index_cast %add3A_104 : i32 to index
        %swap3A_223 = arith.constant 64 : index
        %swap3A_224 = tpu.vector_load %arg6[%swap3A_222, %swap3A_223] {strides = array<i32>} : memref<112x1024xf32, #tpu.memory_space<vmem>>, vector<1x16xf32>,
        %swap3A_225 = vector.shape_cast %swap3A_224 : vector<1x16xf32> to vector<16xf32>
        %swap3A_226 = vector.shape_cast %mul3A_221 : vector<16xf32> to vector<1x16xf32>
        tpu.vector_store %arg6[%swap3A_222, %swap3A_223], %swap3A_226 {strides = array<i32>} : memref<112x1024xf32, #tpu.memory_space<vmem>>, vector<1x16xf32>,
        %add3A_227 = arith.constant 1 : i32
        %add3A_228 = arith.addi %add3A_104, %add3A_227 : i32
        %get3A_229 = arith.index_cast %add3A_228 : i32 to index
        %get3A_230 = arith.constant 64 : index
        %get3A_231 = tpu.vector_load %arg6[%get3A_229, %get3A_230] {strides = array<i32>} : memref<112x1024xf32, #tpu.memory_space<vmem>>, vector<1x16xf32>,
        %get3A_232 = vector.shape_cast %get3A_231 : vector<1x16xf32> to vector<16xf32>
        %mul3A_233 = arith.constant 3.200000e+01 : f32
        %mul3A_234 = vector.broadcast %mul3A_233 : f32 to vector<16xf32>
        %mul3A_235 = arith.mulf %get3A_232, %mul3A_234 : vector<16xf32>
        %add3A_236 = arith.constant 1 : i32
        %add3A_237 = arith.addi %add3A_104, %add3A_236 : i32
        %swap3A_238 = arith.index_cast %add3A_237 : i32 to index
        %swap3A_239 = arith.constant 64 : index
        %swap3A_240 = tpu.vector_load %arg6[%swap3A_238, %swap3A_239] {strides = array<i32>} : memref<112x1024xf32, #tpu.memory_space<vmem>>, vector<1x16xf32>,
        %swap3A_241 = vector.shape_cast %swap3A_240 : vector<1x16xf32> to vector<16xf32>
        %swap3A_242 = vector.shape_cast %mul3A_235 : vector<16xf32> to vector<1x16xf32>
        tpu.vector_store %arg6[%swap3A_238, %swap3A_239], %swap3A_242 {strides = array<i32>} : memref<112x1024xf32, #tpu.memory_space<vmem>>, vector<1x16xf32>,
        %get3A_243 = arith.index_cast %add3A_104 : i32 to index
        %get3A_244 = arith.constant 80 : index
        %get3A_245 = tpu.vector_load %arg6[%get3A_243, %get3A_244] {strides = array<i32>} : memref<112x1024xf32, #tpu.memory_space<vmem>>, vector<1x16xf32>,
        %get3A_246 = vector.shape_cast %get3A_245 : vector<1x16xf32> to vector<16xf32>
        %mul3A_247 = arith.constant 3.200000e+01 : f32
        %mul3A_248 = vector.broadcast %mul3A_247 : f32 to vector<16xf32>
        %mul3A_249 = arith.mulf %get3A_246, %mul3A_248 : vector<16xf32>
        %swap3A_250 = arith.index_cast %add3A_104 : i32 to index
        %swap3A_251 = arith.constant 80 : index
        %swap3A_252 = tpu.vector_load %arg6[%swap3A_250, %swap3A_251] {strides = array<i32>} : memref<112x1024xf32, #tpu.memory_space<vmem>>, vector<1x16xf32>,
        %swap3A_253 = vector.shape_cast %swap3A_252 : vector<1x16xf32> to vector<16xf32>
        %swap3A_254 = vector.shape_cast %mul3A_249 : vector<16xf32> to vector<1x16xf32>
        tpu.vector_store %arg6[%swap3A_250, %swap3A_251], %swap3A_254 {strides = array<i32>} : memref<112x1024xf32, #tpu.memory_space<vmem>>, vector<1x16xf32>,
        %add3A_255 = arith.constant 1 : i32
        %add3A_256 = arith.addi %add3A_104, %add3A_255 : i32
        %get3A_257 = arith.index_cast %add3A_256 : i32 to index
        %get3A_258 = arith.constant 80 : index
        %get3A_259 = tpu.vector_load %arg6[%get3A_257, %get3A_258] {strides = array<i32>} : memref<112x1024xf32, #tpu.memory_space<vmem>>, vector<1x16xf32>,
        %get3A_260 = vector.shape_cast %get3A_259 : vector<1x16xf32> to vector<16xf32>
        %mul3A_261 = arith.constant 3.200000e+01 : f32
        %mul3A_262 = vector.broadcast %mul3A_261 : f32 to vector<16xf32>
        %mul3A_263 = arith.mulf %get3A_260, %mul3A_262 : vector<16xf32>
        %add3A_264 = arith.constant 1 : i32
        %add3A_265 = arith.addi %add3A_104, %add3A_264 : i32
        %swap3A_266 = arith.index_cast %add3A_265 : i32 to index
        %swap3A_267 = arith.constant 80 : index
        %swap3A_268 = tpu.vector_load %arg6[%swap3A_266, %swap3A_267] {strides = array<i32>} : memref<112x1024xf32, #tpu.memory_space<vmem>>, vector<1x16xf32>,
        %swap3A_269 = vector.shape_cast %swap3A_268 : vector<1x16xf32> to vector<16xf32>
        %swap3A_270 = vector.shape_cast %mul3A_263 : vector<16xf32> to vector<1x16xf32>
        tpu.vector_store %arg6[%swap3A_266, %swap3A_267], %swap3A_270 {strides = array<i32>} : memref<112x1024xf32, #tpu.memory_space<vmem>>, vector<1x16xf32>,
        %get3A_271 = arith.index_cast %add3A_104 : i32 to index
        %get3A_272 = arith.constant 96 : index
        %get3A_273 = tpu.vector_load %arg6[%get3A_271, %get3A_272] {strides = array<i32>} : memref<112x1024xf32, #tpu.memory_space<vmem>>, vector<1x16xf32>,
        %get3A_274 = vector.shape_cast %get3A_273 : vector<1x16xf32> to vector<16xf32>
        %mul3A_275 = arith.constant 3.200000e+01 : f32
        %mul3A_276 = vector.broadcast %mul3A_275 : f32 to vector<16xf32>
        %mul3A_277 = arith.mulf %get3A_274, %mul3A_276 : vector<16xf32>
        %swap3A_278 = arith.index_cast %add3A_104 : i32 to index
        %swap3A_279 = arith.constant 96 : index
        %swap3A_280 = tpu.vector_load %arg6[%swap3A_278, %swap3A_279] {strides = array<i32>} : memref<112x1024xf32, #tpu.memory_space<vmem>>, vector<1x16xf32>,
        %swap3A_281 = vector.shape_cast %swap3A_280 : vector<1x16xf32> to vector<16xf32>
        %swap3A_282 = vector.shape_cast %mul3A_277 : vector<16xf32> to vector<1x16xf32>
        tpu.vector_store %arg6[%swap3A_278, %swap3A_279], %swap3A_282 {strides = array<i32>} : memref<112x1024xf32, #tpu.memory_space<vmem>>, vector<1x16xf32>,
        %add3A_283 = arith.constant 1 : i32
        %add3A_284 = arith.addi %add3A_104, %add3A_283 : i32
        %get3A_285 = arith.index_cast %add3A_284 : i32 to index
        %get3A_286 = arith.constant 96 : index
        %get3A_287 = tpu.vector_load %arg6[%get3A_285, %get3A_286] {strides = array<i32>} : memref<112x1024xf32, #tpu.memory_space<vmem>>, vector<1x16xf32>,
        %get3A_288 = vector.shape_cast %get3A_287 : vector<1x16xf32> to vector<16xf32>
        %mul3A_289 = arith.constant 3.200000e+01 : f32
        %mul3A_290 = vector.broadcast %mul3A_289 : f32 to vector<16xf32>
        %mul3A_291 = arith.mulf %get3A_288, %mul3A_290 : vector<16xf32>
        %add3A_292 = arith.constant 1 : i32
        %add3A_293 = arith.addi %add3A_104, %add3A_292 : i32
        %swap3A_294 = arith.index_cast %add3A_293 : i32 to index
        %swap3A_295 = arith.constant 96 : index
        %swap3A_296 = tpu.vector_load %arg6[%swap3A_294, %swap3A_295] {strides = array<i32>} : memref<112x1024xf32, #tpu.memory_space<vmem>>, vector<1x16xf32>,
        %swap3A_297 = vector.shape_cast %swap3A_296 : vector<1x16xf32> to vector<16xf32>
        %swap3A_298 = vector.shape_cast %mul3A_291 : vector<16xf32> to vector<1x16xf32>
        tpu.vector_store %arg6[%swap3A_294, %swap3A_295], %swap3A_298 {strides = array<i32>} : memref<112x1024xf32, #tpu.memory_space<vmem>>, vector<1x16xf32>,
        %get3A_299 = arith.index_cast %add3A_104 : i32 to index
        %get3A_300 = arith.constant 112 : index
        %get3A_301 = tpu.vector_load %arg6[%get3A_299, %get3A_300] {strides = array<i32>} : memref<112x1024xf32, #tpu.memory_space<vmem>>, vector<1x16xf32>,
        %get3A_302 = vector.shape_cast %get3A_301 : vector<1x16xf32> to vector<16xf32>
        %mul3A_303 = arith.constant 3.200000e+01 : f32
        %mul3A_304 = vector.broadcast %mul3A_303 : f32 to vector<16xf32>
        %mul3A_305 = arith.mulf %get3A_302, %mul3A_304 : vector<16xf32>
        %swap3A_306 = arith.index_cast %add3A_104 : i32 to index
        %swap3A_307 = arith.constant 112 : index
        %swap3A_308 = tpu.vector_load %arg6[%swap3A_306, %swap3A_307] {strides = array<i32>} : memref<112x1024xf32, #tpu.memory_space<vmem>>, vector<1x16xf32>,
        %swap3A_309 = vector.shape_cast %swap3A_308 : vector<1x16xf32> to vector<16xf32>
        %swap3A_310 = vector.shape_cast %mul3A_305 : vector<16xf32> to vector<1x16xf32>
        tpu.vector_store %arg6[%swap3A_306, %swap3A_307], %swap3A_310 {strides = array<i32>} : memref<112x1024xf32, #tpu.memory_space<vmem>>, vector<1x16xf32>,
        %add3A_311 = arith.constant 1 : i32
        %add3A_312 = arith.addi %add3A_104, %add3A_311 : i32
        %get3A_313 = arith.index_cast %add3A_312 : i32 to index
        %get3A_314 = arith.constant 112 : index
        %get3A_315 = tpu.vector_load %arg6[%get3A_313, %get3A_314] {strides = array<i32>} : memref<112x1024xf32, #tpu.memory_space<vmem>>, vector<1x16xf32>,
        %get3A_316 = vector.shape_cast %get3A_315 : vector<1x16xf32> to vector<16xf32>
        %mul3A_317 = arith.constant 3.200000e+01 : f32
        %mul3A_318 = vector.broadcast %mul3A_317 : f32 to vector<16xf32>
        %mul3A_319 = arith.mulf %get3A_316, %mul3A_318 : vector<16xf32>
        %add3A_320 = arith.constant 1 : i32
        %add3A_321 = arith.addi %add3A_104, %add3A_320 : i32
        %swap3A_322 = arith.index_cast %add3A_321 : i32 to index
        %swap3A_323 = arith.constant 112 : index
        %swap3A_324 = tpu.vector_load %arg6[%swap3A_322, %swap3A_323] {strides = array<i32>} : memref<112x1024xf32, #tpu.memory_space<vmem>>, vector<1x16xf32>,
        %swap3A_325 = vector.shape_cast %swap3A_324 : vector<1x16xf32> to vector<16xf32>
        %swap3A_326 = vector.shape_cast %mul3A_319 : vector<16xf32> to vector<1x16xf32>
        tpu.vector_store %arg6[%swap3A_322, %swap3A_323], %swap3A_326 {strides = array<i32>} : memref<112x1024xf32, #tpu.memory_space<vmem>>, vector<1x16xf32>,
        %get3A_327 = arith.index_cast %add3A_104 : i32 to index
        %get3A_328 = arith.constant 128 : index
        %get3A_329 = tpu.vector_load %arg6[%get3A_327, %get3A_328] {strides = array<i32>} : memref<112x1024xf32, #tpu.memory_space<vmem>>, vector<1x16xf32>,
        %get3A_330 = vector.shape_cast %get3A_329 : vector<1x16xf32> to vector<16xf32>
        %mul3A_331 = arith.constant 3.200000e+01 : f32
        %mul3A_332 = vector.broadcast %mul3A_331 : f32 to vector<16xf32>
        %mul3A_333 = arith.mulf %get3A_330, %mul3A_332 : vector<16xf32>
        %swap3A_334 = arith.index_cast %add3A_104 : i32 to index
        %swap3A_335 = arith.constant 128 : index
        %swap3A_336 = tpu.vector_load %arg6[%swap3A_334, %swap3A_335] {strides = array<i32>} : memref<112x1024xf32, #tpu.memory_space<vmem>>, vector<1x16xf32>,
        %swap3A_337 = vector.shape_cast %swap3A_336 : vector<1x16xf32> to vector<16xf32>
        %swap3A_338 = vector.shape_cast %mul3A_333 : vector<16xf32> to vector<1x16xf32>
        tpu.vector_store %arg6[%swap3A_334, %swap3A_335], %swap3A_338 {strides = array<i32>} : memref<112x1024xf32, #tpu.memory_space<vmem>>, vector<1x16xf32>,
        %add3A_339 = arith.constant 1 : i32
        %add3A_340 = arith.addi %add3A_104, %add3A_339 : i32
        %get3A_341 = arith.index_cast %add3A_340 : i32 to index
        %get3A_342 = arith.constant 128 : index
        %get3A_343 = tpu.vector_load %arg6[%get3A_341, %get3A_342] {strides = array<i32>} : memref<112x1024xf32, #tpu.memory_space<vmem>>, vector<1x16xf32>,
        %get3A_344 = vector.shape_cast %get3A_343 : vector<1x16xf32> to vector<16xf32>
        %mul3A_345 = arith.constant 3.200000e+01 : f32
        %mul3A_346 = vector.broadcast %mul3A_345 : f32 to vector<16xf32>
        %mul3A_347 = arith.mulf %get3A_344, %mul3A_346 : vector<16xf32>
        %add3A_348 = arith.constant 1 : i32
        %add3A_349 = arith.addi %add3A_104, %add3A_348 : i32
        %swap3A_350 = arith.index_cast %add3A_349 : i32 to index
        %swap3A_351 = arith.constant 128 : index
        %swap3A_352 = tpu.vector_load %arg6[%swap3A_350, %swap3A_351] {strides = array<i32>} : memref<112x1024xf32, #tpu.memory_space<vmem>>, vector<1x16xf32>,
        %swap3A_353 = vector.shape_cast %swap3A_352 : vector<1x16xf32> to vector<16xf32>
        %swap3A_354 = vector.shape_cast %mul3A_347 : vector<16xf32> to vector<1x16xf32>
        tpu.vector_store %arg6[%swap3A_350, %swap3A_351], %swap3A_354 {strides = array<i32>} : memref<112x1024xf32, #tpu.memory_space<vmem>>, vector<1x16xf32>,
        %get3A_355 = arith.index_cast %add3A_104 : i32 to index
        %get3A_356 = arith.constant 144 : index
        %get3A_357 = tpu.vector_load %arg6[%get3A_355, %get3A_356] {strides = array<i32>} : memref<112x1024xf32, #tpu.memory_space<vmem>>, vector<1x16xf32>,
        %get3A_358 = vector.shape_cast %get3A_357 : vector<1x16xf32> to vector<16xf32>
        %mul3A_359 = arith.constant 3.200000e+01 : f32
        %mul3A_360 = vector.broadcast %mul3A_359 : f32 to vector<16xf32>
        %mul3A_361 = arith.mulf %get3A_358, %mul3A_360 : vector<16xf32>
        %swap3A_362 = arith.index_cast %add3A_104 : i32 to index
        %swap3A_363 = arith.constant 144 : index
        %swap3A_364 = tpu.vector_load %arg6[%swap3A_362, %swap3A_363] {strides = array<i32>} : memref<112x1024xf32, #tpu.memory_space<vmem>>, vector<1x16xf32>,
        %swap3A_365 = vector.shape_cast %swap3A_364 : vector<1x16xf32> to vector<16xf32>
        %swap3A_366 = vector.shape_cast %mul3A_361 : vector<16xf32> to vector<1x16xf32>
        tpu.vector_store %arg6[%swap3A_362, %swap3A_363], %swap3A_366 {strides = array<i32>} : memref<112x1024xf32, #tpu.memory_space<vmem>>, vector<1x16xf32>,
        %add3A_367 = arith.constant 1 : i32
        %add3A_368 = arith.addi %add3A_104, %add3A_367 : i32
        %get3A_369 = arith.index_cast %add3A_368 : i32 to index
        %get3A_370 = arith.constant 144 : index
        %get3A_371 = tpu.vector_load %arg6[%get3A_369, %get3A_370] {strides = array<i32>} : memref<112x1024xf32, #tpu.memory_space<vmem>>, vector<1x16xf32>,
        %get3A_372 = vector.shape_cast %get3A_371 : vector<1x16xf32> to vector<16xf32>
        %mul3A_373 = arith.constant 3.200000e+01 : f32
        %mul3A_374 = vector.broadcast %mul3A_373 : f32 to vector<16xf32>
        %mul3A_375 = arith.mulf %get3A_372, %mul3A_374 : vector<16xf32>
        %add3A_376 = arith.constant 1 : i32
        %add3A_377 = arith.addi %add3A_104, %add3A_376 : i32
        %swap3A_378 = arith.index_cast %add3A_377 : i32 to index
        %swap3A_379 = arith.constant 144 : index
        %swap3A_380 = tpu.vector_load %arg6[%swap3A_378, %swap3A_379] {strides = array<i32>} : memref<112x1024xf32, #tpu.memory_space<vmem>>, vector<1x16xf32>,
        %swap3A_381 = vector.shape_cast %swap3A_380 : vector<1x16xf32> to vector<16xf32>
        %swap3A_382 = vector.shape_cast %mul3A_375 : vector<16xf32> to vector<1x16xf32>
        tpu.vector_store %arg6[%swap3A_378, %swap3A_379], %swap3A_382 {strides = array<i32>} : memref<112x1024xf32, #tpu.memory_space<vmem>>, vector<1x16xf32>,
        %get3A_383 = arith.index_cast %add3A_104 : i32 to index
        %get3A_384 = arith.constant 160 : index
        %get3A_385 = tpu.vector_load %arg6[%get3A_383, %get3A_384] {strides = array<i32>} : memref<112x1024xf32, #tpu.memory_space<vmem>>, vector<1x16xf32>,
        %get3A_386 = vector.shape_cast %get3A_385 : vector<1x16xf32> to vector<16xf32>
        %mul3A_387 = arith.constant 3.200000e+01 : f32
        %mul3A_388 = vector.broadcast %mul3A_387 : f32 to vector<16xf32>
        %mul3A_389 = arith.mulf %get3A_386, %mul3A_388 : vector<16xf32>
        %swap3A_390 = arith.index_cast %add3A_104 : i32 to index
        %swap3A_391 = arith.constant 160 : index
        %swap3A_392 = tpu.vector_load %arg6[%swap3A_390, %swap3A_391] {strides = array<i32>} : memref<112x1024xf32, #tpu.memory_space<vmem>>, vector<1x16xf32>,
        %swap3A_393 = vector.shape_cast %swap3A_392 : vector<1x16xf32> to vector<16xf32>
        %swap3A_394 = vector.shape_cast %mul3A_389 : vector<16xf32> to vector<1x16xf32>
        tpu.vector_store %arg6[%swap3A_390, %swap3A_391], %swap3A_394 {strides = array<i32>} : memref<112x1024xf32, #tpu.memory_space<vmem>>, vector<1x16xf32>,
        %add3A_395 = arith.constant 1 : i32
        %add3A_396 = arith.addi %add3A_104, %add3A_395 : i32
        %get3A_397 = arith.index_cast %add3A_396 : i32 to index
        %get3A_398 = arith.constant 160 : index
        %get3A_399 = tpu.vector_load %arg6[%get3A_397, %get3A_398] {strides = array<i32>} : memref<112x1024xf32, #tpu.memory_space<vmem>>, vector<1x16xf32>,
        %get3A_400 = vector.shape_cast %get3A_399 : vector<1x16xf32> to vector<16xf32>
        %mul3A_401 = arith.constant 3.200000e+01 : f32
        %mul3A_402 = vector.broadcast %mul3A_401 : f32 to vector<16xf32>
        %mul3A_403 = arith.mulf %get3A_400, %mul3A_402 : vector<16xf32>
        %add3A_404 = arith.constant 1 : i32
        %add3A_405 = arith.addi %add3A_104, %add3A_404 : i32
        %swap3A_406 = arith.index_cast %add3A_405 : i32 to index
        %swap3A_407 = arith.constant 160 : index
        %swap3A_408 = tpu.vector_load %arg6[%swap3A_406, %swap3A_407] {strides = array<i32>} : memref<112x1024xf32, #tpu.memory_space<vmem>>, vector<1x16xf32>,
        %swap3A_409 = vector.shape_cast %swap3A_408 : vector<1x16xf32> to vector<16xf32>
        %swap3A_410 = vector.shape_cast %mul3A_403 : vector<16xf32> to vector<1x16xf32>
        tpu.vector_store %arg6[%swap3A_406, %swap3A_407], %swap3A_410 {strides = array<i32>} : memref<112x1024xf32, #tpu.memory_space<vmem>>, vector<1x16xf32>,
        %get3A_411 = arith.index_cast %add3A_104 : i32 to index
        %get3A_412 = arith.constant 176 : index
        %get3A_413 = tpu.vector_load %arg6[%get3A_411, %get3A_412] {strides = array<i32>} : memref<112x1024xf32, #tpu.memory_space<vmem>>, vector<1x16xf32>,
        %get3A_414 = vector.shape_cast %get3A_413 : vector<1x16xf32> to vector<16xf32>
        %mul3A_415 = arith.constant 3.200000e+01 : f32
        %mul3A_416 = vector.broadcast %mul3A_415 : f32 to vector<16xf32>
        %mul3A_417 = arith.mulf %get3A_414, %mul3A_416 : vector<16xf32>
        %swap3A_418 = arith.index_cast %add3A_104 : i32 to index
        %swap3A_419 = arith.constant 176 : index
        %swap3A_420 = tpu.vector_load %arg6[%swap3A_418, %swap3A_419] {strides = array<i32>} : memref<112x1024xf32, #tpu.memory_space<vmem>>, vector<1x16xf32>,
        %swap3A_421 = vector.shape_cast %swap3A_420 : vector<1x16xf32> to vector<16xf32>
        %swap3A_422 = vector.shape_cast %mul3A_417 : vector<16xf32> to vector<1x16xf32>
        tpu.vector_store %arg6[%swap3A_418, %swap3A_419], %swap3A_422 {strides = array<i32>} : memref<112x1024xf32, #tpu.memory_space<vmem>>, vector<1x16xf32>,
        %add3A_423 = arith.constant 1 : i32
        %add3A_424 = arith.addi %add3A_104, %add3A_423 : i32
        %get3A_425 = arith.index_cast %add3A_424 : i32 to index
        %get3A_426 = arith.constant 176 : index
        %get3A_427 = tpu.vector_load %arg6[%get3A_425, %get3A_426] {strides = array<i32>} : memref<112x1024xf32, #tpu.memory_space<vmem>>, vector<1x16xf32>,
        %get3A_428 = vector.shape_cast %get3A_427 : vector<1x16xf32> to vector<16xf32>
        %mul3A_429 = arith.constant 3.200000e+01 : f32
        %mul3A_430 = vector.broadcast %mul3A_429 : f32 to vector<16xf32>
        %mul3A_431 = arith.mulf %get3A_428, %mul3A_430 : vector<16xf32>
        %add3A_432 = arith.constant 1 : i32
        %add3A_433 = arith.addi %add3A_104, %add3A_432 : i32
        %swap3A_434 = arith.index_cast %add3A_433 : i32 to index
        %swap3A_435 = arith.constant 176 : index
        %swap3A_436 = tpu.vector_load %arg6[%swap3A_434, %swap3A_435] {strides = array<i32>} : memref<112x1024xf32, #tpu.memory_space<vmem>>, vector<1x16xf32>,
        %swap3A_437 = vector.shape_cast %swap3A_436 : vector<1x16xf32> to vector<16xf32>
        %swap3A_438 = vector.shape_cast %mul3A_431 : vector<16xf32> to vector<1x16xf32>
        tpu.vector_store %arg6[%swap3A_434, %swap3A_435], %swap3A_438 {strides = array<i32>} : memref<112x1024xf32, #tpu.memory_space<vmem>>, vector<1x16xf32>,
        %get3A_439 = arith.index_cast %add3A_104 : i32 to index
        %get3A_440 = arith.constant 192 : index
        %get3A_441 = tpu.vector_load %arg6[%get3A_439, %get3A_440] {strides = array<i32>} : memref<112x1024xf32, #tpu.memory_space<vmem>>, vector<1x16xf32>,
        %get3A_442 = vector.shape_cast %get3A_441 : vector<1x16xf32> to vector<16xf32>
        %mul3A_443 = arith.constant 3.200000e+01 : f32
        %mul3A_444 = vector.broadcast %mul3A_443 : f32 to vector<16xf32>
        %mul3A_445 = arith.mulf %get3A_442, %mul3A_444 : vector<16xf32>
        %swap3A_446 = arith.index_cast %add3A_104 : i32 to index
        %swap3A_447 = arith.constant 192 : index
        %swap3A_448 = tpu.vector_load %arg6[%swap3A_446, %swap3A_447] {strides = array<i32>} : memref<112x1024xf32, #tpu.memory_space<vmem>>, vector<1x16xf32>,
        %swap3A_449 = vector.shape_cast %swap3A_448 : vector<1x16xf32> to vector<16xf32>
        %swap3A_450 = vector.shape_cast %mul3A_445 : vector<16xf32> to vector<1x16xf32>
        tpu.vector_store %arg6[%swap3A_446, %swap3A_447], %swap3A_450 {strides = array<i32>} : memref<112x1024xf32, #tpu.memory_space<vmem>>, vector<1x16xf32>,
        %add3A_451 = arith.constant 1 : i32
        %add3A_452 = arith.addi %add3A_104, %add3A_451 : i32
        %get3A_453 = arith.index_cast %add3A_452 : i32 to index
        %get3A_454 = arith.constant 192 : index
        %get3A_455 = tpu.vector_load %arg6[%get3A_453, %get3A_454] {strides = array<i32>} : memref<112x1024xf32, #tpu.memory_space<vmem>>, vector<1x16xf32>,
        %get3A_456 = vector.shape_cast %get3A_455 : vector<1x16xf32> to vector<16xf32>
        %mul3A_457 = arith.constant 3.200000e+01 : f32
        %mul3A_458 = vector.broadcast %mul3A_457 : f32 to vector<16xf32>
        %mul3A_459 = arith.mulf %get3A_456, %mul3A_458 : vector<16xf32>
        %add3A_460 = arith.constant 1 : i32
        %add3A_461 = arith.addi %add3A_104, %add3A_460 : i32
        %swap3A_462 = arith.index_cast %add3A_461 : i32 to index
        %swap3A_463 = arith.constant 192 : index
        %swap3A_464 = tpu.vector_load %arg6[%swap3A_462, %swap3A_463] {strides = array<i32>} : memref<112x1024xf32, #tpu.memory_space<vmem>>, vector<1x16xf32>,
        %swap3A_465 = vector.shape_cast %swap3A_464 : vector<1x16xf32> to vector<16xf32>
        %swap3A_466 = vector.shape_cast %mul3A_459 : vector<16xf32> to vector<1x16xf32>
        tpu.vector_store %arg6[%swap3A_462, %swap3A_463], %swap3A_466 {strides = array<i32>} : memref<112x1024xf32, #tpu.memory_space<vmem>>, vector<1x16xf32>,
        %get3A_467 = arith.index_cast %add3A_104 : i32 to index
        %get3A_468 = arith.constant 208 : index
        %get3A_469 = tpu.vector_load %arg6[%get3A_467, %get3A_468] {strides = array<i32>} : memref<112x1024xf32, #tpu.memory_space<vmem>>, vector<1x16xf32>,
        %get3A_470 = vector.shape_cast %get3A_469 : vector<1x16xf32> to vector<16xf32>
        %mul3A_471 = arith.constant 3.200000e+01 : f32
        %mul3A_472 = vector.broadcast %mul3A_471 : f32 to vector<16xf32>
        %mul3A_473 = arith.mulf %get3A_470, %mul3A_472 : vector<16xf32>
        %swap3A_474 = arith.index_cast %add3A_104 : i32 to index
        %swap3A_475 = arith.constant 208 : index
        %swap3A_476 = tpu.vector_load %arg6[%swap3A_474, %swap3A_475] {strides = array<i32>} : memref<112x1024xf32, #tpu.memory_space<vmem>>, vector<1x16xf32>,
        %swap3A_477 = vector.shape_cast %swap3A_476 : vector<1x16xf32> to vector<16xf32>
        %swap3A_478 = vector.shape_cast %mul3A_473 : vector<16xf32> to vector<1x16xf32>
        tpu.vector_store %arg6[%swap3A_474, %swap3A_475], %swap3A_478 {strides = array<i32>} : memref<112x1024xf32, #tpu.memory_space<vmem>>, vector<1x16xf32>,
        %add3A_479 = arith.constant 1 : i32
        %add3A_480 = arith.addi %add3A_104, %add3A_479 : i32
        %get3A_481 = arith.index_cast %add3A_480 : i32 to index
        %get3A_482 = arith.constant 208 : index
        %get3A_483 = tpu.vector_load %arg6[%get3A_481, %get3A_482] {strides = array<i32>} : memref<112x1024xf32, #tpu.memory_space<vmem>>, vector<1x16xf32>,
        %get3A_484 = vector.shape_cast %get3A_483 : vector<1x16xf32> to vector<16xf32>
        %mul3A_485 = arith.constant 3.200000e+01 : f32
        %mul3A_486 = vector.broadcast %mul3A_485 : f32 to vector<16xf32>
        %mul3A_487 = arith.mulf %get3A_484, %mul3A_486 : vector<16xf32>
        %add3A_488 = arith.constant 1 : i32
        %add3A_489 = arith.addi %add3A_104, %add3A_488 : i32
        %swap3A_490 = arith.index_cast %add3A_489 : i32 to index
        %swap3A_491 = arith.constant 208 : index
        %swap3A_492 = tpu.vector_load %arg6[%swap3A_490, %swap3A_491] {strides = array<i32>} : memref<112x1024xf32, #tpu.memory_space<vmem>>, vector<1x16xf32>,
        %swap3A_493 = vector.shape_cast %swap3A_492 : vector<1x16xf32> to vector<16xf32>
        %swap3A_494 = vector.shape_cast %mul3A_487 : vector<16xf32> to vector<1x16xf32>
        tpu.vector_store %arg6[%swap3A_490, %swap3A_491], %swap3A_494 {strides = array<i32>} : memref<112x1024xf32, #tpu.memory_space<vmem>>, vector<1x16xf32>,
        %get3A_495 = arith.index_cast %add3A_104 : i32 to index
        %get3A_496 = arith.constant 224 : index
        %get3A_497 = tpu.vector_load %arg6[%get3A_495, %get3A_496] {strides = array<i32>} : memref<112x1024xf32, #tpu.memory_space<vmem>>, vector<1x16xf32>,
        %get3A_498 = vector.shape_cast %get3A_497 : vector<1x16xf32> to vector<16xf32>
        %mul3A_499 = arith.constant 3.200000e+01 : f32
        %mul3A_500 = vector.broadcast %mul3A_499 : f32 to vector<16xf32>
        %mul3A_501 = arith.mulf %get3A_498, %mul3A_500 : vector<16xf32>
        %swap3A_502 = arith.index_cast %add3A_104 : i32 to index
        %swap3A_503 = arith.constant 224 : index
        %swap3A_504 = tpu.vector_load %arg6[%swap3A_502, %swap3A_503] {strides = array<i32>} : memref<112x1024xf32, #tpu.memory_space<vmem>>, vector<1x16xf32>,
        %swap3A_505 = vector.shape_cast %swap3A_504 : vector<1x16xf32> to vector<16xf32>
        %swap3A_506 = vector.shape_cast %mul3A_501 : vector<16xf32> to vector<1x16xf32>
        tpu.vector_store %arg6[%swap3A_502, %swap3A_503], %swap3A_506 {strides = array<i32>} : memref<112x1024xf32, #tpu.memory_space<vmem>>, vector<1x16xf32>,
        %add3A_507 = arith.constant 1 : i32
        %add3A_508 = arith.addi %add3A_104, %add3A_507 : i32
        %get3A_509 = arith.index_cast %add3A_508 : i32 to index
        %get3A_510 = arith.constant 224 : index
        %get3A_511 = tpu.vector_load %arg6[%get3A_509, %get3A_510] {strides = array<i32>} : memref<112x1024xf32, #tpu.memory_space<vmem>>, vector<1x16xf32>,
        %get3A_512 = vector.shape_cast %get3A_511 : vector<1x16xf32> to vector<16xf32>
        %mul3A_513 = arith.constant 3.200000e+01 : f32
        %mul3A_514 = vector.broadcast %mul3A_513 : f32 to vector<16xf32>
        %mul3A_515 = arith.mulf %get3A_512, %mul3A_514 : vector<16xf32>
        %add3A_516 = arith.constant 1 : i32
        %add3A_517 = arith.addi %add3A_104, %add3A_516 : i32
        %swap3A_518 = arith.index_cast %add3A_517 : i32 to index
        %swap3A_519 = arith.constant 224 : index
        %swap3A_520 = tpu.vector_load %arg6[%swap3A_518, %swap3A_519] {strides = array<i32>} : memref<112x1024xf32, #tpu.memory_space<vmem>>, vector<1x16xf32>,
        %swap3A_521 = vector.shape_cast %swap3A_520 : vector<1x16xf32> to vector<16xf32>
        %swap3A_522 = vector.shape_cast %mul3A_515 : vector<16xf32> to vector<1x16xf32>
        tpu.vector_store %arg6[%swap3A_518, %swap3A_519], %swap3A_522 {strides = array<i32>} : memref<112x1024xf32, #tpu.memory_space<vmem>>, vector<1x16xf32>,
        %get3A_523 = arith.index_cast %add3A_104 : i32 to index
        %get3A_524 = arith.constant 240 : index
        %get3A_525 = tpu.vector_load %arg6[%get3A_523, %get3A_524] {strides = array<i32>} : memref<112x1024xf32, #tpu.memory_space<vmem>>, vector<1x16xf32>,
        %get3A_526 = vector.shape_cast %get3A_525 : vector<1x16xf32> to vector<16xf32>
        %mul3A_527 = arith.constant 3.200000e+01 : f32
        %mul3A_528 = vector.broadcast %mul3A_527 : f32 to vector<16xf32>
        %mul3A_529 = arith.mulf %get3A_526, %mul3A_528 : vector<16xf32>
        %swap3A_530 = arith.index_cast %add3A_104 : i32 to index
        %swap3A_531 = arith.constant 240 : index
        %swap3A_532 = tpu.vector_load %arg6[%swap3A_530, %swap3A_531] {strides = array<i32>} : memref<112x1024xf32, #tpu.memory_space<vmem>>, vector<1x16xf32>,
        %swap3A_533 = vector.shape_cast %swap3A_532 : vector<1x16xf32> to vector<16xf32>
        %swap3A_534 = vector.shape_cast %mul3A_529 : vector<16xf32> to vector<1x16xf32>
        tpu.vector_store %arg6[%swap3A_530, %swap3A_531], %swap3A_534 {strides = array<i32>} : memref<112x1024xf32, #tpu.memory_space<vmem>>, vector<1x16xf32>,
        %add3A_535 = arith.constant 1 : i32
        %add3A_536 = arith.addi %add3A_104, %add3A_535 : i32
        %get3A_537 = arith.index_cast %add3A_536 : i32 to index
        %get3A_538 = arith.constant 240 : index
        %get3A_539 = tpu.vector_load %arg6[%get3A_537, %get3A_538] {strides = array<i32>} : memref<112x1024xf32, #tpu.memory_space<vmem>>, vector<1x16xf32>,
        %get3A_540 = vector.shape_cast %get3A_539 : vector<1x16xf32> to vector<16xf32>
        %mul3A_541 = arith.constant 3.200000e+01 : f32
        %mul3A_542 = vector.broadcast %mul3A_541 : f32 to vector<16xf32>
        %mul3A_543 = arith.mulf %get3A_540, %mul3A_542 : vector<16xf32>
        %add3A_544 = arith.constant 1 : i32
        %add3A_545 = arith.addi %add3A_104, %add3A_544 : i32
        %swap3A_546 = arith.index_cast %add3A_545 : i32 to index
        %swap3A_547 = arith.constant 240 : index
        %swap3A_548 = tpu.vector_load %arg6[%swap3A_546, %swap3A_547] {strides = array<i32>} : memref<112x1024xf32, #tpu.memory_space<vmem>>, vector<1x16xf32>,
        %swap3A_549 = vector.shape_cast %swap3A_548 : vector<1x16xf32> to vector<16xf32>
        %swap3A_550 = vector.shape_cast %mul3A_543 : vector<16xf32> to vector<1x16xf32>
        tpu.vector_store %arg6[%swap3A_546, %swap3A_547], %swap3A_550 {strides = array<i32>} : memref<112x1024xf32, #tpu.memory_space<vmem>>, vector<1x16xf32>,
        %get3A_551 = arith.index_cast %add3A_104 : i32 to index
        %get3A_552 = arith.constant 256 : index
        %get3A_553 = tpu.vector_load %arg6[%get3A_551, %get3A_552] {strides = array<i32>} : memref<112x1024xf32, #tpu.memory_space<vmem>>, vector<1x16xf32>,
        %get3A_554 = vector.shape_cast %get3A_553 : vector<1x16xf32> to vector<16xf32>
        %mul3A_555 = arith.constant 3.200000e+01 : f32
        %mul3A_556 = vector.broadcast %mul3A_555 : f32 to vector<16xf32>
        %mul3A_557 = arith.mulf %get3A_554, %mul3A_556 : vector<16xf32>
        %swap3A_558 = arith.index_cast %add3A_104 : i32 to index
        %swap3A_559 = arith.constant 256 : index
        %swap3A_560 = tpu.vector_load %arg6[%swap3A_558, %swap3A_559] {strides = array<i32>} : memref<112x1024xf32, #tpu.memory_space<vmem>>, vector<1x16xf32>,
        %swap3A_561 = vector.shape_cast %swap3A_560 : vector<1x16xf32> to vector<16xf32>
        %swap3A_562 = vector.shape_cast %mul3A_557 : vector<16xf32> to vector<1x16xf32>
        tpu.vector_store %arg6[%swap3A_558, %swap3A_559], %swap3A_562 {strides = array<i32>} : memref<112x1024xf32, #tpu.memory_space<vmem>>, vector<1x16xf32>,
        %add3A_563 = arith.constant 1 : i32
        %add3A_564 = arith.addi %add3A_104, %add3A_563 : i32
        %get3A_565 = arith.index_cast %add3A_564 : i32 to index
        %get3A_566 = arith.constant 256 : index
        %get3A_567 = tpu.vector_load %arg6[%get3A_565, %get3A_566] {strides = array<i32>} : memref<112x1024xf32, #tpu.memory_space<vmem>>, vector<1x16xf32>,
        %get3A_568 = vector.shape_cast %get3A_567 : vector<1x16xf32> to vector<16xf32>
        %mul3A_569 = arith.constant 3.200000e+01 : f32
        %mul3A_570 = vector.broadcast %mul3A_569 : f32 to vector<16xf32>
        %mul3A_571 = arith.mulf %get3A_568, %mul3A_570 : vector<16xf32>
        %add3A_572 = arith.constant 1 : i32
        %add3A_573 = arith.addi %add3A_104, %add3A_572 : i32
        %swap3A_574 = arith.index_cast %add3A_573 : i32 to index
        %swap3A_575 = arith.constant 256 : index
        %swap3A_576 = tpu.vector_load %arg6[%swap3A_574, %swap3A_575] {strides = array<i32>} : memref<112x1024xf32, #tpu.memory_space<vmem>>, vector<1x16xf32>,
        %swap3A_577 = vector.shape_cast %swap3A_576 : vector<1x16xf32> to vector<16xf32>
        %swap3A_578 = vector.shape_cast %mul3A_571 : vector<16xf32> to vector<1x16xf32>
        tpu.vector_store %arg6[%swap3A_574, %swap3A_575], %swap3A_578 {strides = array<i32>} : memref<112x1024xf32, #tpu.memory_space<vmem>>, vector<1x16xf32>,
        %get3A_579 = arith.index_cast %add3A_104 : i32 to index
        %get3A_580 = arith.constant 272 : index
        %get3A_581 = tpu.vector_load %arg6[%get3A_579, %get3A_580] {strides = array<i32>} : memref<112x1024xf32, #tpu.memory_space<vmem>>, vector<1x16xf32>,
        %get3A_582 = vector.shape_cast %get3A_581 : vector<1x16xf32> to vector<16xf32>
        %mul3A_583 = arith.constant 3.200000e+01 : f32
        %mul3A_584 = vector.broadcast %mul3A_583 : f32 to vector<16xf32>
        %mul3A_585 = arith.mulf %get3A_582, %mul3A_584 : vector<16xf32>
        %swap3A_586 = arith.index_cast %add3A_104 : i32 to index
        %swap3A_587 = arith.constant 272 : index
        %swap3A_588 = tpu.vector_load %arg6[%swap3A_586, %swap3A_587] {strides = array<i32>} : memref<112x1024xf32, #tpu.memory_space<vmem>>, vector<1x16xf32>,
        %swap3A_589 = vector.shape_cast %swap3A_588 : vector<1x16xf32> to vector<16xf32>
        %swap3A_590 = vector.shape_cast %mul3A_585 : vector<16xf32> to vector<1x16xf32>
        tpu.vector_store %arg6[%swap3A_586, %swap3A_587], %swap3A_590 {strides = array<i32>} : memref<112x1024xf32, #tpu.memory_space<vmem>>, vector<1x16xf32>,
        %add3A_591 = arith.constant 1 : i32
        %add3A_592 = arith.addi %add3A_104, %add3A_591 : i32
        %get3A_593 = arith.index_cast %add3A_592 : i32 to index
        %get3A_594 = arith.constant 272 : index
        %get3A_595 = tpu.vector_load %arg6[%get3A_593, %get3A_594] {strides = array<i32>} : memref<112x1024xf32, #tpu.memory_space<vmem>>, vector<1x16xf32>,
        %get3A_596 = vector.shape_cast %get3A_595 : vector<1x16xf32> to vector<16xf32>
        %mul3A_597 = arith.constant 3.200000e+01 : f32
        %mul3A_598 = vector.broadcast %mul3A_597 : f32 to vector<16xf32>
        %mul3A_599 = arith.mulf %get3A_596, %mul3A_598 : vector<16xf32>
        %add3A_600 = arith.constant 1 : i32
        %add3A_601 = arith.addi %add3A_104, %add3A_600 : i32
        %swap3A_602 = arith.index_cast %add3A_601 : i32 to index
        %swap3A_603 = arith.constant 272 : index
        %swap3A_604 = tpu.vector_load %arg6[%swap3A_602, %swap3A_603] {strides = array<i32>} : memref<112x1024xf32, #tpu.memory_space<vmem>>, vector<1x16xf32>,
        %swap3A_605 = vector.shape_cast %swap3A_604 : vector<1x16xf32> to vector<16xf32>
        %swap3A_606 = vector.shape_cast %mul3A_599 : vector<16xf32> to vector<1x16xf32>
        tpu.vector_store %arg6[%swap3A_602, %swap3A_603], %swap3A_606 {strides = array<i32>} : memref<112x1024xf32, #tpu.memory_space<vmem>>, vector<1x16xf32>,
        %get3A_607 = arith.index_cast %add3A_104 : i32 to index
        %get3A_608 = arith.constant 288 : index
        %get3A_609 = tpu.vector_load %arg6[%get3A_607, %get3A_608] {strides = array<i32>} : memref<112x1024xf32, #tpu.memory_space<vmem>>, vector<1x16xf32>,
        %get3A_610 = vector.shape_cast %get3A_609 : vector<1x16xf32> to vector<16xf32>
        %mul3A_611 = arith.constant 3.200000e+01 : f32
        %mul3A_612 = vector.broadcast %mul3A_611 : f32 to vector<16xf32>
        %mul3A_613 = arith.mulf %get3A_610, %mul3A_612 : vector<16xf32>
        %swap3A_614 = arith.index_cast %add3A_104 : i32 to index
        %swap3A_615 = arith.constant 288 : index
        %swap3A_616 = tpu.vector_load %arg6[%swap3A_614, %swap3A_615] {strides = array<i32>} : memref<112x1024xf32, #tpu.memory_space<vmem>>, vector<1x16xf32>,
        %swap3A_617 = vector.shape_cast %swap3A_616 : vector<1x16xf32> to vector<16xf32>
        %swap3A_618 = vector.shape_cast %mul3A_613 : vector<16xf32> to vector<1x16xf32>
        tpu.vector_store %arg6[%swap3A_614, %swap3A_615], %swap3A_618 {strides = array<i32>} : memref<112x1024xf32, #tpu.memory_space<vmem>>, vector<1x16xf32>,
        %add3A_619 = arith.constant 1 : i32
        %add3A_620 = arith.addi %add3A_104, %add3A_619 : i32
        %get3A_621 = arith.index_cast %add3A_620 : i32 to index
        %get3A_622 = arith.constant 288 : index
        %get3A_623 = tpu.vector_load %arg6[%get3A_621, %get3A_622] {strides = array<i32>} : memref<112x1024xf32, #tpu.memory_space<vmem>>, vector<1x16xf32>,
        %get3A_624 = vector.shape_cast %get3A_623 : vector<1x16xf32> to vector<16xf32>
        %mul3A_625 = arith.constant 3.200000e+01 : f32
        %mul3A_626 = vector.broadcast %mul3A_625 : f32 to vector<16xf32>
        %mul3A_627 = arith.mulf %get3A_624, %mul3A_626 : vector<16xf32>
        %add3A_628 = arith.constant 1 : i32
        %add3A_629 = arith.addi %add3A_104, %add3A_628 : i32
        %swap3A_630 = arith.index_cast %add3A_629 : i32 to index
        %swap3A_631 = arith.constant 288 : index
        %swap3A_632 = tpu.vector_load %arg6[%swap3A_630, %swap3A_631] {strides = array<i32>} : memref<112x1024xf32, #tpu.memory_space<vmem>>, vector<1x16xf32>,
        %swap3A_633 = vector.shape_cast %swap3A_632 : vector<1x16xf32> to vector<16xf32>
        %swap3A_634 = vector.shape_cast %mul3A_627 : vector<16xf32> to vector<1x16xf32>
        tpu.vector_store %arg6[%swap3A_630, %swap3A_631], %swap3A_634 {strides = array<i32>} : memref<112x1024xf32, #tpu.memory_space<vmem>>, vector<1x16xf32>,
        %get3A_635 = arith.index_cast %add3A_104 : i32 to index
        %get3A_636 = arith.constant 304 : index
        %get3A_637 = tpu.vector_load %arg6[%get3A_635, %get3A_636] {strides = array<i32>} : memref<112x1024xf32, #tpu.memory_space<vmem>>, vector<1x16xf32>,
        %get3A_638 = vector.shape_cast %get3A_637 : vector<1x16xf32> to vector<16xf32>
        %mul3A_639 = arith.constant 3.200000e+01 : f32
        %mul3A_640 = vector.broadcast %mul3A_639 : f32 to vector<16xf32>
        %mul3A_641 = arith.mulf %get3A_638, %mul3A_640 : vector<16xf32>
        %swap3A_642 = arith.index_cast %add3A_104 : i32 to index
        %swap3A_643 = arith.constant 304 : index
        %swap3A_644 = tpu.vector_load %arg6[%swap3A_642, %swap3A_643] {strides = array<i32>} : memref<112x1024xf32, #tpu.memory_space<vmem>>, vector<1x16xf32>,
        %swap3A_645 = vector.shape_cast %swap3A_644 : vector<1x16xf32> to vector<16xf32>
        %swap3A_646 = vector.shape_cast %mul3A_641 : vector<16xf32> to vector<1x16xf32>
        tpu.vector_store %arg6[%swap3A_642, %swap3A_643], %swap3A_646 {strides = array<i32>} : memref<112x1024xf32, #tpu.memory_space<vmem>>, vector<1x16xf32>,
        %add3A_647 = arith.constant 1 : i32
        %add3A_648 = arith.addi %add3A_104, %add3A_647 : i32
        %get3A_649 = arith.index_cast %add3A_648 : i32 to index
        %get3A_650 = arith.constant 304 : index
        %get3A_651 = tpu.vector_load %arg6[%get3A_649, %get3A_650] {strides = array<i32>} : memref<112x1024xf32, #tpu.memory_space<vmem>>, vector<1x16xf32>,
        %get3A_652 = vector.shape_cast %get3A_651 : vector<1x16xf32> to vector<16xf32>
        %mul3A_653 = arith.constant 3.200000e+01 : f32
        %mul3A_654 = vector.broadcast %mul3A_653 : f32 to vector<16xf32>
        %mul3A_655 = arith.mulf %get3A_652, %mul3A_654 : vector<16xf32>
        %add3A_656 = arith.constant 1 : i32
        %add3A_657 = arith.addi %add3A_104, %add3A_656 : i32
        %swap3A_658 = arith.index_cast %add3A_657 : i32 to index
        %swap3A_659 = arith.constant 304 : index
        %swap3A_660 = tpu.vector_load %arg6[%swap3A_658, %swap3A_659] {strides = array<i32>} : memref<112x1024xf32, #tpu.memory_space<vmem>>, vector<1x16xf32>,
        %swap3A_661 = vector.shape_cast %swap3A_660 : vector<1x16xf32> to vector<16xf32>
        %swap3A_662 = vector.shape_cast %mul3A_655 : vector<16xf32> to vector<1x16xf32>
        tpu.vector_store %arg6[%swap3A_658, %swap3A_659], %swap3A_662 {strides = array<i32>} : memref<112x1024xf32, #tpu.memory_space<vmem>>, vector<1x16xf32>,
        %get3A_663 = arith.index_cast %add3A_104 : i32 to index
        %get3A_664 = arith.constant 320 : index
        %get3A_665 = tpu.vector_load %arg6[%get3A_663, %get3A_664] {strides = array<i32>} : memref<112x1024xf32, #tpu.memory_space<vmem>>, vector<1x16xf32>,
        %get3A_666 = vector.shape_cast %get3A_665 : vector<1x16xf32> to vector<16xf32>
        %mul3A_667 = arith.constant 3.200000e+01 : f32
        %mul3A_668 = vector.broadcast %mul3A_667 : f32 to vector<16xf32>
        %mul3A_669 = arith.mulf %get3A_666, %mul3A_668 : vector<16xf32>
        %swap3A_670 = arith.index_cast %add3A_104 : i32 to index
        %swap3A_671 = arith.constant 320 : index
        %swap3A_672 = tpu.vector_load %arg6[%swap3A_670, %swap3A_671] {strides = array<i32>} : memref<112x1024xf32, #tpu.memory_space<vmem>>, vector<1x16xf32>,
        %swap3A_673 = vector.shape_cast %swap3A_672 : vector<1x16xf32> to vector<16xf32>
        %swap3A_674 = vector.shape_cast %mul3A_669 : vector<16xf32> to vector<1x16xf32>
        tpu.vector_store %arg6[%swap3A_670, %swap3A_671], %swap3A_674 {strides = array<i32>} : memref<112x1024xf32, #tpu.memory_space<vmem>>, vector<1x16xf32>,
        %add3A_675 = arith.constant 1 : i32
        %add3A_676 = arith.addi %add3A_104, %add3A_675 : i32
        %get3A_677 = arith.index_cast %add3A_676 : i32 to index
        %get3A_678 = arith.constant 320 : index
        %get3A_679 = tpu.vector_load %arg6[%get3A_677, %get3A_678] {strides = array<i32>} : memref<112x1024xf32, #tpu.memory_space<vmem>>, vector<1x16xf32>,
        %get3A_680 = vector.shape_cast %get3A_679 : vector<1x16xf32> to vector<16xf32>
        %mul3A_681 = arith.constant 3.200000e+01 : f32
        %mul3A_682 = vector.broadcast %mul3A_681 : f32 to vector<16xf32>
        %mul3A_683 = arith.mulf %get3A_680, %mul3A_682 : vector<16xf32>
        %add3A_684 = arith.constant 1 : i32
        %add3A_685 = arith.addi %add3A_104, %add3A_684 : i32
        %swap3A_686 = arith.index_cast %add3A_685 : i32 to index
        %swap3A_687 = arith.constant 320 : index
        %swap3A_688 = tpu.vector_load %arg6[%swap3A_686, %swap3A_687] {strides = array<i32>} : memref<112x1024xf32, #tpu.memory_space<vmem>>, vector<1x16xf32>,
        %swap3A_689 = vector.shape_cast %swap3A_688 : vector<1x16xf32> to vector<16xf32>
        %swap3A_690 = vector.shape_cast %mul3A_683 : vector<16xf32> to vector<1x16xf32>
        tpu.vector_store %arg6[%swap3A_686, %swap3A_687], %swap3A_690 {strides = array<i32>} : memref<112x1024xf32, #tpu.memory_space<vmem>>, vector<1x16xf32>,
        %get3A_691 = arith.index_cast %add3A_104 : i32 to index
        %get3A_692 = arith.constant 336 : index
        %get3A_693 = tpu.vector_load %arg6[%get3A_691, %get3A_692] {strides = array<i32>} : memref<112x1024xf32, #tpu.memory_space<vmem>>, vector<1x16xf32>,
        %get3A_694 = vector.shape_cast %get3A_693 : vector<1x16xf32> to vector<16xf32>
        %mul3A_695 = arith.constant 3.200000e+01 : f32
        %mul3A_696 = vector.broadcast %mul3A_695 : f32 to vector<16xf32>
        %mul3A_697 = arith.mulf %get3A_694, %mul3A_696 : vector<16xf32>
        %swap3A_698 = arith.index_cast %add3A_104 : i32 to index
        %swap3A_699 = arith.constant 336 : index
        %swap3A_700 = tpu.vector_load %arg6[%swap3A_698, %swap3A_699] {strides = array<i32>} : memref<112x1024xf32, #tpu.memory_space<vmem>>, vector<1x16xf32>,
        %swap3A_701 = vector.shape_cast %swap3A_700 : vector<1x16xf32> to vector<16xf32>
        %swap3A_702 = vector.shape_cast %mul3A_697 : vector<16xf32> to vector<1x16xf32>
        tpu.vector_store %arg6[%swap3A_698, %swap3A_699], %swap3A_702 {strides = array<i32>} : memref<112x1024xf32, #tpu.memory_space<vmem>>, vector<1x16xf32>,
        %add3A_703 = arith.constant 1 : i32
        %add3A_704 = arith.addi %add3A_104, %add3A_703 : i32
        %get3A_705 = arith.index_cast %add3A_704 : i32 to index
        %get3A_706 = arith.constant 336 : index
        %get3A_707 = tpu.vector_load %arg6[%get3A_705, %get3A_706] {strides = array<i32>} : memref<112x1024xf32, #tpu.memory_space<vmem>>, vector<1x16xf32>,
        %get3A_708 = vector.shape_cast %get3A_707 : vector<1x16xf32> to vector<16xf32>
        %mul3A_709 = arith.constant 3.200000e+01 : f32
        %mul3A_710 = vector.broadcast %mul3A_709 : f32 to vector<16xf32>
        %mul3A_711 = arith.mulf %get3A_708, %mul3A_710 : vector<16xf32>
        %add3A_712 = arith.constant 1 : i32
        %add3A_713 = arith.addi %add3A_104, %add3A_712 : i32
        %swap3A_714 = arith.index_cast %add3A_713 : i32 to index
        %swap3A_715 = arith.constant 336 : index
        %swap3A_716 = tpu.vector_load %arg6[%swap3A_714, %swap3A_715] {strides = array<i32>} : memref<112x1024xf32, #tpu.memory_space<vmem>>, vector<1x16xf32>,
        %swap3A_717 = vector.shape_cast %swap3A_716 : vector<1x16xf32> to vector<16xf32>
        %swap3A_718 = vector.shape_cast %mul3A_711 : vector<16xf32> to vector<1x16xf32>
        tpu.vector_store %arg6[%swap3A_714, %swap3A_715], %swap3A_718 {strides = array<i32>} : memref<112x1024xf32, #tpu.memory_space<vmem>>, vector<1x16xf32>,
        %get3A_719 = arith.index_cast %add3A_104 : i32 to index
        %get3A_720 = arith.constant 352 : index
        %get3A_721 = tpu.vector_load %arg6[%get3A_719, %get3A_720] {strides = array<i32>} : memref<112x1024xf32, #tpu.memory_space<vmem>>, vector<1x16xf32>,
        %get3A_722 = vector.shape_cast %get3A_721 : vector<1x16xf32> to vector<16xf32>
        %mul3A_723 = arith.constant 3.200000e+01 : f32
        %mul3A_724 = vector.broadcast %mul3A_723 : f32 to vector<16xf32>
        %mul3A_725 = arith.mulf %get3A_722, %mul3A_724 : vector<16xf32>
        %swap3A_726 = arith.index_cast %add3A_104 : i32 to index
        %swap3A_727 = arith.constant 352 : index
        %swap3A_728 = tpu.vector_load %arg6[%swap3A_726, %swap3A_727] {strides = array<i32>} : memref<112x1024xf32, #tpu.memory_space<vmem>>, vector<1x16xf32>,
        %swap3A_729 = vector.shape_cast %swap3A_728 : vector<1x16xf32> to vector<16xf32>
        %swap3A_730 = vector.shape_cast %mul3A_725 : vector<16xf32> to vector<1x16xf32>
        tpu.vector_store %arg6[%swap3A_726, %swap3A_727], %swap3A_730 {strides = array<i32>} : memref<112x1024xf32, #tpu.memory_space<vmem>>, vector<1x16xf32>,
        %add3A_731 = arith.constant 1 : i32
        %add3A_732 = arith.addi %add3A_104, %add3A_731 : i32
        %get3A_733 = arith.index_cast %add3A_732 : i32 to index
        %get3A_734 = arith.constant 352 : index
        %get3A_735 = tpu.vector_load %arg6[%get3A_733, %get3A_734] {strides = array<i32>} : memref<112x1024xf32, #tpu.memory_space<vmem>>, vector<1x16xf32>,
        %get3A_736 = vector.shape_cast %get3A_735 : vector<1x16xf32> to vector<16xf32>
        %mul3A_737 = arith.constant 3.200000e+01 : f32
        %mul3A_738 = vector.broadcast %mul3A_737 : f32 to vector<16xf32>
        %mul3A_739 = arith.mulf %get3A_736, %mul3A_738 : vector<16xf32>
        %add3A_740 = arith.constant 1 : i32
        %add3A_741 = arith.addi %add3A_104, %add3A_740 : i32
        %swap3A_742 = arith.index_cast %add3A_741 : i32 to index
        %swap3A_743 = arith.constant 352 : index
        %swap3A_744 = tpu.vector_load %arg6[%swap3A_742, %swap3A_743] {strides = array<i32>} : memref<112x1024xf32, #tpu.memory_space<vmem>>, vector<1x16xf32>,
        %swap3A_745 = vector.shape_cast %swap3A_744 : vector<1x16xf32> to vector<16xf32>
        %swap3A_746 = vector.shape_cast %mul3A_739 : vector<16xf32> to vector<1x16xf32>
        tpu.vector_store %arg6[%swap3A_742, %swap3A_743], %swap3A_746 {strides = array<i32>} : memref<112x1024xf32, #tpu.memory_space<vmem>>, vector<1x16xf32>,
        %get3A_747 = arith.index_cast %add3A_104 : i32 to index
        %get3A_748 = arith.constant 368 : index
        %get3A_749 = tpu.vector_load %arg6[%get3A_747, %get3A_748] {strides = array<i32>} : memref<112x1024xf32, #tpu.memory_space<vmem>>, vector<1x16xf32>,
        %get3A_750 = vector.shape_cast %get3A_749 : vector<1x16xf32> to vector<16xf32>
        %mul3A_751 = arith.constant 3.200000e+01 : f32
        %mul3A_752 = vector.broadcast %mul3A_751 : f32 to vector<16xf32>
        %mul3A_753 = arith.mulf %get3A_750, %mul3A_752 : vector<16xf32>
        %swap3A_754 = arith.index_cast %add3A_104 : i32 to index
        %swap3A_755 = arith.constant 368 : index
        %swap3A_756 = tpu.vector_load %arg6[%swap3A_754, %swap3A_755] {strides = array<i32>} : memref<112x1024xf32, #tpu.memory_space<vmem>>, vector<1x16xf32>,
        %swap3A_757 = vector.shape_cast %swap3A_756 : vector<1x16xf32> to vector<16xf32>
        %swap3A_758 = vector.shape_cast %mul3A_753 : vector<16xf32> to vector<1x16xf32>
        tpu.vector_store %arg6[%swap3A_754, %swap3A_755], %swap3A_758 {strides = array<i32>} : memref<112x1024xf32, #tpu.memory_space<vmem>>, vector<1x16xf32>,
        %add3A_759 = arith.constant 1 : i32
        %add3A_760 = arith.addi %add3A_104, %add3A_759 : i32
        %get3A_761 = arith.index_cast %add3A_760 : i32 to index
        %get3A_762 = arith.constant 368 : index
        %get3A_763 = tpu.vector_load %arg6[%get3A_761, %get3A_762] {strides = array<i32>} : memref<112x1024xf32, #tpu.memory_space<vmem>>, vector<1x16xf32>,
        %get3A_764 = vector.shape_cast %get3A_763 : vector<1x16xf32> to vector<16xf32>
        %mul3A_765 = arith.constant 3.200000e+01 : f32
        %mul3A_766 = vector.broadcast %mul3A_765 : f32 to vector<16xf32>
        %mul3A_767 = arith.mulf %get3A_764, %mul3A_766 : vector<16xf32>
        %add3A_768 = arith.constant 1 : i32
        %add3A_769 = arith.addi %add3A_104, %add3A_768 : i32
        %swap3A_770 = arith.index_cast %add3A_769 : i32 to index
        %swap3A_771 = arith.constant 368 : index
        %swap3A_772 = tpu.vector_load %arg6[%swap3A_770, %swap3A_771] {strides = array<i32>} : memref<112x1024xf32, #tpu.memory_space<vmem>>, vector<1x16xf32>,
        %swap3A_773 = vector.shape_cast %swap3A_772 : vector<1x16xf32> to vector<16xf32>
        %swap3A_774 = vector.shape_cast %mul3A_767 : vector<16xf32> to vector<1x16xf32>
        tpu.vector_store %arg6[%swap3A_770, %swap3A_771], %swap3A_774 {strides = array<i32>} : memref<112x1024xf32, #tpu.memory_space<vmem>>, vector<1x16xf32>,
        %get3A_775 = arith.index_cast %add3A_104 : i32 to index
        %get3A_776 = arith.constant 384 : index
        %get3A_777 = tpu.vector_load %arg6[%get3A_775, %get3A_776] {strides = array<i32>} : memref<112x1024xf32, #tpu.memory_space<vmem>>, vector<1x16xf32>,
        %get3A_778 = vector.shape_cast %get3A_777 : vector<1x16xf32> to vector<16xf32>
        %mul3A_779 = arith.constant 3.200000e+01 : f32
        %mul3A_780 = vector.broadcast %mul3A_779 : f32 to vector<16xf32>
        %mul3A_781 = arith.mulf %get3A_778, %mul3A_780 : vector<16xf32>
        %swap3A_782 = arith.index_cast %add3A_104 : i32 to index
        %swap3A_783 = arith.constant 384 : index
        %swap3A_784 = tpu.vector_load %arg6[%swap3A_782, %swap3A_783] {strides = array<i32>} : memref<112x1024xf32, #tpu.memory_space<vmem>>, vector<1x16xf32>,
        %swap3A_785 = vector.shape_cast %swap3A_784 : vector<1x16xf32> to vector<16xf32>
        %swap3A_786 = vector.shape_cast %mul3A_781 : vector<16xf32> to vector<1x16xf32>
        tpu.vector_store %arg6[%swap3A_782, %swap3A_783], %swap3A_786 {strides = array<i32>} : memref<112x1024xf32, #tpu.memory_space<vmem>>, vector<1x16xf32>,
        %add3A_787 = arith.constant 1 : i32
        %add3A_788 = arith.addi %add3A_104, %add3A_787 : i32
        %get3A_789 = arith.index_cast %add3A_788 : i32 to index
        %get3A_790 = arith.constant 384 : index
        %get3A_791 = tpu.vector_load %arg6[%get3A_789, %get3A_790] {strides = array<i32>} : memref<112x1024xf32, #tpu.memory_space<vmem>>, vector<1x16xf32>,
        %get3A_792 = vector.shape_cast %get3A_791 : vector<1x16xf32> to vector<16xf32>
        %mul3A_793 = arith.constant 3.200000e+01 : f32
        %mul3A_794 = vector.broadcast %mul3A_793 : f32 to vector<16xf32>
        %mul3A_795 = arith.mulf %get3A_792, %mul3A_794 : vector<16xf32>
        %add3A_796 = arith.constant 1 : i32
        %add3A_797 = arith.addi %add3A_104, %add3A_796 : i32
        %swap3A_798 = arith.index_cast %add3A_797 : i32 to index
        %swap3A_799 = arith.constant 384 : index
        %swap3A_800 = tpu.vector_load %arg6[%swap3A_798, %swap3A_799] {strides = array<i32>} : memref<112x1024xf32, #tpu.memory_space<vmem>>, vector<1x16xf32>,
        %swap3A_801 = vector.shape_cast %swap3A_800 : vector<1x16xf32> to vector<16xf32>
        %swap3A_802 = vector.shape_cast %mul3A_795 : vector<16xf32> to vector<1x16xf32>
        tpu.vector_store %arg6[%swap3A_798, %swap3A_799], %swap3A_802 {strides = array<i32>} : memref<112x1024xf32, #tpu.memory_space<vmem>>, vector<1x16xf32>,
        %get3A_803 = arith.index_cast %add3A_104 : i32 to index
        %get3A_804 = arith.constant 400 : index
        %get3A_805 = tpu.vector_load %arg6[%get3A_803, %get3A_804] {strides = array<i32>} : memref<112x1024xf32, #tpu.memory_space<vmem>>, vector<1x16xf32>,
        %get3A_806 = vector.shape_cast %get3A_805 : vector<1x16xf32> to vector<16xf32>
        %mul3A_807 = arith.constant 3.200000e+01 : f32
        %mul3A_808 = vector.broadcast %mul3A_807 : f32 to vector<16xf32>
        %mul3A_809 = arith.mulf %get3A_806, %mul3A_808 : vector<16xf32>
        %swap3A_810 = arith.index_cast %add3A_104 : i32 to index
        %swap3A_811 = arith.constant 400 : index
        %swap3A_812 = tpu.vector_load %arg6[%swap3A_810, %swap3A_811] {strides = array<i32>} : memref<112x1024xf32, #tpu.memory_space<vmem>>, vector<1x16xf32>,
        %swap3A_813 = vector.shape_cast %swap3A_812 : vector<1x16xf32> to vector<16xf32>
        %swap3A_814 = vector.shape_cast %mul3A_809 : vector<16xf32> to vector<1x16xf32>
        tpu.vector_store %arg6[%swap3A_810, %swap3A_811], %swap3A_814 {strides = array<i32>} : memref<112x1024xf32, #tpu.memory_space<vmem>>, vector<1x16xf32>,
        %add3A_815 = arith.constant 1 : i32
        %add3A_816 = arith.addi %add3A_104, %add3A_815 : i32
        %get3A_817 = arith.index_cast %add3A_816 : i32 to index
        %get3A_818 = arith.constant 400 : index
        %get3A_819 = tpu.vector_load %arg6[%get3A_817, %get3A_818] {strides = array<i32>} : memref<112x1024xf32, #tpu.memory_space<vmem>>, vector<1x16xf32>,
        %get3A_820 = vector.shape_cast %get3A_819 : vector<1x16xf32> to vector<16xf32>
        %mul3A_821 = arith.constant 3.200000e+01 : f32
        %mul3A_822 = vector.broadcast %mul3A_821 : f32 to vector<16xf32>
        %mul3A_823 = arith.mulf %get3A_820, %mul3A_822 : vector<16xf32>
        %add3A_824 = arith.constant 1 : i32
        %add3A_825 = arith.addi %add3A_104, %add3A_824 : i32
        %swap3A_826 = arith.index_cast %add3A_825 : i32 to index
        %swap3A_827 = arith.constant 400 : index
        %swap3A_828 = tpu.vector_load %arg6[%swap3A_826, %swap3A_827] {strides = array<i32>} : memref<112x1024xf32, #tpu.memory_space<vmem>>, vector<1x16xf32>,
        %swap3A_829 = vector.shape_cast %swap3A_828 : vector<1x16xf32> to vector<16xf32>
        %swap3A_830 = vector.shape_cast %mul3A_823 : vector<16xf32> to vector<1x16xf32>
        tpu.vector_store %arg6[%swap3A_826, %swap3A_827], %swap3A_830 {strides = array<i32>} : memref<112x1024xf32, #tpu.memory_space<vmem>>, vector<1x16xf32>,
        %get3A_831 = arith.index_cast %add3A_104 : i32 to index
        %get3A_832 = arith.constant 416 : index
        %get3A_833 = tpu.vector_load %arg6[%get3A_831, %get3A_832] {strides = array<i32>} : memref<112x1024xf32, #tpu.memory_space<vmem>>, vector<1x16xf32>,
        %get3A_834 = vector.shape_cast %get3A_833 : vector<1x16xf32> to vector<16xf32>
        %mul3A_835 = arith.constant 3.200000e+01 : f32
        %mul3A_836 = vector.broadcast %mul3A_835 : f32 to vector<16xf32>
        %mul3A_837 = arith.mulf %get3A_834, %mul3A_836 : vector<16xf32>
        %swap3A_838 = arith.index_cast %add3A_104 : i32 to index
        %swap3A_839 = arith.constant 416 : index
        %swap3A_840 = tpu.vector_load %arg6[%swap3A_838, %swap3A_839] {strides = array<i32>} : memref<112x1024xf32, #tpu.memory_space<vmem>>, vector<1x16xf32>,
        %swap3A_841 = vector.shape_cast %swap3A_840 : vector<1x16xf32> to vector<16xf32>
        %swap3A_842 = vector.shape_cast %mul3A_837 : vector<16xf32> to vector<1x16xf32>
        tpu.vector_store %arg6[%swap3A_838, %swap3A_839], %swap3A_842 {strides = array<i32>} : memref<112x1024xf32, #tpu.memory_space<vmem>>, vector<1x16xf32>,
        %add3A_843 = arith.constant 1 : i32
        %add3A_844 = arith.addi %add3A_104, %add3A_843 : i32
        %get3A_845 = arith.index_cast %add3A_844 : i32 to index
        %get3A_846 = arith.constant 416 : index
        %get3A_847 = tpu.vector_load %arg6[%get3A_845, %get3A_846] {strides = array<i32>} : memref<112x1024xf32, #tpu.memory_space<vmem>>, vector<1x16xf32>,
        %get3A_848 = vector.shape_cast %get3A_847 : vector<1x16xf32> to vector<16xf32>
        %mul3A_849 = arith.constant 3.200000e+01 : f32
        %mul3A_850 = vector.broadcast %mul3A_849 : f32 to vector<16xf32>
        %mul3A_851 = arith.mulf %get3A_848, %mul3A_850 : vector<16xf32>
        %add3A_852 = arith.constant 1 : i32
        %add3A_853 = arith.addi %add3A_104, %add3A_852 : i32
        %swap3A_854 = arith.index_cast %add3A_853 : i32 to index
        %swap3A_855 = arith.constant 416 : index
        %swap3A_856 = tpu.vector_load %arg6[%swap3A_854, %swap3A_855] {strides = array<i32>} : memref<112x1024xf32, #tpu.memory_space<vmem>>, vector<1x16xf32>,
        %swap3A_857 = vector.shape_cast %swap3A_856 : vector<1x16xf32> to vector<16xf32>
        %swap3A_858 = vector.shape_cast %mul3A_851 : vector<16xf32> to vector<1x16xf32>
        tpu.vector_store %arg6[%swap3A_854, %swap3A_855], %swap3A_858 {strides = array<i32>} : memref<112x1024xf32, #tpu.memory_space<vmem>>, vector<1x16xf32>,
        %get3A_859 = arith.index_cast %add3A_104 : i32 to index
        %get3A_860 = arith.constant 432 : index
        %get3A_861 = tpu.vector_load %arg6[%get3A_859, %get3A_860] {strides = array<i32>} : memref<112x1024xf32, #tpu.memory_space<vmem>>, vector<1x16xf32>,
        %get3A_862 = vector.shape_cast %get3A_861 : vector<1x16xf32> to vector<16xf32>
        %mul3A_863 = arith.constant 3.200000e+01 : f32
        %mul3A_864 = vector.broadcast %mul3A_863 : f32 to vector<16xf32>
        %mul3A_865 = arith.mulf %get3A_862, %mul3A_864 : vector<16xf32>
        %swap3A_866 = arith.index_cast %add3A_104 : i32 to index
        %swap3A_867 = arith.constant 432 : index
        %swap3A_868 = tpu.vector_load %arg6[%swap3A_866, %swap3A_867] {strides = array<i32>} : memref<112x1024xf32, #tpu.memory_space<vmem>>, vector<1x16xf32>,
        %swap3A_869 = vector.shape_cast %swap3A_868 : vector<1x16xf32> to vector<16xf32>
        %swap3A_870 = vector.shape_cast %mul3A_865 : vector<16xf32> to vector<1x16xf32>
        tpu.vector_store %arg6[%swap3A_866, %swap3A_867], %swap3A_870 {strides = array<i32>} : memref<112x1024xf32, #tpu.memory_space<vmem>>, vector<1x16xf32>,
        %add3A_871 = arith.constant 1 : i32
        %add3A_872 = arith.addi %add3A_104, %add3A_871 : i32
        %get3A_873 = arith.index_cast %add3A_872 : i32 to index
        %get3A_874 = arith.constant 432 : index
        %get3A_875 = tpu.vector_load %arg6[%get3A_873, %get3A_874] {strides = array<i32>} : memref<112x1024xf32, #tpu.memory_space<vmem>>, vector<1x16xf32>,
        %get3A_876 = vector.shape_cast %get3A_875 : vector<1x16xf32> to vector<16xf32>
        %mul3A_877 = arith.constant 3.200000e+01 : f32
        %mul3A_878 = vector.broadcast %mul3A_877 : f32 to vector<16xf32>
        %mul3A_879 = arith.mulf %get3A_876, %mul3A_878 : vector<16xf32>
        %add3A_880 = arith.constant 1 : i32
        %add3A_881 = arith.addi %add3A_104, %add3A_880 : i32
        %swap3A_882 = arith.index_cast %add3A_881 : i32 to index
        %swap3A_883 = arith.constant 432 : index
        %swap3A_884 = tpu.vector_load %arg6[%swap3A_882, %swap3A_883] {strides = array<i32>} : memref<112x1024xf32, #tpu.memory_space<vmem>>, vector<1x16xf32>,
        %swap3A_885 = vector.shape_cast %swap3A_884 : vector<1x16xf32> to vector<16xf32>
        %swap3A_886 = vector.shape_cast %mul3A_879 : vector<16xf32> to vector<1x16xf32>
        tpu.vector_store %arg6[%swap3A_882, %swap3A_883], %swap3A_886 {strides = array<i32>} : memref<112x1024xf32, #tpu.memory_space<vmem>>, vector<1x16xf32>,
        %get3A_887 = arith.index_cast %add3A_104 : i32 to index
        %get3A_888 = arith.constant 448 : index
        %get3A_889 = tpu.vector_load %arg6[%get3A_887, %get3A_888] {strides = array<i32>} : memref<112x1024xf32, #tpu.memory_space<vmem>>, vector<1x16xf32>,
        %get3A_890 = vector.shape_cast %get3A_889 : vector<1x16xf32> to vector<16xf32>
        %mul3A_891 = arith.constant 3.200000e+01 : f32
        %mul3A_892 = vector.broadcast %mul3A_891 : f32 to vector<16xf32>
        %mul3A_893 = arith.mulf %get3A_890, %mul3A_892 : vector<16xf32>
        %swap3A_894 = arith.index_cast %add3A_104 : i32 to index
        %swap3A_895 = arith.constant 448 : index
        %swap3A_896 = tpu.vector_load %arg6[%swap3A_894, %swap3A_895] {strides = array<i32>} : memref<112x1024xf32, #tpu.memory_space<vmem>>, vector<1x16xf32>,
        %swap3A_897 = vector.shape_cast %swap3A_896 : vector<1x16xf32> to vector<16xf32>
        %swap3A_898 = vector.shape_cast %mul3A_893 : vector<16xf32> to vector<1x16xf32>
        tpu.vector_store %arg6[%swap3A_894, %swap3A_895], %swap3A_898 {strides = array<i32>} : memref<112x1024xf32, #tpu.memory_space<vmem>>, vector<1x16xf32>,
        %add3A_899 = arith.constant 1 : i32
        %add3A_900 = arith.addi %add3A_104, %add3A_899 : i32
        %get3A_901 = arith.index_cast %add3A_900 : i32 to index
        %get3A_902 = arith.constant 448 : index
        %get3A_903 = tpu.vector_load %arg6[%get3A_901, %get3A_902] {strides = array<i32>} : memref<112x1024xf32, #tpu.memory_space<vmem>>, vector<1x16xf32>,
        %get3A_904 = vector.shape_cast %get3A_903 : vector<1x16xf32> to vector<16xf32>
        %mul3A_905 = arith.constant 3.200000e+01 : f32
        %mul3A_906 = vector.broadcast %mul3A_905 : f32 to vector<16xf32>
        %mul3A_907 = arith.mulf %get3A_904, %mul3A_906 : vector<16xf32>
        %add3A_908 = arith.constant 1 : i32
        %add3A_909 = arith.addi %add3A_104, %add3A_908 : i32
        %swap3A_910 = arith.index_cast %add3A_909 : i32 to index
        %swap3A_911 = arith.constant 448 : index
        %swap3A_912 = tpu.vector_load %arg6[%swap3A_910, %swap3A_911] {strides = array<i32>} : memref<112x1024xf32, #tpu.memory_space<vmem>>, vector<1x16xf32>,
        %swap3A_913 = vector.shape_cast %swap3A_912 : vector<1x16xf32> to vector<16xf32>
        %swap3A_914 = vector.shape_cast %mul3A_907 : vector<16xf32> to vector<1x16xf32>
        tpu.vector_store %arg6[%swap3A_910, %swap3A_911], %swap3A_914 {strides = array<i32>} : memref<112x1024xf32, #tpu.memory_space<vmem>>, vector<1x16xf32>,
        %get3A_915 = arith.index_cast %add3A_104 : i32 to index
        %get3A_916 = arith.constant 464 : index
        %get3A_917 = tpu.vector_load %arg6[%get3A_915, %get3A_916] {strides = array<i32>} : memref<112x1024xf32, #tpu.memory_space<vmem>>, vector<1x16xf32>,
        %get3A_918 = vector.shape_cast %get3A_917 : vector<1x16xf32> to vector<16xf32>
        %mul3A_919 = arith.constant 3.200000e+01 : f32
        %mul3A_920 = vector.broadcast %mul3A_919 : f32 to vector<16xf32>
        %mul3A_921 = arith.mulf %get3A_918, %mul3A_920 : vector<16xf32>
        %swap3A_922 = arith.index_cast %add3A_104 : i32 to index
        %swap3A_923 = arith.constant 464 : index
        %swap3A_924 = tpu.vector_load %arg6[%swap3A_922, %swap3A_923] {strides = array<i32>} : memref<112x1024xf32, #tpu.memory_space<vmem>>, vector<1x16xf32>,
        %swap3A_925 = vector.shape_cast %swap3A_924 : vector<1x16xf32> to vector<16xf32>
        %swap3A_926 = vector.shape_cast %mul3A_921 : vector<16xf32> to vector<1x16xf32>
        tpu.vector_store %arg6[%swap3A_922, %swap3A_923], %swap3A_926 {strides = array<i32>} : memref<112x1024xf32, #tpu.memory_space<vmem>>, vector<1x16xf32>,
        %add3A_927 = arith.constant 1 : i32
        %add3A_928 = arith.addi %add3A_104, %add3A_927 : i32
        %get3A_929 = arith.index_cast %add3A_928 : i32 to index
        %get3A_930 = arith.constant 464 : index
        %get3A_931 = tpu.vector_load %arg6[%get3A_929, %get3A_930] {strides = array<i32>} : memref<112x1024xf32, #tpu.memory_space<vmem>>, vector<1x16xf32>,
        %get3A_932 = vector.shape_cast %get3A_931 : vector<1x16xf32> to vector<16xf32>
        %mul3A_933 = arith.constant 3.200000e+01 : f32
        %mul3A_934 = vector.broadcast %mul3A_933 : f32 to vector<16xf32>
        %mul3A_935 = arith.mulf %get3A_932, %mul3A_934 : vector<16xf32>
        %add3A_936 = arith.constant 1 : i32
        %add3A_937 = arith.addi %add3A_104, %add3A_936 : i32
        %swap3A_938 = arith.index_cast %add3A_937 : i32 to index
        %swap3A_939 = arith.constant 464 : index
        %swap3A_940 = tpu.vector_load %arg6[%swap3A_938, %swap3A_939] {strides = array<i32>} : memref<112x1024xf32, #tpu.memory_space<vmem>>, vector<1x16xf32>,
        %swap3A_941 = vector.shape_cast %swap3A_940 : vector<1x16xf32> to vector<16xf32>
        %swap3A_942 = vector.shape_cast %mul3A_935 : vector<16xf32> to vector<1x16xf32>
        tpu.vector_store %arg6[%swap3A_938, %swap3A_939], %swap3A_942 {strides = array<i32>} : memref<112x1024xf32, #tpu.memory_space<vmem>>, vector<1x16xf32>,
        %get3A_943 = arith.index_cast %add3A_104 : i32 to index
        %get3A_944 = arith.constant 480 : index
        %get3A_945 = tpu.vector_load %arg6[%get3A_943, %get3A_944] {strides = array<i32>} : memref<112x1024xf32, #tpu.memory_space<vmem>>, vector<1x16xf32>,
        %get3A_946 = vector.shape_cast %get3A_945 : vector<1x16xf32> to vector<16xf32>
        %mul3A_947 = arith.constant 3.200000e+01 : f32
        %mul3A_948 = vector.broadcast %mul3A_947 : f32 to vector<16xf32>
        %mul3A_949 = arith.mulf %get3A_946, %mul3A_948 : vector<16xf32>
        %swap3A_950 = arith.index_cast %add3A_104 : i32 to index
        %swap3A_951 = arith.constant 480 : index
        %swap3A_952 = tpu.vector_load %arg6[%swap3A_950, %swap3A_951] {strides = array<i32>} : memref<112x1024xf32, #tpu.memory_space<vmem>>, vector<1x16xf32>,
        %swap3A_953 = vector.shape_cast %swap3A_952 : vector<1x16xf32> to vector<16xf32>
        %swap3A_954 = vector.shape_cast %mul3A_949 : vector<16xf32> to vector<1x16xf32>
        tpu.vector_store %arg6[%swap3A_950, %swap3A_951], %swap3A_954 {strides = array<i32>} : memref<112x1024xf32, #tpu.memory_space<vmem>>, vector<1x16xf32>,
        %add3A_955 = arith.constant 1 : i32
        %add3A_956 = arith.addi %add3A_104, %add3A_955 : i32
        %get3A_957 = arith.index_cast %add3A_956 : i32 to index
        %get3A_958 = arith.constant 480 : index
        %get3A_959 = tpu.vector_load %arg6[%get3A_957, %get3A_958] {strides = array<i32>} : memref<112x1024xf32, #tpu.memory_space<vmem>>, vector<1x16xf32>,
        %get3A_960 = vector.shape_cast %get3A_959 : vector<1x16xf32> to vector<16xf32>
        %mul3A_961 = arith.constant 3.200000e+01 : f32
        %mul3A_962 = vector.broadcast %mul3A_961 : f32 to vector<16xf32>
        %mul3A_963 = arith.mulf %get3A_960, %mul3A_962 : vector<16xf32>
        %add3A_964 = arith.constant 1 : i32
        %add3A_965 = arith.addi %add3A_104, %add3A_964 : i32
        %swap3A_966 = arith.index_cast %add3A_965 : i32 to index
        %swap3A_967 = arith.constant 480 : index
        %swap3A_968 = tpu.vector_load %arg6[%swap3A_966, %swap3A_967] {strides = array<i32>} : memref<112x1024xf32, #tpu.memory_space<vmem>>, vector<1x16xf32>,
        %swap3A_969 = vector.shape_cast %swap3A_968 : vector<1x16xf32> to vector<16xf32>
        %swap3A_970 = vector.shape_cast %mul3A_963 : vector<16xf32> to vector<1x16xf32>
        tpu.vector_store %arg6[%swap3A_966, %swap3A_967], %swap3A_970 {strides = array<i32>} : memref<112x1024xf32, #tpu.memory_space<vmem>>, vector<1x16xf32>,
        %get3A_971 = arith.index_cast %add3A_104 : i32 to index
        %get3A_972 = arith.constant 496 : index
        %get3A_973 = tpu.vector_load %arg6[%get3A_971, %get3A_972] {strides = array<i32>} : memref<112x1024xf32, #tpu.memory_space<vmem>>, vector<1x16xf32>,
        %get3A_974 = vector.shape_cast %get3A_973 : vector<1x16xf32> to vector<16xf32>
        %mul3A_975 = arith.constant 3.200000e+01 : f32
        %mul3A_976 = vector.broadcast %mul3A_975 : f32 to vector<16xf32>
        %mul3A_977 = arith.mulf %get3A_974, %mul3A_976 : vector<16xf32>
        %swap3A_978 = arith.index_cast %add3A_104 : i32 to index
        %swap3A_979 = arith.constant 496 : index
        %swap3A_980 = tpu.vector_load %arg6[%swap3A_978, %swap3A_979] {strides = array<i32>} : memref<112x1024xf32, #tpu.memory_space<vmem>>, vector<1x16xf32>,
        %swap3A_981 = vector.shape_cast %swap3A_980 : vector<1x16xf32> to vector<16xf32>
        %swap3A_982 = vector.shape_cast %mul3A_977 : vector<16xf32> to vector<1x16xf32>
        tpu.vector_store %arg6[%swap3A_978, %swap3A_979], %swap3A_982 {strides = array<i32>} : memref<112x1024xf32, #tpu.memory_space<vmem>>, vector<1x16xf32>,
        %add3A_983 = arith.constant 1 : i32
        %add3A_984 = arith.addi %add3A_104, %add3A_983 : i32
        %get3A_985 = arith.index_cast %add3A_984 : i32 to index
        %get3A_986 = arith.constant 496 : index
        %get3A_987 = tpu.vector_load %arg6[%get3A_985, %get3A_986] {strides = array<i32>} : memref<112x1024xf32, #tpu.memory_space<vmem>>, vector<1x16xf32>,
        %get3A_988 = vector.shape_cast %get3A_987 : vector<1x16xf32> to vector<16xf32>
        %mul3A_989 = arith.constant 3.200000e+01 : f32
        %mul3A_990 = vector.broadcast %mul3A_989 : f32 to vector<16xf32>
        %mul3A_991 = arith.mulf %get3A_988, %mul3A_990 : vector<16xf32>
        %add3A_992 = arith.constant 1 : i32
        %add3A_993 = arith.addi %add3A_104, %add3A_992 : i32
        %swap3A_994 = arith.index_cast %add3A_993 : i32 to index
        %swap3A_995 = arith.constant 496 : index
        %swap3A_996 = tpu.vector_load %arg6[%swap3A_994, %swap3A_995] {strides = array<i32>} : memref<112x1024xf32, #tpu.memory_space<vmem>>, vector<1x16xf32>,
        %swap3A_997 = vector.shape_cast %swap3A_996 : vector<1x16xf32> to vector<16xf32>
        %swap3A_998 = vector.shape_cast %mul3A_991 : vector<16xf32> to vector<1x16xf32>
        tpu.vector_store %arg6[%swap3A_994, %swap3A_995], %swap3A_998 {strides = array<i32>} : memref<112x1024xf32, #tpu.memory_space<vmem>>, vector<1x16xf32>,
        %get3A_999 = arith.index_cast %add3A_104 : i32 to index
        %get3A_1000 = arith.constant 512 : index
        %get3A_1001 = tpu.vector_load %arg6[%get3A_999, %get3A_1000] {strides = array<i32>} : memref<112x1024xf32, #tpu.memory_space<vmem>>, vector<1x16xf32>,
        %get3A_1002 = vector.shape_cast %get3A_1001 : vector<1x16xf32> to vector<16xf32>
        %mul3A_1003 = arith.constant 3.200000e+01 : f32
        %mul3A_1004 = vector.broadcast %mul3A_1003 : f32 to vector<16xf32>
        %mul3A_1005 = arith.mulf %get3A_1002, %mul3A_1004 : vector<16xf32>
        %swap3A_1006 = arith.index_cast %add3A_104 : i32 to index
        %swap3A_1007 = arith.constant 512 : index
        %swap3A_1008 = tpu.vector_load %arg6[%swap3A_1006, %swap3A_1007] {strides = array<i32>} : memref<112x1024xf32, #tpu.memory_space<vmem>>, vector<1x16xf32>,
        %swap3A_1009 = vector.shape_cast %swap3A_1008 : vector<1x16xf32> to vector<16xf32>
        %swap3A_1010 = vector.shape_cast %mul3A_1005 : vector<16xf32> to vector<1x16xf32>
        tpu.vector_store %arg6[%swap3A_1006, %swap3A_1007], %swap3A_1010 {strides = array<i32>} : memref<112x1024xf32, #tpu.memory_space<vmem>>, vector<1x16xf32>,
        %add3A_1011 = arith.constant 1 : i32
        %add3A_1012 = arith.addi %add3A_104, %add3A_1011 : i32
        %get3A_1013 = arith.index_cast %add3A_1012 : i32 to index
        %get3A_1014 = arith.constant 512 : index
        %get3A_1015 = tpu.vector_load %arg6[%get3A_1013, %get3A_1014] {strides = array<i32>} : memref<112x1024xf32, #tpu.memory_space<vmem>>, vector<1x16xf32>,
        %get3A_1016 = vector.shape_cast %get3A_1015 : vector<1x16xf32> to vector<16xf32>
        %mul3A_1017 = arith.constant 3.200000e+01 : f32
        %mul3A_1018 = vector.broadcast %mul3A_1017 : f32 to vector<16xf32>
        %mul3A_1019 = arith.mulf %get3A_1016, %mul3A_1018 : vector<16xf32>
        %add3A_1020 = arith.constant 1 : i32
        %add3A_1021 = arith.addi %add3A_104, %add3A_1020 : i32
        %swap3A_1022 = arith.index_cast %add3A_1021 : i32 to index
        %swap3A_1023 = arith.constant 512 : index
        %swap3A_1024 = tpu.vector_load %arg6[%swap3A_1022, %swap3A_1023] {strides = array<i32>} : memref<112x1024xf32, #tpu.memory_space<vmem>>, vector<1x16xf32>,
        %swap3A_1025 = vector.shape_cast %swap3A_1024 : vector<1x16xf32> to vector<16xf32>
        %swap3A_1026 = vector.shape_cast %mul3A_1019 : vector<16xf32> to vector<1x16xf32>
        tpu.vector_store %arg6[%swap3A_1022, %swap3A_1023], %swap3A_1026 {strides = array<i32>} : memref<112x1024xf32, #tpu.memory_space<vmem>>, vector<1x16xf32>,
        %get3A_1027 = arith.index_cast %add3A_104 : i32 to index
        %get3A_1028 = arith.constant 528 : index
        %get3A_1029 = tpu.vector_load %arg6[%get3A_1027, %get3A_1028] {strides = array<i32>} : memref<112x1024xf32, #tpu.memory_space<vmem>>, vector<1x16xf32>,
        %get3A_1030 = vector.shape_cast %get3A_1029 : vector<1x16xf32> to vector<16xf32>
        %mul3A_1031 = arith.constant 3.200000e+01 : f32
        %mul3A_1032 = vector.broadcast %mul3A_1031 : f32 to vector<16xf32>
        %mul3A_1033 = arith.mulf %get3A_1030, %mul3A_1032 : vector<16xf32>
        %swap3A_1034 = arith.index_cast %add3A_104 : i32 to index
        %swap3A_1035 = arith.constant 528 : index
        %swap3A_1036 = tpu.vector_load %arg6[%swap3A_1034, %swap3A_1035] {strides = array<i32>} : memref<112x1024xf32, #tpu.memory_space<vmem>>, vector<1x16xf32>,
        %swap3A_1037 = vector.shape_cast %swap3A_1036 : vector<1x16xf32> to vector<16xf32>
        %swap3A_1038 = vector.shape_cast %mul3A_1033 : vector<16xf32> to vector<1x16xf32>
        tpu.vector_store %arg6[%swap3A_1034, %swap3A_1035], %swap3A_1038 {strides = array<i32>} : memref<112x1024xf32, #tpu.memory_space<vmem>>, vector<1x16xf32>,
        %add3A_1039 = arith.constant 1 : i32
        %add3A_1040 = arith.addi %add3A_104, %add3A_1039 : i32
        %get3A_1041 = arith.index_cast %add3A_1040 : i32 to index
        %get3A_1042 = arith.constant 528 : index
        %get3A_1043 = tpu.vector_load %arg6[%get3A_1041, %get3A_1042] {strides = array<i32>} : memref<112x1024xf32, #tpu.memory_space<vmem>>, vector<1x16xf32>,
        %get3A_1044 = vector.shape_cast %get3A_1043 : vector<1x16xf32> to vector<16xf32>
        %mul3A_1045 = arith.constant 3.200000e+01 : f32
        %mul3A_1046 = vector.broadcast %mul3A_1045 : f32 to vector<16xf32>
        %mul3A_1047 = arith.mulf %get3A_1044, %mul3A_1046 : vector<16xf32>
        %add3A_1048 = arith.constant 1 : i32
        %add3A_1049 = arith.addi %add3A_104, %add3A_1048 : i32
        %swap3A_1050 = arith.index_cast %add3A_1049 : i32 to index
        %swap3A_1051 = arith.constant 528 : index
        %swap3A_1052 = tpu.vector_load %arg6[%swap3A_1050, %swap3A_1051] {strides = array<i32>} : memref<112x1024xf32, #tpu.memory_space<vmem>>, vector<1x16xf32>,
        %swap3A_1053 = vector.shape_cast %swap3A_1052 : vector<1x16xf32> to vector<16xf32>
        %swap3A_1054 = vector.shape_cast %mul3A_1047 : vector<16xf32> to vector<1x16xf32>
        tpu.vector_store %arg6[%swap3A_1050, %swap3A_1051], %swap3A_1054 {strides = array<i32>} : memref<112x1024xf32, #tpu.memory_space<vmem>>, vector<1x16xf32>,
        %get3A_1055 = arith.index_cast %add3A_104 : i32 to index
        %get3A_1056 = arith.constant 544 : index
        %get3A_1057 = tpu.vector_load %arg6[%get3A_1055, %get3A_1056] {strides = array<i32>} : memref<112x1024xf32, #tpu.memory_space<vmem>>, vector<1x16xf32>,
        %get3A_1058 = vector.shape_cast %get3A_1057 : vector<1x16xf32> to vector<16xf32>
        %mul3A_1059 = arith.constant 3.200000e+01 : f32
        %mul3A_1060 = vector.broadcast %mul3A_1059 : f32 to vector<16xf32>
        %mul3A_1061 = arith.mulf %get3A_1058, %mul3A_1060 : vector<16xf32>
        %swap3A_1062 = arith.index_cast %add3A_104 : i32 to index
        %swap3A_1063 = arith.constant 544 : index
        %swap3A_1064 = tpu.vector_load %arg6[%swap3A_1062, %swap3A_1063] {strides = array<i32>} : memref<112x1024xf32, #tpu.memory_space<vmem>>, vector<1x16xf32>,
        %swap3A_1065 = vector.shape_cast %swap3A_1064 : vector<1x16xf32> to vector<16xf32>
        %swap3A_1066 = vector.shape_cast %mul3A_1061 : vector<16xf32> to vector<1x16xf32>
        tpu.vector_store %arg6[%swap3A_1062, %swap3A_1063], %swap3A_1066 {strides = array<i32>} : memref<112x1024xf32, #tpu.memory_space<vmem>>, vector<1x16xf32>,
        %add3A_1067 = arith.constant 1 : i32
        %add3A_1068 = arith.addi %add3A_104, %add3A_1067 : i32
        %get3A_1069 = arith.index_cast %add3A_1068 : i32 to index
        %get3A_1070 = arith.constant 544 : index
        %get3A_1071 = tpu.vector_load %arg6[%get3A_1069, %get3A_1070] {strides = array<i32>} : memref<112x1024xf32, #tpu.memory_space<vmem>>, vector<1x16xf32>,
        %get3A_1072 = vector.shape_cast %get3A_1071 : vector<1x16xf32> to vector<16xf32>
        %mul3A_1073 = arith.constant 3.200000e+01 : f32
        %mul3A_1074 = vector.broadcast %mul3A_1073 : f32 to vector<16xf32>
        %mul3A_1075 = arith.mulf %get3A_1072, %mul3A_1074 : vector<16xf32>
        %add3A_1076 = arith.constant 1 : i32
        %add3A_1077 = arith.addi %add3A_104, %add3A_1076 : i32
        %swap3A_1078 = arith.index_cast %add3A_1077 : i32 to index
        %swap3A_1079 = arith.constant 544 : index
        %swap3A_1080 = tpu.vector_load %arg6[%swap3A_1078, %swap3A_1079] {strides = array<i32>} : memref<112x1024xf32, #tpu.memory_space<vmem>>, vector<1x16xf32>,
        %swap3A_1081 = vector.shape_cast %swap3A_1080 : vector<1x16xf32> to vector<16xf32>
        %swap3A_1082 = vector.shape_cast %mul3A_1075 : vector<16xf32> to vector<1x16xf32>
        tpu.vector_store %arg6[%swap3A_1078, %swap3A_1079], %swap3A_1082 {strides = array<i32>} : memref<112x1024xf32, #tpu.memory_space<vmem>>, vector<1x16xf32>,
        %get3A_1083 = arith.index_cast %add3A_104 : i32 to index
        %get3A_1084 = arith.constant 560 : index
        %get3A_1085 = tpu.vector_load %arg6[%get3A_1083, %get3A_1084] {strides = array<i32>} : memref<112x1024xf32, #tpu.memory_space<vmem>>, vector<1x16xf32>,
        %get3A_1086 = vector.shape_cast %get3A_1085 : vector<1x16xf32> to vector<16xf32>
        %mul3A_1087 = arith.constant 3.200000e+01 : f32
        %mul3A_1088 = vector.broadcast %mul3A_1087 : f32 to vector<16xf32>
        %mul3A_1089 = arith.mulf %get3A_1086, %mul3A_1088 : vector<16xf32>
        %swap3A_1090 = arith.index_cast %add3A_104 : i32 to index
        %swap3A_1091 = arith.constant 560 : index
        %swap3A_1092 = tpu.vector_load %arg6[%swap3A_1090, %swap3A_1091] {strides = array<i32>} : memref<112x1024xf32, #tpu.memory_space<vmem>>, vector<1x16xf32>,
        %swap3A_1093 = vector.shape_cast %swap3A_1092 : vector<1x16xf32> to vector<16xf32>
        %swap3A_1094 = vector.shape_cast %mul3A_1089 : vector<16xf32> to vector<1x16xf32>
        tpu.vector_store %arg6[%swap3A_1090, %swap3A_1091], %swap3A_1094 {strides = array<i32>} : memref<112x1024xf32, #tpu.memory_space<vmem>>, vector<1x16xf32>,
        %add3A_1095 = arith.constant 1 : i32
        %add3A_1096 = arith.addi %add3A_104, %add3A_1095 : i32
        %get3A_1097 = arith.index_cast %add3A_1096 : i32 to index
        %get3A_1098 = arith.constant 560 : index
        %get3A_1099 = tpu.vector_load %arg6[%get3A_1097, %get3A_1098] {strides = array<i32>} : memref<112x1024xf32, #tpu.memory_space<vmem>>, vector<1x16xf32>,
        %get3A_1100 = vector.shape_cast %get3A_1099 : vector<1x16xf32> to vector<16xf32>
        %mul3A_1101 = arith.constant 3.200000e+01 : f32
        %mul3A_1102 = vector.broadcast %mul3A_1101 : f32 to vector<16xf32>
        %mul3A_1103 = arith.mulf %get3A_1100, %mul3A_1102 : vector<16xf32>
        %add3A_1104 = arith.constant 1 : i32
        %add3A_1105 = arith.addi %add3A_104, %add3A_1104 : i32
        %swap3A_1106 = arith.index_cast %add3A_1105 : i32 to index
        %swap3A_1107 = arith.constant 560 : index
        %swap3A_1108 = tpu.vector_load %arg6[%swap3A_1106, %swap3A_1107] {strides = array<i32>} : memref<112x1024xf32, #tpu.memory_space<vmem>>, vector<1x16xf32>,
        %swap3A_1109 = vector.shape_cast %swap3A_1108 : vector<1x16xf32> to vector<16xf32>
        %swap3A_1110 = vector.shape_cast %mul3A_1103 : vector<16xf32> to vector<1x16xf32>
        tpu.vector_store %arg6[%swap3A_1106, %swap3A_1107], %swap3A_1110 {strides = array<i32>} : memref<112x1024xf32, #tpu.memory_space<vmem>>, vector<1x16xf32>,
        %get3A_1111 = arith.index_cast %add3A_104 : i32 to index
        %get3A_1112 = arith.constant 576 : index
        %get3A_1113 = tpu.vector_load %arg6[%get3A_1111, %get3A_1112] {strides = array<i32>} : memref<112x1024xf32, #tpu.memory_space<vmem>>, vector<1x16xf32>,
        %get3A_1114 = vector.shape_cast %get3A_1113 : vector<1x16xf32> to vector<16xf32>
        %mul3A_1115 = arith.constant 3.200000e+01 : f32
        %mul3A_1116 = vector.broadcast %mul3A_1115 : f32 to vector<16xf32>
        %mul3A_1117 = arith.mulf %get3A_1114, %mul3A_1116 : vector<16xf32>
        %swap3A_1118 = arith.index_cast %add3A_104 : i32 to index
        %swap3A_1119 = arith.constant 576 : index
        %swap3A_1120 = tpu.vector_load %arg6[%swap3A_1118, %swap3A_1119] {strides = array<i32>} : memref<112x1024xf32, #tpu.memory_space<vmem>>, vector<1x16xf32>,
        %swap3A_1121 = vector.shape_cast %swap3A_1120 : vector<1x16xf32> to vector<16xf32>
        %swap3A_1122 = vector.shape_cast %mul3A_1117 : vector<16xf32> to vector<1x16xf32>
        tpu.vector_store %arg6[%swap3A_1118, %swap3A_1119], %swap3A_1122 {strides = array<i32>} : memref<112x1024xf32, #tpu.memory_space<vmem>>, vector<1x16xf32>,
        %add3A_1123 = arith.constant 1 : i32
        %add3A_1124 = arith.addi %add3A_104, %add3A_1123 : i32
        %get3A_1125 = arith.index_cast %add3A_1124 : i32 to index
        %get3A_1126 = arith.constant 576 : index
        %get3A_1127 = tpu.vector_load %arg6[%get3A_1125, %get3A_1126] {strides = array<i32>} : memref<112x1024xf32, #tpu.memory_space<vmem>>, vector<1x16xf32>,
        %get3A_1128 = vector.shape_cast %get3A_1127 : vector<1x16xf32> to vector<16xf32>
        %mul3A_1129 = arith.constant 3.200000e+01 : f32
        %mul3A_1130 = vector.broadcast %mul3A_1129 : f32 to vector<16xf32>
        %mul3A_1131 = arith.mulf %get3A_1128, %mul3A_1130 : vector<16xf32>
        %add3A_1132 = arith.constant 1 : i32
        %add3A_1133 = arith.addi %add3A_104, %add3A_1132 : i32
        %swap3A_1134 = arith.index_cast %add3A_1133 : i32 to index
        %swap3A_1135 = arith.constant 576 : index
        %swap3A_1136 = tpu.vector_load %arg6[%swap3A_1134, %swap3A_1135] {strides = array<i32>} : memref<112x1024xf32, #tpu.memory_space<vmem>>, vector<1x16xf32>,
        %swap3A_1137 = vector.shape_cast %swap3A_1136 : vector<1x16xf32> to vector<16xf32>
        %swap3A_1138 = vector.shape_cast %mul3A_1131 : vector<16xf32> to vector<1x16xf32>
        tpu.vector_store %arg6[%swap3A_1134, %swap3A_1135], %swap3A_1138 {strides = array<i32>} : memref<112x1024xf32, #tpu.memory_space<vmem>>, vector<1x16xf32>,
        %get3A_1139 = arith.index_cast %add3A_104 : i32 to index
        %get3A_1140 = arith.constant 592 : index
        %get3A_1141 = tpu.vector_load %arg6[%get3A_1139, %get3A_1140] {strides = array<i32>} : memref<112x1024xf32, #tpu.memory_space<vmem>>, vector<1x16xf32>,
        %get3A_1142 = vector.shape_cast %get3A_1141 : vector<1x16xf32> to vector<16xf32>
        %mul3A_1143 = arith.constant 3.200000e+01 : f32
        %mul3A_1144 = vector.broadcast %mul3A_1143 : f32 to vector<16xf32>
        %mul3A_1145 = arith.mulf %get3A_1142, %mul3A_1144 : vector<16xf32>
        %swap3A_1146 = arith.index_cast %add3A_104 : i32 to index
        %swap3A_1147 = arith.constant 592 : index
        %swap3A_1148 = tpu.vector_load %arg6[%swap3A_1146, %swap3A_1147] {strides = array<i32>} : memref<112x1024xf32, #tpu.memory_space<vmem>>, vector<1x16xf32>,
        %swap3A_1149 = vector.shape_cast %swap3A_1148 : vector<1x16xf32> to vector<16xf32>
        %swap3A_1150 = vector.shape_cast %mul3A_1145 : vector<16xf32> to vector<1x16xf32>
        tpu.vector_store %arg6[%swap3A_1146, %swap3A_1147], %swap3A_1150 {strides = array<i32>} : memref<112x1024xf32, #tpu.memory_space<vmem>>, vector<1x16xf32>,
        %add3A_1151 = arith.constant 1 : i32
        %add3A_1152 = arith.addi %add3A_104, %add3A_1151 : i32
        %get3A_1153 = arith.index_cast %add3A_1152 : i32 to index
        %get3A_1154 = arith.constant 592 : index
        %get3A_1155 = tpu.vector_load %arg6[%get3A_1153, %get3A_1154] {strides = array<i32>} : memref<112x1024xf32, #tpu.memory_space<vmem>>, vector<1x16xf32>,
        %get3A_1156 = vector.shape_cast %get3A_1155 : vector<1x16xf32> to vector<16xf32>
        %mul3A_1157 = arith.constant 3.200000e+01 : f32
        %mul3A_1158 = vector.broadcast %mul3A_1157 : f32 to vector<16xf32>
        %mul3A_1159 = arith.mulf %get3A_1156, %mul3A_1158 : vector<16xf32>
        %add3A_1160 = arith.constant 1 : i32
        %add3A_1161 = arith.addi %add3A_104, %add3A_1160 : i32
        %swap3A_1162 = arith.index_cast %add3A_1161 : i32 to index
        %swap3A_1163 = arith.constant 592 : index
        %swap3A_1164 = tpu.vector_load %arg6[%swap3A_1162, %swap3A_1163] {strides = array<i32>} : memref<112x1024xf32, #tpu.memory_space<vmem>>, vector<1x16xf32>,
        %swap3A_1165 = vector.shape_cast %swap3A_1164 : vector<1x16xf32> to vector<16xf32>
        %swap3A_1166 = vector.shape_cast %mul3A_1159 : vector<16xf32> to vector<1x16xf32>
        tpu.vector_store %arg6[%swap3A_1162, %swap3A_1163], %swap3A_1166 {strides = array<i32>} : memref<112x1024xf32, #tpu.memory_space<vmem>>, vector<1x16xf32>,
        %get3A_1167 = arith.index_cast %add3A_104 : i32 to index
        %get3A_1168 = arith.constant 608 : index
        %get3A_1169 = tpu.vector_load %arg6[%get3A_1167, %get3A_1168] {strides = array<i32>} : memref<112x1024xf32, #tpu.memory_space<vmem>>, vector<1x16xf32>,
        %get3A_1170 = vector.shape_cast %get3A_1169 : vector<1x16xf32> to vector<16xf32>
        %mul3A_1171 = arith.constant 3.200000e+01 : f32
        %mul3A_1172 = vector.broadcast %mul3A_1171 : f32 to vector<16xf32>
        %mul3A_1173 = arith.mulf %get3A_1170, %mul3A_1172 : vector<16xf32>
        %swap3A_1174 = arith.index_cast %add3A_104 : i32 to index
        %swap3A_1175 = arith.constant 608 : index
        %swap3A_1176 = tpu.vector_load %arg6[%swap3A_1174, %swap3A_1175] {strides = array<i32>} : memref<112x1024xf32, #tpu.memory_space<vmem>>, vector<1x16xf32>,
        %swap3A_1177 = vector.shape_cast %swap3A_1176 : vector<1x16xf32> to vector<16xf32>
        %swap3A_1178 = vector.shape_cast %mul3A_1173 : vector<16xf32> to vector<1x16xf32>
        tpu.vector_store %arg6[%swap3A_1174, %swap3A_1175], %swap3A_1178 {strides = array<i32>} : memref<112x1024xf32, #tpu.memory_space<vmem>>, vector<1x16xf32>,
        %add3A_1179 = arith.constant 1 : i32
        %add3A_1180 = arith.addi %add3A_104, %add3A_1179 : i32
        %get3A_1181 = arith.index_cast %add3A_1180 : i32 to index
        %get3A_1182 = arith.constant 608 : index
        %get3A_1183 = tpu.vector_load %arg6[%get3A_1181, %get3A_1182] {strides = array<i32>} : memref<112x1024xf32, #tpu.memory_space<vmem>>, vector<1x16xf32>,
        %get3A_1184 = vector.shape_cast %get3A_1183 : vector<1x16xf32> to vector<16xf32>
        %mul3A_1185 = arith.constant 3.200000e+01 : f32
        %mul3A_1186 = vector.broadcast %mul3A_1185 : f32 to vector<16xf32>
        %mul3A_1187 = arith.mulf %get3A_1184, %mul3A_1186 : vector<16xf32>
        %add3A_1188 = arith.constant 1 : i32
        %add3A_1189 = arith.addi %add3A_104, %add3A_1188 : i32
        %swap3A_1190 = arith.index_cast %add3A_1189 : i32 to index
        %swap3A_1191 = arith.constant 608 : index
        %swap3A_1192 = tpu.vector_load %arg6[%swap3A_1190, %swap3A_1191] {strides = array<i32>} : memref<112x1024xf32, #tpu.memory_space<vmem>>, vector<1x16xf32>,
        %swap3A_1193 = vector.shape_cast %swap3A_1192 : vector<1x16xf32> to vector<16xf32>
        %swap3A_1194 = vector.shape_cast %mul3A_1187 : vector<16xf32> to vector<1x16xf32>
        tpu.vector_store %arg6[%swap3A_1190, %swap3A_1191], %swap3A_1194 {strides = array<i32>} : memref<112x1024xf32, #tpu.memory_space<vmem>>, vector<1x16xf32>,
        %get3A_1195 = arith.index_cast %add3A_104 : i32 to index
        %get3A_1196 = arith.constant 624 : index
        %get3A_1197 = tpu.vector_load %arg6[%get3A_1195, %get3A_1196] {strides = array<i32>} : memref<112x1024xf32, #tpu.memory_space<vmem>>, vector<1x16xf32>,
        %get3A_1198 = vector.shape_cast %get3A_1197 : vector<1x16xf32> to vector<16xf32>
        %mul3A_1199 = arith.constant 3.200000e+01 : f32
        %mul3A_1200 = vector.broadcast %mul3A_1199 : f32 to vector<16xf32>
        %mul3A_1201 = arith.mulf %get3A_1198, %mul3A_1200 : vector<16xf32>
        %swap3A_1202 = arith.index_cast %add3A_104 : i32 to index
        %swap3A_1203 = arith.constant 624 : index
        %swap3A_1204 = tpu.vector_load %arg6[%swap3A_1202, %swap3A_1203] {strides = array<i32>} : memref<112x1024xf32, #tpu.memory_space<vmem>>, vector<1x16xf32>,
        %swap3A_1205 = vector.shape_cast %swap3A_1204 : vector<1x16xf32> to vector<16xf32>
        %swap3A_1206 = vector.shape_cast %mul3A_1201 : vector<16xf32> to vector<1x16xf32>
        tpu.vector_store %arg6[%swap3A_1202, %swap3A_1203], %swap3A_1206 {strides = array<i32>} : memref<112x1024xf32, #tpu.memory_space<vmem>>, vector<1x16xf32>,
        %add3A_1207 = arith.constant 1 : i32
        %add3A_1208 = arith.addi %add3A_104, %add3A_1207 : i32
        %get3A_1209 = arith.index_cast %add3A_1208 : i32 to index
        %get3A_1210 = arith.constant 624 : index
        %get3A_1211 = tpu.vector_load %arg6[%get3A_1209, %get3A_1210] {strides = array<i32>} : memref<112x1024xf32, #tpu.memory_space<vmem>>, vector<1x16xf32>,
        %get3A_1212 = vector.shape_cast %get3A_1211 : vector<1x16xf32> to vector<16xf32>
        %mul3A_1213 = arith.constant 3.200000e+01 : f32
        %mul3A_1214 = vector.broadcast %mul3A_1213 : f32 to vector<16xf32>
        %mul3A_1215 = arith.mulf %get3A_1212, %mul3A_1214 : vector<16xf32>
        %add3A_1216 = arith.constant 1 : i32
        %add3A_1217 = arith.addi %add3A_104, %add3A_1216 : i32
        %swap3A_1218 = arith.index_cast %add3A_1217 : i32 to index
        %swap3A_1219 = arith.constant 624 : index
        %swap3A_1220 = tpu.vector_load %arg6[%swap3A_1218, %swap3A_1219] {strides = array<i32>} : memref<112x1024xf32, #tpu.memory_space<vmem>>, vector<1x16xf32>,
        %swap3A_1221 = vector.shape_cast %swap3A_1220 : vector<1x16xf32> to vector<16xf32>
        %swap3A_1222 = vector.shape_cast %mul3A_1215 : vector<16xf32> to vector<1x16xf32>
        tpu.vector_store %arg6[%swap3A_1218, %swap3A_1219], %swap3A_1222 {strides = array<i32>} : memref<112x1024xf32, #tpu.memory_space<vmem>>, vector<1x16xf32>,
        %get3A_1223 = arith.index_cast %add3A_104 : i32 to index
        %get3A_1224 = arith.constant 640 : index
        %get3A_1225 = tpu.vector_load %arg6[%get3A_1223, %get3A_1224] {strides = array<i32>} : memref<112x1024xf32, #tpu.memory_space<vmem>>, vector<1x16xf32>,
        %get3A_1226 = vector.shape_cast %get3A_1225 : vector<1x16xf32> to vector<16xf32>
        %mul3A_1227 = arith.constant 3.200000e+01 : f32
        %mul3A_1228 = vector.broadcast %mul3A_1227 : f32 to vector<16xf32>
        %mul3A_1229 = arith.mulf %get3A_1226, %mul3A_1228 : vector<16xf32>
        %swap3A_1230 = arith.index_cast %add3A_104 : i32 to index
        %swap3A_1231 = arith.constant 640 : index
        %swap3A_1232 = tpu.vector_load %arg6[%swap3A_1230, %swap3A_1231] {strides = array<i32>} : memref<112x1024xf32, #tpu.memory_space<vmem>>, vector<1x16xf32>,
        %swap3A_1233 = vector.shape_cast %swap3A_1232 : vector<1x16xf32> to vector<16xf32>
        %swap3A_1234 = vector.shape_cast %mul3A_1229 : vector<16xf32> to vector<1x16xf32>
        tpu.vector_store %arg6[%swap3A_1230, %swap3A_1231], %swap3A_1234 {strides = array<i32>} : memref<112x1024xf32, #tpu.memory_space<vmem>>, vector<1x16xf32>,
        %add3A_1235 = arith.constant 1 : i32
        %add3A_1236 = arith.addi %add3A_104, %add3A_1235 : i32
        %get3A_1237 = arith.index_cast %add3A_1236 : i32 to index
        %get3A_1238 = arith.constant 640 : index
        %get3A_1239 = tpu.vector_load %arg6[%get3A_1237, %get3A_1238] {strides = array<i32>} : memref<112x1024xf32, #tpu.memory_space<vmem>>, vector<1x16xf32>,
        %get3A_1240 = vector.shape_cast %get3A_1239 : vector<1x16xf32> to vector<16xf32>
        %mul3A_1241 = arith.constant 3.200000e+01 : f32
        %mul3A_1242 = vector.broadcast %mul3A_1241 : f32 to vector<16xf32>
        %mul3A_1243 = arith.mulf %get3A_1240, %mul3A_1242 : vector<16xf32>
        %add3A_1244 = arith.constant 1 : i32
        %add3A_1245 = arith.addi %add3A_104, %add3A_1244 : i32
        %swap3A_1246 = arith.index_cast %add3A_1245 : i32 to index
        %swap3A_1247 = arith.constant 640 : index
        %swap3A_1248 = tpu.vector_load %arg6[%swap3A_1246, %swap3A_1247] {strides = array<i32>} : memref<112x1024xf32, #tpu.memory_space<vmem>>, vector<1x16xf32>,
        %swap3A_1249 = vector.shape_cast %swap3A_1248 : vector<1x16xf32> to vector<16xf32>
        %swap3A_1250 = vector.shape_cast %mul3A_1243 : vector<16xf32> to vector<1x16xf32>
        tpu.vector_store %arg6[%swap3A_1246, %swap3A_1247], %swap3A_1250 {strides = array<i32>} : memref<112x1024xf32, #tpu.memory_space<vmem>>, vector<1x16xf32>,
        %get3A_1251 = arith.index_cast %add3A_104 : i32 to index
        %get3A_1252 = arith.constant 656 : index
        %get3A_1253 = tpu.vector_load %arg6[%get3A_1251, %get3A_1252] {strides = array<i32>} : memref<112x1024xf32, #tpu.memory_space<vmem>>, vector<1x16xf32>,
        %get3A_1254 = vector.shape_cast %get3A_1253 : vector<1x16xf32> to vector<16xf32>
        %mul3A_1255 = arith.constant 3.200000e+01 : f32
        %mul3A_1256 = vector.broadcast %mul3A_1255 : f32 to vector<16xf32>
        %mul3A_1257 = arith.mulf %get3A_1254, %mul3A_1256 : vector<16xf32>
        %swap3A_1258 = arith.index_cast %add3A_104 : i32 to index
        %swap3A_1259 = arith.constant 656 : index
        %swap3A_1260 = tpu.vector_load %arg6[%swap3A_1258, %swap3A_1259] {strides = array<i32>} : memref<112x1024xf32, #tpu.memory_space<vmem>>, vector<1x16xf32>,
        %swap3A_1261 = vector.shape_cast %swap3A_1260 : vector<1x16xf32> to vector<16xf32>
        %swap3A_1262 = vector.shape_cast %mul3A_1257 : vector<16xf32> to vector<1x16xf32>
        tpu.vector_store %arg6[%swap3A_1258, %swap3A_1259], %swap3A_1262 {strides = array<i32>} : memref<112x1024xf32, #tpu.memory_space<vmem>>, vector<1x16xf32>,
        %add3A_1263 = arith.constant 1 : i32
        %add3A_1264 = arith.addi %add3A_104, %add3A_1263 : i32
        %get3A_1265 = arith.index_cast %add3A_1264 : i32 to index
        %get3A_1266 = arith.constant 656 : index
        %get3A_1267 = tpu.vector_load %arg6[%get3A_1265, %get3A_1266] {strides = array<i32>} : memref<112x1024xf32, #tpu.memory_space<vmem>>, vector<1x16xf32>,
        %get3A_1268 = vector.shape_cast %get3A_1267 : vector<1x16xf32> to vector<16xf32>
        %mul3A_1269 = arith.constant 3.200000e+01 : f32
        %mul3A_1270 = vector.broadcast %mul3A_1269 : f32 to vector<16xf32>
        %mul3A_1271 = arith.mulf %get3A_1268, %mul3A_1270 : vector<16xf32>
        %add3A_1272 = arith.constant 1 : i32
        %add3A_1273 = arith.addi %add3A_104, %add3A_1272 : i32
        %swap3A_1274 = arith.index_cast %add3A_1273 : i32 to index
        %swap3A_1275 = arith.constant 656 : index
        %swap3A_1276 = tpu.vector_load %arg6[%swap3A_1274, %swap3A_1275] {strides = array<i32>} : memref<112x1024xf32, #tpu.memory_space<vmem>>, vector<1x16xf32>,
        %swap3A_1277 = vector.shape_cast %swap3A_1276 : vector<1x16xf32> to vector<16xf32>
        %swap3A_1278 = vector.shape_cast %mul3A_1271 : vector<16xf32> to vector<1x16xf32>
        tpu.vector_store %arg6[%swap3A_1274, %swap3A_1275], %swap3A_1278 {strides = array<i32>} : memref<112x1024xf32, #tpu.memory_space<vmem>>, vector<1x16xf32>,
        %get3A_1279 = arith.index_cast %add3A_104 : i32 to index
        %get3A_1280 = arith.constant 672 : index
        %get3A_1281 = tpu.vector_load %arg6[%get3A_1279, %get3A_1280] {strides = array<i32>} : memref<112x1024xf32, #tpu.memory_space<vmem>>, vector<1x16xf32>,
        %get3A_1282 = vector.shape_cast %get3A_1281 : vector<1x16xf32> to vector<16xf32>
        %mul3A_1283 = arith.constant 3.200000e+01 : f32
        %mul3A_1284 = vector.broadcast %mul3A_1283 : f32 to vector<16xf32>
        %mul3A_1285 = arith.mulf %get3A_1282, %mul3A_1284 : vector<16xf32>
        %swap3A_1286 = arith.index_cast %add3A_104 : i32 to index
        %swap3A_1287 = arith.constant 672 : index
        %swap3A_1288 = tpu.vector_load %arg6[%swap3A_1286, %swap3A_1287] {strides = array<i32>} : memref<112x1024xf32, #tpu.memory_space<vmem>>, vector<1x16xf32>,
        %swap3A_1289 = vector.shape_cast %swap3A_1288 : vector<1x16xf32> to vector<16xf32>
        %swap3A_1290 = vector.shape_cast %mul3A_1285 : vector<16xf32> to vector<1x16xf32>
        tpu.vector_store %arg6[%swap3A_1286, %swap3A_1287], %swap3A_1290 {strides = array<i32>} : memref<112x1024xf32, #tpu.memory_space<vmem>>, vector<1x16xf32>,
        %add3A_1291 = arith.constant 1 : i32
        %add3A_1292 = arith.addi %add3A_104, %add3A_1291 : i32
        %get3A_1293 = arith.index_cast %add3A_1292 : i32 to index
        %get3A_1294 = arith.constant 672 : index
        %get3A_1295 = tpu.vector_load %arg6[%get3A_1293, %get3A_1294] {strides = array<i32>} : memref<112x1024xf32, #tpu.memory_space<vmem>>, vector<1x16xf32>,
        %get3A_1296 = vector.shape_cast %get3A_1295 : vector<1x16xf32> to vector<16xf32>
        %mul3A_1297 = arith.constant 3.200000e+01 : f32
        %mul3A_1298 = vector.broadcast %mul3A_1297 : f32 to vector<16xf32>
        %mul3A_1299 = arith.mulf %get3A_1296, %mul3A_1298 : vector<16xf32>
        %add3A_1300 = arith.constant 1 : i32
        %add3A_1301 = arith.addi %add3A_104, %add3A_1300 : i32
        %swap3A_1302 = arith.index_cast %add3A_1301 : i32 to index
        %swap3A_1303 = arith.constant 672 : index
        %swap3A_1304 = tpu.vector_load %arg6[%swap3A_1302, %swap3A_1303] {strides = array<i32>} : memref<112x1024xf32, #tpu.memory_space<vmem>>, vector<1x16xf32>,
        %swap3A_1305 = vector.shape_cast %swap3A_1304 : vector<1x16xf32> to vector<16xf32>
        %swap3A_1306 = vector.shape_cast %mul3A_1299 : vector<16xf32> to vector<1x16xf32>
        tpu.vector_store %arg6[%swap3A_1302, %swap3A_1303], %swap3A_1306 {strides = array<i32>} : memref<112x1024xf32, #tpu.memory_space<vmem>>, vector<1x16xf32>,
        %get3A_1307 = arith.index_cast %add3A_104 : i32 to index
        %get3A_1308 = arith.constant 688 : index
        %get3A_1309 = tpu.vector_load %arg6[%get3A_1307, %get3A_1308] {strides = array<i32>} : memref<112x1024xf32, #tpu.memory_space<vmem>>, vector<1x16xf32>,
        %get3A_1310 = vector.shape_cast %get3A_1309 : vector<1x16xf32> to vector<16xf32>
        %mul3A_1311 = arith.constant 3.200000e+01 : f32
        %mul3A_1312 = vector.broadcast %mul3A_1311 : f32 to vector<16xf32>
        %mul3A_1313 = arith.mulf %get3A_1310, %mul3A_1312 : vector<16xf32>
        %swap3A_1314 = arith.index_cast %add3A_104 : i32 to index
        %swap3A_1315 = arith.constant 688 : index
        %swap3A_1316 = tpu.vector_load %arg6[%swap3A_1314, %swap3A_1315] {strides = array<i32>} : memref<112x1024xf32, #tpu.memory_space<vmem>>, vector<1x16xf32>,
        %swap3A_1317 = vector.shape_cast %swap3A_1316 : vector<1x16xf32> to vector<16xf32>
        %swap3A_1318 = vector.shape_cast %mul3A_1313 : vector<16xf32> to vector<1x16xf32>
        tpu.vector_store %arg6[%swap3A_1314, %swap3A_1315], %swap3A_1318 {strides = array<i32>} : memref<112x1024xf32, #tpu.memory_space<vmem>>, vector<1x16xf32>,
        %add3A_1319 = arith.constant 1 : i32
        %add3A_1320 = arith.addi %add3A_104, %add3A_1319 : i32
        %get3A_1321 = arith.index_cast %add3A_1320 : i32 to index
        %get3A_1322 = arith.constant 688 : index
        %get3A_1323 = tpu.vector_load %arg6[%get3A_1321, %get3A_1322] {strides = array<i32>} : memref<112x1024xf32, #tpu.memory_space<vmem>>, vector<1x16xf32>,
        %get3A_1324 = vector.shape_cast %get3A_1323 : vector<1x16xf32> to vector<16xf32>
        %mul3A_1325 = arith.constant 3.200000e+01 : f32
        %mul3A_1326 = vector.broadcast %mul3A_1325 : f32 to vector<16xf32>
        %mul3A_1327 = arith.mulf %get3A_1324, %mul3A_1326 : vector<16xf32>
        %add3A_1328 = arith.constant 1 : i32
        %add3A_1329 = arith.addi %add3A_104, %add3A_1328 : i32
        %swap3A_1330 = arith.index_cast %add3A_1329 : i32 to index
        %swap3A_1331 = arith.constant 688 : index
        %swap3A_1332 = tpu.vector_load %arg6[%swap3A_1330, %swap3A_1331] {strides = array<i32>} : memref<112x1024xf32, #tpu.memory_space<vmem>>, vector<1x16xf32>,
        %swap3A_1333 = vector.shape_cast %swap3A_1332 : vector<1x16xf32> to vector<16xf32>
        %swap3A_1334 = vector.shape_cast %mul3A_1327 : vector<16xf32> to vector<1x16xf32>
        tpu.vector_store %arg6[%swap3A_1330, %swap3A_1331], %swap3A_1334 {strides = array<i32>} : memref<112x1024xf32, #tpu.memory_space<vmem>>, vector<1x16xf32>,
        %get3A_1335 = arith.index_cast %add3A_104 : i32 to index
        %get3A_1336 = arith.constant 704 : index
        %get3A_1337 = tpu.vector_load %arg6[%get3A_1335, %get3A_1336] {strides = array<i32>} : memref<112x1024xf32, #tpu.memory_space<vmem>>, vector<1x16xf32>,
        %get3A_1338 = vector.shape_cast %get3A_1337 : vector<1x16xf32> to vector<16xf32>
        %mul3A_1339 = arith.constant 3.200000e+01 : f32
        %mul3A_1340 = vector.broadcast %mul3A_1339 : f32 to vector<16xf32>
        %mul3A_1341 = arith.mulf %get3A_1338, %mul3A_1340 : vector<16xf32>
        %swap3A_1342 = arith.index_cast %add3A_104 : i32 to index
        %swap3A_1343 = arith.constant 704 : index
        %swap3A_1344 = tpu.vector_load %arg6[%swap3A_1342, %swap3A_1343] {strides = array<i32>} : memref<112x1024xf32, #tpu.memory_space<vmem>>, vector<1x16xf32>,
        %swap3A_1345 = vector.shape_cast %swap3A_1344 : vector<1x16xf32> to vector<16xf32>
        %swap3A_1346 = vector.shape_cast %mul3A_1341 : vector<16xf32> to vector<1x16xf32>
        tpu.vector_store %arg6[%swap3A_1342, %swap3A_1343], %swap3A_1346 {strides = array<i32>} : memref<112x1024xf32, #tpu.memory_space<vmem>>, vector<1x16xf32>,
        %add3A_1347 = arith.constant 1 : i32
        %add3A_1348 = arith.addi %add3A_104, %add3A_1347 : i32
        %get3A_1349 = arith.index_cast %add3A_1348 : i32 to index
        %get3A_1350 = arith.constant 704 : index
        %get3A_1351 = tpu.vector_load %arg6[%get3A_1349, %get3A_1350] {strides = array<i32>} : memref<112x1024xf32, #tpu.memory_space<vmem>>, vector<1x16xf32>,
        %get3A_1352 = vector.shape_cast %get3A_1351 : vector<1x16xf32> to vector<16xf32>
        %mul3A_1353 = arith.constant 3.200000e+01 : f32
        %mul3A_1354 = vector.broadcast %mul3A_1353 : f32 to vector<16xf32>
        %mul3A_1355 = arith.mulf %get3A_1352, %mul3A_1354 : vector<16xf32>
        %add3A_1356 = arith.constant 1 : i32
        %add3A_1357 = arith.addi %add3A_104, %add3A_1356 : i32
        %swap3A_1358 = arith.index_cast %add3A_1357 : i32 to index
        %swap3A_1359 = arith.constant 704 : index
        %swap3A_1360 = tpu.vector_load %arg6[%swap3A_1358, %swap3A_1359] {strides = array<i32>} : memref<112x1024xf32, #tpu.memory_space<vmem>>, vector<1x16xf32>,
        %swap3A_1361 = vector.shape_cast %swap3A_1360 : vector<1x16xf32> to vector<16xf32>
        %swap3A_1362 = vector.shape_cast %mul3A_1355 : vector<16xf32> to vector<1x16xf32>
        tpu.vector_store %arg6[%swap3A_1358, %swap3A_1359], %swap3A_1362 {strides = array<i32>} : memref<112x1024xf32, #tpu.memory_space<vmem>>, vector<1x16xf32>,
        %get3A_1363 = arith.index_cast %add3A_104 : i32 to index
        %get3A_1364 = arith.constant 720 : index
        %get3A_1365 = tpu.vector_load %arg6[%get3A_1363, %get3A_1364] {strides = array<i32>} : memref<112x1024xf32, #tpu.memory_space<vmem>>, vector<1x16xf32>,
        %get3A_1366 = vector.shape_cast %get3A_1365 : vector<1x16xf32> to vector<16xf32>
        %mul3A_1367 = arith.constant 3.200000e+01 : f32
        %mul3A_1368 = vector.broadcast %mul3A_1367 : f32 to vector<16xf32>
        %mul3A_1369 = arith.mulf %get3A_1366, %mul3A_1368 : vector<16xf32>
        %swap3A_1370 = arith.index_cast %add3A_104 : i32 to index
        %swap3A_1371 = arith.constant 720 : index
        %swap3A_1372 = tpu.vector_load %arg6[%swap3A_1370, %swap3A_1371] {strides = array<i32>} : memref<112x1024xf32, #tpu.memory_space<vmem>>, vector<1x16xf32>,
        %swap3A_1373 = vector.shape_cast %swap3A_1372 : vector<1x16xf32> to vector<16xf32>
        %swap3A_1374 = vector.shape_cast %mul3A_1369 : vector<16xf32> to vector<1x16xf32>
        tpu.vector_store %arg6[%swap3A_1370, %swap3A_1371], %swap3A_1374 {strides = array<i32>} : memref<112x1024xf32, #tpu.memory_space<vmem>>, vector<1x16xf32>,
        %add3A_1375 = arith.constant 1 : i32
        %add3A_1376 = arith.addi %add3A_104, %add3A_1375 : i32
        %get3A_1377 = arith.index_cast %add3A_1376 : i32 to index
        %get3A_1378 = arith.constant 720 : index
        %get3A_1379 = tpu.vector_load %arg6[%get3A_1377, %get3A_1378] {strides = array<i32>} : memref<112x1024xf32, #tpu.memory_space<vmem>>, vector<1x16xf32>,
        %get3A_1380 = vector.shape_cast %get3A_1379 : vector<1x16xf32> to vector<16xf32>
        %mul3A_1381 = arith.constant 3.200000e+01 : f32
        %mul3A_1382 = vector.broadcast %mul3A_1381 : f32 to vector<16xf32>
        %mul3A_1383 = arith.mulf %get3A_1380, %mul3A_1382 : vector<16xf32>
        %add3A_1384 = arith.constant 1 : i32
        %add3A_1385 = arith.addi %add3A_104, %add3A_1384 : i32
        %swap3A_1386 = arith.index_cast %add3A_1385 : i32 to index
        %swap3A_1387 = arith.constant 720 : index
        %swap3A_1388 = tpu.vector_load %arg6[%swap3A_1386, %swap3A_1387] {strides = array<i32>} : memref<112x1024xf32, #tpu.memory_space<vmem>>, vector<1x16xf32>,
        %swap3A_1389 = vector.shape_cast %swap3A_1388 : vector<1x16xf32> to vector<16xf32>
        %swap3A_1390 = vector.shape_cast %mul3A_1383 : vector<16xf32> to vector<1x16xf32>
        tpu.vector_store %arg6[%swap3A_1386, %swap3A_1387], %swap3A_1390 {strides = array<i32>} : memref<112x1024xf32, #tpu.memory_space<vmem>>, vector<1x16xf32>,
        %get3A_1391 = arith.index_cast %add3A_104 : i32 to index
        %get3A_1392 = arith.constant 736 : index
        %get3A_1393 = tpu.vector_load %arg6[%get3A_1391, %get3A_1392] {strides = array<i32>} : memref<112x1024xf32, #tpu.memory_space<vmem>>, vector<1x16xf32>,
        %get3A_1394 = vector.shape_cast %get3A_1393 : vector<1x16xf32> to vector<16xf32>
        %mul3A_1395 = arith.constant 3.200000e+01 : f32
        %mul3A_1396 = vector.broadcast %mul3A_1395 : f32 to vector<16xf32>
        %mul3A_1397 = arith.mulf %get3A_1394, %mul3A_1396 : vector<16xf32>
        %swap3A_1398 = arith.index_cast %add3A_104 : i32 to index
        %swap3A_1399 = arith.constant 736 : index
        %swap3A_1400 = tpu.vector_load %arg6[%swap3A_1398, %swap3A_1399] {strides = array<i32>} : memref<112x1024xf32, #tpu.memory_space<vmem>>, vector<1x16xf32>,
        %swap3A_1401 = vector.shape_cast %swap3A_1400 : vector<1x16xf32> to vector<16xf32>
        %swap3A_1402 = vector.shape_cast %mul3A_1397 : vector<16xf32> to vector<1x16xf32>
        tpu.vector_store %arg6[%swap3A_1398, %swap3A_1399], %swap3A_1402 {strides = array<i32>} : memref<112x1024xf32, #tpu.memory_space<vmem>>, vector<1x16xf32>,
        %add3A_1403 = arith.constant 1 : i32
        %add3A_1404 = arith.addi %add3A_104, %add3A_1403 : i32
        %get3A_1405 = arith.index_cast %add3A_1404 : i32 to index
        %get3A_1406 = arith.constant 736 : index
        %get3A_1407 = tpu.vector_load %arg6[%get3A_1405, %get3A_1406] {strides = array<i32>} : memref<112x1024xf32, #tpu.memory_space<vmem>>, vector<1x16xf32>,
        %get3A_1408 = vector.shape_cast %get3A_1407 : vector<1x16xf32> to vector<16xf32>
        %mul3A_1409 = arith.constant 3.200000e+01 : f32
        %mul3A_1410 = vector.broadcast %mul3A_1409 : f32 to vector<16xf32>
        %mul3A_1411 = arith.mulf %get3A_1408, %mul3A_1410 : vector<16xf32>
        %add3A_1412 = arith.constant 1 : i32
        %add3A_1413 = arith.addi %add3A_104, %add3A_1412 : i32
        %swap3A_1414 = arith.index_cast %add3A_1413 : i32 to index
        %swap3A_1415 = arith.constant 736 : index
        %swap3A_1416 = tpu.vector_load %arg6[%swap3A_1414, %swap3A_1415] {strides = array<i32>} : memref<112x1024xf32, #tpu.memory_space<vmem>>, vector<1x16xf32>,
        %swap3A_1417 = vector.shape_cast %swap3A_1416 : vector<1x16xf32> to vector<16xf32>
        %swap3A_1418 = vector.shape_cast %mul3A_1411 : vector<16xf32> to vector<1x16xf32>
        tpu.vector_store %arg6[%swap3A_1414, %swap3A_1415], %swap3A_1418 {strides = array<i32>} : memref<112x1024xf32, #tpu.memory_space<vmem>>, vector<1x16xf32>,
        %get3A_1419 = arith.index_cast %add3A_104 : i32 to index
        %get3A_1420 = arith.constant 752 : index
        %get3A_1421 = tpu.vector_load %arg6[%get3A_1419, %get3A_1420] {strides = array<i32>} : memref<112x1024xf32, #tpu.memory_space<vmem>>, vector<1x16xf32>,
        %get3A_1422 = vector.shape_cast %get3A_1421 : vector<1x16xf32> to vector<16xf32>
        %mul3A_1423 = arith.constant 3.200000e+01 : f32
        %mul3A_1424 = vector.broadcast %mul3A_1423 : f32 to vector<16xf32>
        %mul3A_1425 = arith.mulf %get3A_1422, %mul3A_1424 : vector<16xf32>
        %swap3A_1426 = arith.index_cast %add3A_104 : i32 to index
        %swap3A_1427 = arith.constant 752 : index
        %swap3A_1428 = tpu.vector_load %arg6[%swap3A_1426, %swap3A_1427] {strides = array<i32>} : memref<112x1024xf32, #tpu.memory_space<vmem>>, vector<1x16xf32>,
        %swap3A_1429 = vector.shape_cast %swap3A_1428 : vector<1x16xf32> to vector<16xf32>
        %swap3A_1430 = vector.shape_cast %mul3A_1425 : vector<16xf32> to vector<1x16xf32>
        tpu.vector_store %arg6[%swap3A_1426, %swap3A_1427], %swap3A_1430 {strides = array<i32>} : memref<112x1024xf32, #tpu.memory_space<vmem>>, vector<1x16xf32>,
        %add3A_1431 = arith.constant 1 : i32
        %add3A_1432 = arith.addi %add3A_104, %add3A_1431 : i32
        %get3A_1433 = arith.index_cast %add3A_1432 : i32 to index
        %get3A_1434 = arith.constant 752 : index
        %get3A_1435 = tpu.vector_load %arg6[%get3A_1433, %get3A_1434] {strides = array<i32>} : memref<112x1024xf32, #tpu.memory_space<vmem>>, vector<1x16xf32>,
        %get3A_1436 = vector.shape_cast %get3A_1435 : vector<1x16xf32> to vector<16xf32>
        %mul3A_1437 = arith.constant 3.200000e+01 : f32
        %mul3A_1438 = vector.broadcast %mul3A_1437 : f32 to vector<16xf32>
        %mul3A_1439 = arith.mulf %get3A_1436, %mul3A_1438 : vector<16xf32>
        %add3A_1440 = arith.constant 1 : i32
        %add3A_1441 = arith.addi %add3A_104, %add3A_1440 : i32
        %swap3A_1442 = arith.index_cast %add3A_1441 : i32 to index
        %swap3A_1443 = arith.constant 752 : index
        %swap3A_1444 = tpu.vector_load %arg6[%swap3A_1442, %swap3A_1443] {strides = array<i32>} : memref<112x1024xf32, #tpu.memory_space<vmem>>, vector<1x16xf32>,
        %swap3A_1445 = vector.shape_cast %swap3A_1444 : vector<1x16xf32> to vector<16xf32>
        %swap3A_1446 = vector.shape_cast %mul3A_1439 : vector<16xf32> to vector<1x16xf32>
        tpu.vector_store %arg6[%swap3A_1442, %swap3A_1443], %swap3A_1446 {strides = array<i32>} : memref<112x1024xf32, #tpu.memory_space<vmem>>, vector<1x16xf32>,
        %get3A_1447 = arith.index_cast %add3A_104 : i32 to index
        %get3A_1448 = arith.constant 768 : index
        %get3A_1449 = tpu.vector_load %arg6[%get3A_1447, %get3A_1448] {strides = array<i32>} : memref<112x1024xf32, #tpu.memory_space<vmem>>, vector<1x16xf32>,
        %get3A_1450 = vector.shape_cast %get3A_1449 : vector<1x16xf32> to vector<16xf32>
        %mul3A_1451 = arith.constant 3.200000e+01 : f32
        %mul3A_1452 = vector.broadcast %mul3A_1451 : f32 to vector<16xf32>
        %mul3A_1453 = arith.mulf %get3A_1450, %mul3A_1452 : vector<16xf32>
        %swap3A_1454 = arith.index_cast %add3A_104 : i32 to index
        %swap3A_1455 = arith.constant 768 : index
        %swap3A_1456 = tpu.vector_load %arg6[%swap3A_1454, %swap3A_1455] {strides = array<i32>} : memref<112x1024xf32, #tpu.memory_space<vmem>>, vector<1x16xf32>,
        %swap3A_1457 = vector.shape_cast %swap3A_1456 : vector<1x16xf32> to vector<16xf32>
        %swap3A_1458 = vector.shape_cast %mul3A_1453 : vector<16xf32> to vector<1x16xf32>
        tpu.vector_store %arg6[%swap3A_1454, %swap3A_1455], %swap3A_1458 {strides = array<i32>} : memref<112x1024xf32, #tpu.memory_space<vmem>>, vector<1x16xf32>,
        %add3A_1459 = arith.constant 1 : i32
        %add3A_1460 = arith.addi %add3A_104, %add3A_1459 : i32
        %get3A_1461 = arith.index_cast %add3A_1460 : i32 to index
        %get3A_1462 = arith.constant 768 : index
        %get3A_1463 = tpu.vector_load %arg6[%get3A_1461, %get3A_1462] {strides = array<i32>} : memref<112x1024xf32, #tpu.memory_space<vmem>>, vector<1x16xf32>,
        %get3A_1464 = vector.shape_cast %get3A_1463 : vector<1x16xf32> to vector<16xf32>
        %mul3A_1465 = arith.constant 3.200000e+01 : f32
        %mul3A_1466 = vector.broadcast %mul3A_1465 : f32 to vector<16xf32>
        %mul3A_1467 = arith.mulf %get3A_1464, %mul3A_1466 : vector<16xf32>
        %add3A_1468 = arith.constant 1 : i32
        %add3A_1469 = arith.addi %add3A_104, %add3A_1468 : i32
        %swap3A_1470 = arith.index_cast %add3A_1469 : i32 to index
        %swap3A_1471 = arith.constant 768 : index
        %swap3A_1472 = tpu.vector_load %arg6[%swap3A_1470, %swap3A_1471] {strides = array<i32>} : memref<112x1024xf32, #tpu.memory_space<vmem>>, vector<1x16xf32>,
        %swap3A_1473 = vector.shape_cast %swap3A_1472 : vector<1x16xf32> to vector<16xf32>
        %swap3A_1474 = vector.shape_cast %mul3A_1467 : vector<16xf32> to vector<1x16xf32>
        tpu.vector_store %arg6[%swap3A_1470, %swap3A_1471], %swap3A_1474 {strides = array<i32>} : memref<112x1024xf32, #tpu.memory_space<vmem>>, vector<1x16xf32>,
        %get3A_1475 = arith.index_cast %add3A_104 : i32 to index
        %get3A_1476 = arith.constant 784 : index
        %get3A_1477 = tpu.vector_load %arg6[%get3A_1475, %get3A_1476] {strides = array<i32>} : memref<112x1024xf32, #tpu.memory_space<vmem>>, vector<1x16xf32>,
        %get3A_1478 = vector.shape_cast %get3A_1477 : vector<1x16xf32> to vector<16xf32>
        %mul3A_1479 = arith.constant 3.200000e+01 : f32
        %mul3A_1480 = vector.broadcast %mul3A_1479 : f32 to vector<16xf32>
        %mul3A_1481 = arith.mulf %get3A_1478, %mul3A_1480 : vector<16xf32>
        %swap3A_1482 = arith.index_cast %add3A_104 : i32 to index
        %swap3A_1483 = arith.constant 784 : index
        %swap3A_1484 = tpu.vector_load %arg6[%swap3A_1482, %swap3A_1483] {strides = array<i32>} : memref<112x1024xf32, #tpu.memory_space<vmem>>, vector<1x16xf32>,
        %swap3A_1485 = vector.shape_cast %swap3A_1484 : vector<1x16xf32> to vector<16xf32>
        %swap3A_1486 = vector.shape_cast %mul3A_1481 : vector<16xf32> to vector<1x16xf32>
        tpu.vector_store %arg6[%swap3A_1482, %swap3A_1483], %swap3A_1486 {strides = array<i32>} : memref<112x1024xf32, #tpu.memory_space<vmem>>, vector<1x16xf32>,
        %add3A_1487 = arith.constant 1 : i32
        %add3A_1488 = arith.addi %add3A_104, %add3A_1487 : i32
        %get3A_1489 = arith.index_cast %add3A_1488 : i32 to index
        %get3A_1490 = arith.constant 784 : index
        %get3A_1491 = tpu.vector_load %arg6[%get3A_1489, %get3A_1490] {strides = array<i32>} : memref<112x1024xf32, #tpu.memory_space<vmem>>, vector<1x16xf32>,
        %get3A_1492 = vector.shape_cast %get3A_1491 : vector<1x16xf32> to vector<16xf32>
        %mul3A_1493 = arith.constant 3.200000e+01 : f32
        %mul3A_1494 = vector.broadcast %mul3A_1493 : f32 to vector<16xf32>
        %mul3A_1495 = arith.mulf %get3A_1492, %mul3A_1494 : vector<16xf32>
        %add3A_1496 = arith.constant 1 : i32
        %add3A_1497 = arith.addi %add3A_104, %add3A_1496 : i32
        %swap3A_1498 = arith.index_cast %add3A_1497 : i32 to index
        %swap3A_1499 = arith.constant 784 : index
        %swap3A_1500 = tpu.vector_load %arg6[%swap3A_1498, %swap3A_1499] {strides = array<i32>} : memref<112x1024xf32, #tpu.memory_space<vmem>>, vector<1x16xf32>,
        %swap3A_1501 = vector.shape_cast %swap3A_1500 : vector<1x16xf32> to vector<16xf32>
        %swap3A_1502 = vector.shape_cast %mul3A_1495 : vector<16xf32> to vector<1x16xf32>
        tpu.vector_store %arg6[%swap3A_1498, %swap3A_1499], %swap3A_1502 {strides = array<i32>} : memref<112x1024xf32, #tpu.memory_space<vmem>>, vector<1x16xf32>,
        %get3A_1503 = arith.index_cast %add3A_104 : i32 to index
        %get3A_1504 = arith.constant 800 : index
        %get3A_1505 = tpu.vector_load %arg6[%get3A_1503, %get3A_1504] {strides = array<i32>} : memref<112x1024xf32, #tpu.memory_space<vmem>>, vector<1x16xf32>,
        %get3A_1506 = vector.shape_cast %get3A_1505 : vector<1x16xf32> to vector<16xf32>
        %mul3A_1507 = arith.constant 3.200000e+01 : f32
        %mul3A_1508 = vector.broadcast %mul3A_1507 : f32 to vector<16xf32>
        %mul3A_1509 = arith.mulf %get3A_1506, %mul3A_1508 : vector<16xf32>
        %swap3A_1510 = arith.index_cast %add3A_104 : i32 to index
        %swap3A_1511 = arith.constant 800 : index
        %swap3A_1512 = tpu.vector_load %arg6[%swap3A_1510, %swap3A_1511] {strides = array<i32>} : memref<112x1024xf32, #tpu.memory_space<vmem>>, vector<1x16xf32>,
        %swap3A_1513 = vector.shape_cast %swap3A_1512 : vector<1x16xf32> to vector<16xf32>
        %swap3A_1514 = vector.shape_cast %mul3A_1509 : vector<16xf32> to vector<1x16xf32>
        tpu.vector_store %arg6[%swap3A_1510, %swap3A_1511], %swap3A_1514 {strides = array<i32>} : memref<112x1024xf32, #tpu.memory_space<vmem>>, vector<1x16xf32>,
        %add3A_1515 = arith.constant 1 : i32
        %add3A_1516 = arith.addi %add3A_104, %add3A_1515 : i32
        %get3A_1517 = arith.index_cast %add3A_1516 : i32 to index
        %get3A_1518 = arith.constant 800 : index
        %get3A_1519 = tpu.vector_load %arg6[%get3A_1517, %get3A_1518] {strides = array<i32>} : memref<112x1024xf32, #tpu.memory_space<vmem>>, vector<1x16xf32>,
        %get3A_1520 = vector.shape_cast %get3A_1519 : vector<1x16xf32> to vector<16xf32>
        %mul3A_1521 = arith.constant 3.200000e+01 : f32
        %mul3A_1522 = vector.broadcast %mul3A_1521 : f32 to vector<16xf32>
        %mul3A_1523 = arith.mulf %get3A_1520, %mul3A_1522 : vector<16xf32>
        %add3A_1524 = arith.constant 1 : i32
        %add3A_1525 = arith.addi %add3A_104, %add3A_1524 : i32
        %swap3A_1526 = arith.index_cast %add3A_1525 : i32 to index
        %swap3A_1527 = arith.constant 800 : index
        %swap3A_1528 = tpu.vector_load %arg6[%swap3A_1526, %swap3A_1527] {strides = array<i32>} : memref<112x1024xf32, #tpu.memory_space<vmem>>, vector<1x16xf32>,
        %swap3A_1529 = vector.shape_cast %swap3A_1528 : vector<1x16xf32> to vector<16xf32>
        %swap3A_1530 = vector.shape_cast %mul3A_1523 : vector<16xf32> to vector<1x16xf32>
        tpu.vector_store %arg6[%swap3A_1526, %swap3A_1527], %swap3A_1530 {strides = array<i32>} : memref<112x1024xf32, #tpu.memory_space<vmem>>, vector<1x16xf32>,
        %get3A_1531 = arith.index_cast %add3A_104 : i32 to index
        %get3A_1532 = arith.constant 816 : index
        %get3A_1533 = tpu.vector_load %arg6[%get3A_1531, %get3A_1532] {strides = array<i32>} : memref<112x1024xf32, #tpu.memory_space<vmem>>, vector<1x16xf32>,
        %get3A_1534 = vector.shape_cast %get3A_1533 : vector<1x16xf32> to vector<16xf32>
        %mul3A_1535 = arith.constant 3.200000e+01 : f32
        %mul3A_1536 = vector.broadcast %mul3A_1535 : f32 to vector<16xf32>
        %mul3A_1537 = arith.mulf %get3A_1534, %mul3A_1536 : vector<16xf32>
        %swap3A_1538 = arith.index_cast %add3A_104 : i32 to index
        %swap3A_1539 = arith.constant 816 : index
        %swap3A_1540 = tpu.vector_load %arg6[%swap3A_1538, %swap3A_1539] {strides = array<i32>} : memref<112x1024xf32, #tpu.memory_space<vmem>>, vector<1x16xf32>,
        %swap3A_1541 = vector.shape_cast %swap3A_1540 : vector<1x16xf32> to vector<16xf32>
        %swap3A_1542 = vector.shape_cast %mul3A_1537 : vector<16xf32> to vector<1x16xf32>
        tpu.vector_store %arg6[%swap3A_1538, %swap3A_1539], %swap3A_1542 {strides = array<i32>} : memref<112x1024xf32, #tpu.memory_space<vmem>>, vector<1x16xf32>,
        %add3A_1543 = arith.constant 1 : i32
        %add3A_1544 = arith.addi %add3A_104, %add3A_1543 : i32
        %get3A_1545 = arith.index_cast %add3A_1544 : i32 to index
        %get3A_1546 = arith.constant 816 : index
        %get3A_1547 = tpu.vector_load %arg6[%get3A_1545, %get3A_1546] {strides = array<i32>} : memref<112x1024xf32, #tpu.memory_space<vmem>>, vector<1x16xf32>,
        %get3A_1548 = vector.shape_cast %get3A_1547 : vector<1x16xf32> to vector<16xf32>
        %mul3A_1549 = arith.constant 3.200000e+01 : f32
        %mul3A_1550 = vector.broadcast %mul3A_1549 : f32 to vector<16xf32>
        %mul3A_1551 = arith.mulf %get3A_1548, %mul3A_1550 : vector<16xf32>
        %add3A_1552 = arith.constant 1 : i32
        %add3A_1553 = arith.addi %add3A_104, %add3A_1552 : i32
        %swap3A_1554 = arith.index_cast %add3A_1553 : i32 to index
        %swap3A_1555 = arith.constant 816 : index
        %swap3A_1556 = tpu.vector_load %arg6[%swap3A_1554, %swap3A_1555] {strides = array<i32>} : memref<112x1024xf32, #tpu.memory_space<vmem>>, vector<1x16xf32>,
        %swap3A_1557 = vector.shape_cast %swap3A_1556 : vector<1x16xf32> to vector<16xf32>
        %swap3A_1558 = vector.shape_cast %mul3A_1551 : vector<16xf32> to vector<1x16xf32>
        tpu.vector_store %arg6[%swap3A_1554, %swap3A_1555], %swap3A_1558 {strides = array<i32>} : memref<112x1024xf32, #tpu.memory_space<vmem>>, vector<1x16xf32>,
        %get3A_1559 = arith.index_cast %add3A_104 : i32 to index
        %get3A_1560 = arith.constant 832 : index
        %get3A_1561 = tpu.vector_load %arg6[%get3A_1559, %get3A_1560] {strides = array<i32>} : memref<112x1024xf32, #tpu.memory_space<vmem>>, vector<1x16xf32>,
        %get3A_1562 = vector.shape_cast %get3A_1561 : vector<1x16xf32> to vector<16xf32>
        %mul3A_1563 = arith.constant 3.200000e+01 : f32
        %mul3A_1564 = vector.broadcast %mul3A_1563 : f32 to vector<16xf32>
        %mul3A_1565 = arith.mulf %get3A_1562, %mul3A_1564 : vector<16xf32>
        %swap3A_1566 = arith.index_cast %add3A_104 : i32 to index
        %swap3A_1567 = arith.constant 832 : index
        %swap3A_1568 = tpu.vector_load %arg6[%swap3A_1566, %swap3A_1567] {strides = array<i32>} : memref<112x1024xf32, #tpu.memory_space<vmem>>, vector<1x16xf32>,
        %swap3A_1569 = vector.shape_cast %swap3A_1568 : vector<1x16xf32> to vector<16xf32>
        %swap3A_1570 = vector.shape_cast %mul3A_1565 : vector<16xf32> to vector<1x16xf32>
        tpu.vector_store %arg6[%swap3A_1566, %swap3A_1567], %swap3A_1570 {strides = array<i32>} : memref<112x1024xf32, #tpu.memory_space<vmem>>, vector<1x16xf32>,
        %add3A_1571 = arith.constant 1 : i32
        %add3A_1572 = arith.addi %add3A_104, %add3A_1571 : i32
        %get3A_1573 = arith.index_cast %add3A_1572 : i32 to index
        %get3A_1574 = arith.constant 832 : index
        %get3A_1575 = tpu.vector_load %arg6[%get3A_1573, %get3A_1574] {strides = array<i32>} : memref<112x1024xf32, #tpu.memory_space<vmem>>, vector<1x16xf32>,
        %get3A_1576 = vector.shape_cast %get3A_1575 : vector<1x16xf32> to vector<16xf32>
        %mul3A_1577 = arith.constant 3.200000e+01 : f32
        %mul3A_1578 = vector.broadcast %mul3A_1577 : f32 to vector<16xf32>
        %mul3A_1579 = arith.mulf %get3A_1576, %mul3A_1578 : vector<16xf32>
        %add3A_1580 = arith.constant 1 : i32
        %add3A_1581 = arith.addi %add3A_104, %add3A_1580 : i32
        %swap3A_1582 = arith.index_cast %add3A_1581 : i32 to index
        %swap3A_1583 = arith.constant 832 : index
        %swap3A_1584 = tpu.vector_load %arg6[%swap3A_1582, %swap3A_1583] {strides = array<i32>} : memref<112x1024xf32, #tpu.memory_space<vmem>>, vector<1x16xf32>,
        %swap3A_1585 = vector.shape_cast %swap3A_1584 : vector<1x16xf32> to vector<16xf32>
        %swap3A_1586 = vector.shape_cast %mul3A_1579 : vector<16xf32> to vector<1x16xf32>
        tpu.vector_store %arg6[%swap3A_1582, %swap3A_1583], %swap3A_1586 {strides = array<i32>} : memref<112x1024xf32, #tpu.memory_space<vmem>>, vector<1x16xf32>,
        %get3A_1587 = arith.index_cast %add3A_104 : i32 to index
        %get3A_1588 = arith.constant 848 : index
        %get3A_1589 = tpu.vector_load %arg6[%get3A_1587, %get3A_1588] {strides = array<i32>} : memref<112x1024xf32, #tpu.memory_space<vmem>>, vector<1x16xf32>,
        %get3A_1590 = vector.shape_cast %get3A_1589 : vector<1x16xf32> to vector<16xf32>
        %mul3A_1591 = arith.constant 3.200000e+01 : f32
        %mul3A_1592 = vector.broadcast %mul3A_1591 : f32 to vector<16xf32>
        %mul3A_1593 = arith.mulf %get3A_1590, %mul3A_1592 : vector<16xf32>
        %swap3A_1594 = arith.index_cast %add3A_104 : i32 to index
        %swap3A_1595 = arith.constant 848 : index
        %swap3A_1596 = tpu.vector_load %arg6[%swap3A_1594, %swap3A_1595] {strides = array<i32>} : memref<112x1024xf32, #tpu.memory_space<vmem>>, vector<1x16xf32>,
        %swap3A_1597 = vector.shape_cast %swap3A_1596 : vector<1x16xf32> to vector<16xf32>
        %swap3A_1598 = vector.shape_cast %mul3A_1593 : vector<16xf32> to vector<1x16xf32>
        tpu.vector_store %arg6[%swap3A_1594, %swap3A_1595], %swap3A_1598 {strides = array<i32>} : memref<112x1024xf32, #tpu.memory_space<vmem>>, vector<1x16xf32>,
        %add3A_1599 = arith.constant 1 : i32
        %add3A_1600 = arith.addi %add3A_104, %add3A_1599 : i32
        %get3A_1601 = arith.index_cast %add3A_1600 : i32 to index
        %get3A_1602 = arith.constant 848 : index
        %get3A_1603 = tpu.vector_load %arg6[%get3A_1601, %get3A_1602] {strides = array<i32>} : memref<112x1024xf32, #tpu.memory_space<vmem>>, vector<1x16xf32>,
        %get3A_1604 = vector.shape_cast %get3A_1603 : vector<1x16xf32> to vector<16xf32>
        %mul3A_1605 = arith.constant 3.200000e+01 : f32
        %mul3A_1606 = vector.broadcast %mul3A_1605 : f32 to vector<16xf32>
        %mul3A_1607 = arith.mulf %get3A_1604, %mul3A_1606 : vector<16xf32>
        %add3A_1608 = arith.constant 1 : i32
        %add3A_1609 = arith.addi %add3A_104, %add3A_1608 : i32
        %swap3A_1610 = arith.index_cast %add3A_1609 : i32 to index
        %swap3A_1611 = arith.constant 848 : index
        %swap3A_1612 = tpu.vector_load %arg6[%swap3A_1610, %swap3A_1611] {strides = array<i32>} : memref<112x1024xf32, #tpu.memory_space<vmem>>, vector<1x16xf32>,
        %swap3A_1613 = vector.shape_cast %swap3A_1612 : vector<1x16xf32> to vector<16xf32>
        %swap3A_1614 = vector.shape_cast %mul3A_1607 : vector<16xf32> to vector<1x16xf32>
        tpu.vector_store %arg6[%swap3A_1610, %swap3A_1611], %swap3A_1614 {strides = array<i32>} : memref<112x1024xf32, #tpu.memory_space<vmem>>, vector<1x16xf32>,
        %get3A_1615 = arith.index_cast %add3A_104 : i32 to index
        %get3A_1616 = arith.constant 864 : index
        %get3A_1617 = tpu.vector_load %arg6[%get3A_1615, %get3A_1616] {strides = array<i32>} : memref<112x1024xf32, #tpu.memory_space<vmem>>, vector<1x16xf32>,
        %get3A_1618 = vector.shape_cast %get3A_1617 : vector<1x16xf32> to vector<16xf32>
        %mul3A_1619 = arith.constant 3.200000e+01 : f32
        %mul3A_1620 = vector.broadcast %mul3A_1619 : f32 to vector<16xf32>
        %mul3A_1621 = arith.mulf %get3A_1618, %mul3A_1620 : vector<16xf32>
        %swap3A_1622 = arith.index_cast %add3A_104 : i32 to index
        %swap3A_1623 = arith.constant 864 : index
        %swap3A_1624 = tpu.vector_load %arg6[%swap3A_1622, %swap3A_1623] {strides = array<i32>} : memref<112x1024xf32, #tpu.memory_space<vmem>>, vector<1x16xf32>,
        %swap3A_1625 = vector.shape_cast %swap3A_1624 : vector<1x16xf32> to vector<16xf32>
        %swap3A_1626 = vector.shape_cast %mul3A_1621 : vector<16xf32> to vector<1x16xf32>
        tpu.vector_store %arg6[%swap3A_1622, %swap3A_1623], %swap3A_1626 {strides = array<i32>} : memref<112x1024xf32, #tpu.memory_space<vmem>>, vector<1x16xf32>,
        %add3A_1627 = arith.constant 1 : i32
        %add3A_1628 = arith.addi %add3A_104, %add3A_1627 : i32
        %get3A_1629 = arith.index_cast %add3A_1628 : i32 to index
        %get3A_1630 = arith.constant 864 : index
        %get3A_1631 = tpu.vector_load %arg6[%get3A_1629, %get3A_1630] {strides = array<i32>} : memref<112x1024xf32, #tpu.memory_space<vmem>>, vector<1x16xf32>,
        %get3A_1632 = vector.shape_cast %get3A_1631 : vector<1x16xf32> to vector<16xf32>
        %mul3A_1633 = arith.constant 3.200000e+01 : f32
        %mul3A_1634 = vector.broadcast %mul3A_1633 : f32 to vector<16xf32>
        %mul3A_1635 = arith.mulf %get3A_1632, %mul3A_1634 : vector<16xf32>
        %add3A_1636 = arith.constant 1 : i32
        %add3A_1637 = arith.addi %add3A_104, %add3A_1636 : i32
        %swap3A_1638 = arith.index_cast %add3A_1637 : i32 to index
        %swap3A_1639 = arith.constant 864 : index
        %swap3A_1640 = tpu.vector_load %arg6[%swap3A_1638, %swap3A_1639] {strides = array<i32>} : memref<112x1024xf32, #tpu.memory_space<vmem>>, vector<1x16xf32>,
        %swap3A_1641 = vector.shape_cast %swap3A_1640 : vector<1x16xf32> to vector<16xf32>
        %swap3A_1642 = vector.shape_cast %mul3A_1635 : vector<16xf32> to vector<1x16xf32>
        tpu.vector_store %arg6[%swap3A_1638, %swap3A_1639], %swap3A_1642 {strides = array<i32>} : memref<112x1024xf32, #tpu.memory_space<vmem>>, vector<1x16xf32>,
        %get3A_1643 = arith.index_cast %add3A_104 : i32 to index
        %get3A_1644 = arith.constant 880 : index
        %get3A_1645 = tpu.vector_load %arg6[%get3A_1643, %get3A_1644] {strides = array<i32>} : memref<112x1024xf32, #tpu.memory_space<vmem>>, vector<1x16xf32>,
        %get3A_1646 = vector.shape_cast %get3A_1645 : vector<1x16xf32> to vector<16xf32>
        %mul3A_1647 = arith.constant 3.200000e+01 : f32
        %mul3A_1648 = vector.broadcast %mul3A_1647 : f32 to vector<16xf32>
        %mul3A_1649 = arith.mulf %get3A_1646, %mul3A_1648 : vector<16xf32>
        %swap3A_1650 = arith.index_cast %add3A_104 : i32 to index
        %swap3A_1651 = arith.constant 880 : index
        %swap3A_1652 = tpu.vector_load %arg6[%swap3A_1650, %swap3A_1651] {strides = array<i32>} : memref<112x1024xf32, #tpu.memory_space<vmem>>, vector<1x16xf32>,
        %swap3A_1653 = vector.shape_cast %swap3A_1652 : vector<1x16xf32> to vector<16xf32>
        %swap3A_1654 = vector.shape_cast %mul3A_1649 : vector<16xf32> to vector<1x16xf32>
        tpu.vector_store %arg6[%swap3A_1650, %swap3A_1651], %swap3A_1654 {strides = array<i32>} : memref<112x1024xf32, #tpu.memory_space<vmem>>, vector<1x16xf32>,
        %add3A_1655 = arith.constant 1 : i32
        %add3A_1656 = arith.addi %add3A_104, %add3A_1655 : i32
        %get3A_1657 = arith.index_cast %add3A_1656 : i32 to index
        %get3A_1658 = arith.constant 880 : index
        %get3A_1659 = tpu.vector_load %arg6[%get3A_1657, %get3A_1658] {strides = array<i32>} : memref<112x1024xf32, #tpu.memory_space<vmem>>, vector<1x16xf32>,
        %get3A_1660 = vector.shape_cast %get3A_1659 : vector<1x16xf32> to vector<16xf32>
        %mul3A_1661 = arith.constant 3.200000e+01 : f32
        %mul3A_1662 = vector.broadcast %mul3A_1661 : f32 to vector<16xf32>
        %mul3A_1663 = arith.mulf %get3A_1660, %mul3A_1662 : vector<16xf32>
        %add3A_1664 = arith.constant 1 : i32
        %add3A_1665 = arith.addi %add3A_104, %add3A_1664 : i32
        %swap3A_1666 = arith.index_cast %add3A_1665 : i32 to index
        %swap3A_1667 = arith.constant 880 : index
        %swap3A_1668 = tpu.vector_load %arg6[%swap3A_1666, %swap3A_1667] {strides = array<i32>} : memref<112x1024xf32, #tpu.memory_space<vmem>>, vector<1x16xf32>,
        %swap3A_1669 = vector.shape_cast %swap3A_1668 : vector<1x16xf32> to vector<16xf32>
        %swap3A_1670 = vector.shape_cast %mul3A_1663 : vector<16xf32> to vector<1x16xf32>
        tpu.vector_store %arg6[%swap3A_1666, %swap3A_1667], %swap3A_1670 {strides = array<i32>} : memref<112x1024xf32, #tpu.memory_space<vmem>>, vector<1x16xf32>,
        %get3A_1671 = arith.index_cast %add3A_104 : i32 to index
        %get3A_1672 = arith.constant 896 : index
        %get3A_1673 = tpu.vector_load %arg6[%get3A_1671, %get3A_1672] {strides = array<i32>} : memref<112x1024xf32, #tpu.memory_space<vmem>>, vector<1x16xf32>,
        %get3A_1674 = vector.shape_cast %get3A_1673 : vector<1x16xf32> to vector<16xf32>
        %mul3A_1675 = arith.constant 3.200000e+01 : f32
        %mul3A_1676 = vector.broadcast %mul3A_1675 : f32 to vector<16xf32>
        %mul3A_1677 = arith.mulf %get3A_1674, %mul3A_1676 : vector<16xf32>
        %swap3A_1678 = arith.index_cast %add3A_104 : i32 to index
        %swap3A_1679 = arith.constant 896 : index
        %swap3A_1680 = tpu.vector_load %arg6[%swap3A_1678, %swap3A_1679] {strides = array<i32>} : memref<112x1024xf32, #tpu.memory_space<vmem>>, vector<1x16xf32>,
        %swap3A_1681 = vector.shape_cast %swap3A_1680 : vector<1x16xf32> to vector<16xf32>
        %swap3A_1682 = vector.shape_cast %mul3A_1677 : vector<16xf32> to vector<1x16xf32>
        tpu.vector_store %arg6[%swap3A_1678, %swap3A_1679], %swap3A_1682 {strides = array<i32>} : memref<112x1024xf32, #tpu.memory_space<vmem>>, vector<1x16xf32>,
        %add3A_1683 = arith.constant 1 : i32
        %add3A_1684 = arith.addi %add3A_104, %add3A_1683 : i32
        %get3A_1685 = arith.index_cast %add3A_1684 : i32 to index
        %get3A_1686 = arith.constant 896 : index
        %get3A_1687 = tpu.vector_load %arg6[%get3A_1685, %get3A_1686] {strides = array<i32>} : memref<112x1024xf32, #tpu.memory_space<vmem>>, vector<1x16xf32>,
        %get3A_1688 = vector.shape_cast %get3A_1687 : vector<1x16xf32> to vector<16xf32>
        %mul3A_1689 = arith.constant 3.200000e+01 : f32
        %mul3A_1690 = vector.broadcast %mul3A_1689 : f32 to vector<16xf32>
        %mul3A_1691 = arith.mulf %get3A_1688, %mul3A_1690 : vector<16xf32>
        %add3A_1692 = arith.constant 1 : i32
        %add3A_1693 = arith.addi %add3A_104, %add3A_1692 : i32
        %swap3A_1694 = arith.index_cast %add3A_1693 : i32 to index
        %swap3A_1695 = arith.constant 896 : index
        %swap3A_1696 = tpu.vector_load %arg6[%swap3A_1694, %swap3A_1695] {strides = array<i32>} : memref<112x1024xf32, #tpu.memory_space<vmem>>, vector<1x16xf32>,
        %swap3A_1697 = vector.shape_cast %swap3A_1696 : vector<1x16xf32> to vector<16xf32>
        %swap3A_1698 = vector.shape_cast %mul3A_1691 : vector<16xf32> to vector<1x16xf32>
        tpu.vector_store %arg6[%swap3A_1694, %swap3A_1695], %swap3A_1698 {strides = array<i32>} : memref<112x1024xf32, #tpu.memory_space<vmem>>, vector<1x16xf32>,
        %get3A_1699 = arith.index_cast %add3A_104 : i32 to index
        %get3A_1700 = arith.constant 912 : index
        %get3A_1701 = tpu.vector_load %arg6[%get3A_1699, %get3A_1700] {strides = array<i32>} : memref<112x1024xf32, #tpu.memory_space<vmem>>, vector<1x16xf32>,
        %get3A_1702 = vector.shape_cast %get3A_1701 : vector<1x16xf32> to vector<16xf32>
        %mul3A_1703 = arith.constant 3.200000e+01 : f32
        %mul3A_1704 = vector.broadcast %mul3A_1703 : f32 to vector<16xf32>
        %mul3A_1705 = arith.mulf %get3A_1702, %mul3A_1704 : vector<16xf32>
        %swap3A_1706 = arith.index_cast %add3A_104 : i32 to index
        %swap3A_1707 = arith.constant 912 : index
        %swap3A_1708 = tpu.vector_load %arg6[%swap3A_1706, %swap3A_1707] {strides = array<i32>} : memref<112x1024xf32, #tpu.memory_space<vmem>>, vector<1x16xf32>,
        %swap3A_1709 = vector.shape_cast %swap3A_1708 : vector<1x16xf32> to vector<16xf32>
        %swap3A_1710 = vector.shape_cast %mul3A_1705 : vector<16xf32> to vector<1x16xf32>
        tpu.vector_store %arg6[%swap3A_1706, %swap3A_1707], %swap3A_1710 {strides = array<i32>} : memref<112x1024xf32, #tpu.memory_space<vmem>>, vector<1x16xf32>,
        %add3A_1711 = arith.constant 1 : i32
        %add3A_1712 = arith.addi %add3A_104, %add3A_1711 : i32
        %get3A_1713 = arith.index_cast %add3A_1712 : i32 to index
        %get3A_1714 = arith.constant 912 : index
        %get3A_1715 = tpu.vector_load %arg6[%get3A_1713, %get3A_1714] {strides = array<i32>} : memref<112x1024xf32, #tpu.memory_space<vmem>>, vector<1x16xf32>,
        %get3A_1716 = vector.shape_cast %get3A_1715 : vector<1x16xf32> to vector<16xf32>
        %mul3A_1717 = arith.constant 3.200000e+01 : f32
        %mul3A_1718 = vector.broadcast %mul3A_1717 : f32 to vector<16xf32>
        %mul3A_1719 = arith.mulf %get3A_1716, %mul3A_1718 : vector<16xf32>
        %add3A_1720 = arith.constant 1 : i32
        %add3A_1721 = arith.addi %add3A_104, %add3A_1720 : i32
        %swap3A_1722 = arith.index_cast %add3A_1721 : i32 to index
        %swap3A_1723 = arith.constant 912 : index
        %swap3A_1724 = tpu.vector_load %arg6[%swap3A_1722, %swap3A_1723] {strides = array<i32>} : memref<112x1024xf32, #tpu.memory_space<vmem>>, vector<1x16xf32>,
        %swap3A_1725 = vector.shape_cast %swap3A_1724 : vector<1x16xf32> to vector<16xf32>
        %swap3A_1726 = vector.shape_cast %mul3A_1719 : vector<16xf32> to vector<1x16xf32>
        tpu.vector_store %arg6[%swap3A_1722, %swap3A_1723], %swap3A_1726 {strides = array<i32>} : memref<112x1024xf32, #tpu.memory_space<vmem>>, vector<1x16xf32>,
        %get3A_1727 = arith.index_cast %add3A_104 : i32 to index
        %get3A_1728 = arith.constant 928 : index
        %get3A_1729 = tpu.vector_load %arg6[%get3A_1727, %get3A_1728] {strides = array<i32>} : memref<112x1024xf32, #tpu.memory_space<vmem>>, vector<1x16xf32>,
        %get3A_1730 = vector.shape_cast %get3A_1729 : vector<1x16xf32> to vector<16xf32>
        %mul3A_1731 = arith.constant 3.200000e+01 : f32
        %mul3A_1732 = vector.broadcast %mul3A_1731 : f32 to vector<16xf32>
        %mul3A_1733 = arith.mulf %get3A_1730, %mul3A_1732 : vector<16xf32>
        %swap3A_1734 = arith.index_cast %add3A_104 : i32 to index
        %swap3A_1735 = arith.constant 928 : index
        %swap3A_1736 = tpu.vector_load %arg6[%swap3A_1734, %swap3A_1735] {strides = array<i32>} : memref<112x1024xf32, #tpu.memory_space<vmem>>, vector<1x16xf32>,
        %swap3A_1737 = vector.shape_cast %swap3A_1736 : vector<1x16xf32> to vector<16xf32>
        %swap3A_1738 = vector.shape_cast %mul3A_1733 : vector<16xf32> to vector<1x16xf32>
        tpu.vector_store %arg6[%swap3A_1734, %swap3A_1735], %swap3A_1738 {strides = array<i32>} : memref<112x1024xf32, #tpu.memory_space<vmem>>, vector<1x16xf32>,
        %add3A_1739 = arith.constant 1 : i32
        %add3A_1740 = arith.addi %add3A_104, %add3A_1739 : i32
        %get3A_1741 = arith.index_cast %add3A_1740 : i32 to index
        %get3A_1742 = arith.constant 928 : index
        %get3A_1743 = tpu.vector_load %arg6[%get3A_1741, %get3A_1742] {strides = array<i32>} : memref<112x1024xf32, #tpu.memory_space<vmem>>, vector<1x16xf32>,
        %get3A_1744 = vector.shape_cast %get3A_1743 : vector<1x16xf32> to vector<16xf32>
        %mul3A_1745 = arith.constant 3.200000e+01 : f32
        %mul3A_1746 = vector.broadcast %mul3A_1745 : f32 to vector<16xf32>
        %mul3A_1747 = arith.mulf %get3A_1744, %mul3A_1746 : vector<16xf32>
        %add3A_1748 = arith.constant 1 : i32
        %add3A_1749 = arith.addi %add3A_104, %add3A_1748 : i32
        %swap3A_1750 = arith.index_cast %add3A_1749 : i32 to index
        %swap3A_1751 = arith.constant 928 : index
        %swap3A_1752 = tpu.vector_load %arg6[%swap3A_1750, %swap3A_1751] {strides = array<i32>} : memref<112x1024xf32, #tpu.memory_space<vmem>>, vector<1x16xf32>,
        %swap3A_1753 = vector.shape_cast %swap3A_1752 : vector<1x16xf32> to vector<16xf32>
        %swap3A_1754 = vector.shape_cast %mul3A_1747 : vector<16xf32> to vector<1x16xf32>
        tpu.vector_store %arg6[%swap3A_1750, %swap3A_1751], %swap3A_1754 {strides = array<i32>} : memref<112x1024xf32, #tpu.memory_space<vmem>>, vector<1x16xf32>,
        %get3A_1755 = arith.index_cast %add3A_104 : i32 to index
        %get3A_1756 = arith.constant 944 : index
        %get3A_1757 = tpu.vector_load %arg6[%get3A_1755, %get3A_1756] {strides = array<i32>} : memref<112x1024xf32, #tpu.memory_space<vmem>>, vector<1x16xf32>,
        %get3A_1758 = vector.shape_cast %get3A_1757 : vector<1x16xf32> to vector<16xf32>
        %mul3A_1759 = arith.constant 3.200000e+01 : f32
        %mul3A_1760 = vector.broadcast %mul3A_1759 : f32 to vector<16xf32>
        %mul3A_1761 = arith.mulf %get3A_1758, %mul3A_1760 : vector<16xf32>
        %swap3A_1762 = arith.index_cast %add3A_104 : i32 to index
        %swap3A_1763 = arith.constant 944 : index
        %swap3A_1764 = tpu.vector_load %arg6[%swap3A_1762, %swap3A_1763] {strides = array<i32>} : memref<112x1024xf32, #tpu.memory_space<vmem>>, vector<1x16xf32>,
        %swap3A_1765 = vector.shape_cast %swap3A_1764 : vector<1x16xf32> to vector<16xf32>
        %swap3A_1766 = vector.shape_cast %mul3A_1761 : vector<16xf32> to vector<1x16xf32>
        tpu.vector_store %arg6[%swap3A_1762, %swap3A_1763], %swap3A_1766 {strides = array<i32>} : memref<112x1024xf32, #tpu.memory_space<vmem>>, vector<1x16xf32>,
        %add3A_1767 = arith.constant 1 : i32
        %add3A_1768 = arith.addi %add3A_104, %add3A_1767 : i32
        %get3A_1769 = arith.index_cast %add3A_1768 : i32 to index
        %get3A_1770 = arith.constant 944 : index
        %get3A_1771 = tpu.vector_load %arg6[%get3A_1769, %get3A_1770] {strides = array<i32>} : memref<112x1024xf32, #tpu.memory_space<vmem>>, vector<1x16xf32>,
        %get3A_1772 = vector.shape_cast %get3A_1771 : vector<1x16xf32> to vector<16xf32>
        %mul3A_1773 = arith.constant 3.200000e+01 : f32
        %mul3A_1774 = vector.broadcast %mul3A_1773 : f32 to vector<16xf32>
        %mul3A_1775 = arith.mulf %get3A_1772, %mul3A_1774 : vector<16xf32>
        %add3A_1776 = arith.constant 1 : i32
        %add3A_1777 = arith.addi %add3A_104, %add3A_1776 : i32
        %swap3A_1778 = arith.index_cast %add3A_1777 : i32 to index
        %swap3A_1779 = arith.constant 944 : index
        %swap3A_1780 = tpu.vector_load %arg6[%swap3A_1778, %swap3A_1779] {strides = array<i32>} : memref<112x1024xf32, #tpu.memory_space<vmem>>, vector<1x16xf32>,
        %swap3A_1781 = vector.shape_cast %swap3A_1780 : vector<1x16xf32> to vector<16xf32>
        %swap3A_1782 = vector.shape_cast %mul3A_1775 : vector<16xf32> to vector<1x16xf32>
        tpu.vector_store %arg6[%swap3A_1778, %swap3A_1779], %swap3A_1782 {strides = array<i32>} : memref<112x1024xf32, #tpu.memory_space<vmem>>, vector<1x16xf32>,
        %get3A_1783 = arith.index_cast %add3A_104 : i32 to index
        %get3A_1784 = arith.constant 960 : index
        %get3A_1785 = tpu.vector_load %arg6[%get3A_1783, %get3A_1784] {strides = array<i32>} : memref<112x1024xf32, #tpu.memory_space<vmem>>, vector<1x16xf32>,
        %get3A_1786 = vector.shape_cast %get3A_1785 : vector<1x16xf32> to vector<16xf32>
        %mul3A_1787 = arith.constant 3.200000e+01 : f32
        %mul3A_1788 = vector.broadcast %mul3A_1787 : f32 to vector<16xf32>
        %mul3A_1789 = arith.mulf %get3A_1786, %mul3A_1788 : vector<16xf32>
        %swap3A_1790 = arith.index_cast %add3A_104 : i32 to index
        %swap3A_1791 = arith.constant 960 : index
        %swap3A_1792 = tpu.vector_load %arg6[%swap3A_1790, %swap3A_1791] {strides = array<i32>} : memref<112x1024xf32, #tpu.memory_space<vmem>>, vector<1x16xf32>,
        %swap3A_1793 = vector.shape_cast %swap3A_1792 : vector<1x16xf32> to vector<16xf32>
        %swap3A_1794 = vector.shape_cast %mul3A_1789 : vector<16xf32> to vector<1x16xf32>
        tpu.vector_store %arg6[%swap3A_1790, %swap3A_1791], %swap3A_1794 {strides = array<i32>} : memref<112x1024xf32, #tpu.memory_space<vmem>>, vector<1x16xf32>,
        %add3A_1795 = arith.constant 1 : i32
        %add3A_1796 = arith.addi %add3A_104, %add3A_1795 : i32
        %get3A_1797 = arith.index_cast %add3A_1796 : i32 to index
        %get3A_1798 = arith.constant 960 : index
        %get3A_1799 = tpu.vector_load %arg6[%get3A_1797, %get3A_1798] {strides = array<i32>} : memref<112x1024xf32, #tpu.memory_space<vmem>>, vector<1x16xf32>,
        %get3A_1800 = vector.shape_cast %get3A_1799 : vector<1x16xf32> to vector<16xf32>
        %mul3A_1801 = arith.constant 3.200000e+01 : f32
        %mul3A_1802 = vector.broadcast %mul3A_1801 : f32 to vector<16xf32>
        %mul3A_1803 = arith.mulf %get3A_1800, %mul3A_1802 : vector<16xf32>
        %add3A_1804 = arith.constant 1 : i32
        %add3A_1805 = arith.addi %add3A_104, %add3A_1804 : i32
        %swap3A_1806 = arith.index_cast %add3A_1805 : i32 to index
        %swap3A_1807 = arith.constant 960 : index
        %swap3A_1808 = tpu.vector_load %arg6[%swap3A_1806, %swap3A_1807] {strides = array<i32>} : memref<112x1024xf32, #tpu.memory_space<vmem>>, vector<1x16xf32>,
        %swap3A_1809 = vector.shape_cast %swap3A_1808 : vector<1x16xf32> to vector<16xf32>
        %swap3A_1810 = vector.shape_cast %mul3A_1803 : vector<16xf32> to vector<1x16xf32>
        tpu.vector_store %arg6[%swap3A_1806, %swap3A_1807], %swap3A_1810 {strides = array<i32>} : memref<112x1024xf32, #tpu.memory_space<vmem>>, vector<1x16xf32>,
        %get3A_1811 = arith.index_cast %add3A_104 : i32 to index
        %get3A_1812 = arith.constant 976 : index
        %get3A_1813 = tpu.vector_load %arg6[%get3A_1811, %get3A_1812] {strides = array<i32>} : memref<112x1024xf32, #tpu.memory_space<vmem>>, vector<1x16xf32>,
        %get3A_1814 = vector.shape_cast %get3A_1813 : vector<1x16xf32> to vector<16xf32>
        %mul3A_1815 = arith.constant 3.200000e+01 : f32
        %mul3A_1816 = vector.broadcast %mul3A_1815 : f32 to vector<16xf32>
        %mul3A_1817 = arith.mulf %get3A_1814, %mul3A_1816 : vector<16xf32>
        %swap3A_1818 = arith.index_cast %add3A_104 : i32 to index
        %swap3A_1819 = arith.constant 976 : index
        %swap3A_1820 = tpu.vector_load %arg6[%swap3A_1818, %swap3A_1819] {strides = array<i32>} : memref<112x1024xf32, #tpu.memory_space<vmem>>, vector<1x16xf32>,
        %swap3A_1821 = vector.shape_cast %swap3A_1820 : vector<1x16xf32> to vector<16xf32>
        %swap3A_1822 = vector.shape_cast %mul3A_1817 : vector<16xf32> to vector<1x16xf32>
        tpu.vector_store %arg6[%swap3A_1818, %swap3A_1819], %swap3A_1822 {strides = array<i32>} : memref<112x1024xf32, #tpu.memory_space<vmem>>, vector<1x16xf32>,
        %add3A_1823 = arith.constant 1 : i32
        %add3A_1824 = arith.addi %add3A_104, %add3A_1823 : i32
        %get3A_1825 = arith.index_cast %add3A_1824 : i32 to index
        %get3A_1826 = arith.constant 976 : index
        %get3A_1827 = tpu.vector_load %arg6[%get3A_1825, %get3A_1826] {strides = array<i32>} : memref<112x1024xf32, #tpu.memory_space<vmem>>, vector<1x16xf32>,
        %get3A_1828 = vector.shape_cast %get3A_1827 : vector<1x16xf32> to vector<16xf32>
        %mul3A_1829 = arith.constant 3.200000e+01 : f32
        %mul3A_1830 = vector.broadcast %mul3A_1829 : f32 to vector<16xf32>
        %mul3A_1831 = arith.mulf %get3A_1828, %mul3A_1830 : vector<16xf32>
        %add3A_1832 = arith.constant 1 : i32
        %add3A_1833 = arith.addi %add3A_104, %add3A_1832 : i32
        %swap3A_1834 = arith.index_cast %add3A_1833 : i32 to index
        %swap3A_1835 = arith.constant 976 : index
        %swap3A_1836 = tpu.vector_load %arg6[%swap3A_1834, %swap3A_1835] {strides = array<i32>} : memref<112x1024xf32, #tpu.memory_space<vmem>>, vector<1x16xf32>,
        %swap3A_1837 = vector.shape_cast %swap3A_1836 : vector<1x16xf32> to vector<16xf32>
        %swap3A_1838 = vector.shape_cast %mul3A_1831 : vector<16xf32> to vector<1x16xf32>
        tpu.vector_store %arg6[%swap3A_1834, %swap3A_1835], %swap3A_1838 {strides = array<i32>} : memref<112x1024xf32, #tpu.memory_space<vmem>>, vector<1x16xf32>,
        %get3A_1839 = arith.index_cast %add3A_104 : i32 to index
        %get3A_1840 = arith.constant 992 : index
        %get3A_1841 = tpu.vector_load %arg6[%get3A_1839, %get3A_1840] {strides = array<i32>} : memref<112x1024xf32, #tpu.memory_space<vmem>>, vector<1x16xf32>,
        %get3A_1842 = vector.shape_cast %get3A_1841 : vector<1x16xf32> to vector<16xf32>
        %mul3A_1843 = arith.constant 3.200000e+01 : f32
        %mul3A_1844 = vector.broadcast %mul3A_1843 : f32 to vector<16xf32>
        %mul3A_1845 = arith.mulf %get3A_1842, %mul3A_1844 : vector<16xf32>
        %swap3A_1846 = arith.index_cast %add3A_104 : i32 to index
        %swap3A_1847 = arith.constant 992 : index
        %swap3A_1848 = tpu.vector_load %arg6[%swap3A_1846, %swap3A_1847] {strides = array<i32>} : memref<112x1024xf32, #tpu.memory_space<vmem>>, vector<1x16xf32>,
        %swap3A_1849 = vector.shape_cast %swap3A_1848 : vector<1x16xf32> to vector<16xf32>
        %swap3A_1850 = vector.shape_cast %mul3A_1845 : vector<16xf32> to vector<1x16xf32>
        tpu.vector_store %arg6[%swap3A_1846, %swap3A_1847], %swap3A_1850 {strides = array<i32>} : memref<112x1024xf32, #tpu.memory_space<vmem>>, vector<1x16xf32>,
        %add3A_1851 = arith.constant 1 : i32
        %add3A_1852 = arith.addi %add3A_104, %add3A_1851 : i32
        %get3A_1853 = arith.index_cast %add3A_1852 : i32 to index
        %get3A_1854 = arith.constant 992 : index
        %get3A_1855 = tpu.vector_load %arg6[%get3A_1853, %get3A_1854] {strides = array<i32>} : memref<112x1024xf32, #tpu.memory_space<vmem>>, vector<1x16xf32>,
        %get3A_1856 = vector.shape_cast %get3A_1855 : vector<1x16xf32> to vector<16xf32>
        %mul3A_1857 = arith.constant 3.200000e+01 : f32
        %mul3A_1858 = vector.broadcast %mul3A_1857 : f32 to vector<16xf32>
        %mul3A_1859 = arith.mulf %get3A_1856, %mul3A_1858 : vector<16xf32>
        %add3A_1860 = arith.constant 1 : i32
        %add3A_1861 = arith.addi %add3A_104, %add3A_1860 : i32
        %swap3A_1862 = arith.index_cast %add3A_1861 : i32 to index
        %swap3A_1863 = arith.constant 992 : index
        %swap3A_1864 = tpu.vector_load %arg6[%swap3A_1862, %swap3A_1863] {strides = array<i32>} : memref<112x1024xf32, #tpu.memory_space<vmem>>, vector<1x16xf32>,
        %swap3A_1865 = vector.shape_cast %swap3A_1864 : vector<1x16xf32> to vector<16xf32>
        %swap3A_1866 = vector.shape_cast %mul3A_1859 : vector<16xf32> to vector<1x16xf32>
        tpu.vector_store %arg6[%swap3A_1862, %swap3A_1863], %swap3A_1866 {strides = array<i32>} : memref<112x1024xf32, #tpu.memory_space<vmem>>, vector<1x16xf32>,
        %get3A_1867 = arith.index_cast %add3A_104 : i32 to index
        %get3A_1868 = arith.constant 1008 : index
        %get3A_1869 = tpu.vector_load %arg6[%get3A_1867, %get3A_1868] {strides = array<i32>} : memref<112x1024xf32, #tpu.memory_space<vmem>>, vector<1x16xf32>,
        %get3A_1870 = vector.shape_cast %get3A_1869 : vector<1x16xf32> to vector<16xf32>
        %mul3A_1871 = arith.constant 3.200000e+01 : f32
        %mul3A_1872 = vector.broadcast %mul3A_1871 : f32 to vector<16xf32>
        %mul3A_1873 = arith.mulf %get3A_1870, %mul3A_1872 : vector<16xf32>
        %swap3A_1874 = arith.index_cast %add3A_104 : i32 to index
        %swap3A_1875 = arith.constant 1008 : index
        %swap3A_1876 = tpu.vector_load %arg6[%swap3A_1874, %swap3A_1875] {strides = array<i32>} : memref<112x1024xf32, #tpu.memory_space<vmem>>, vector<1x16xf32>,
        %swap3A_1877 = vector.shape_cast %swap3A_1876 : vector<1x16xf32> to vector<16xf32>
        %swap3A_1878 = vector.shape_cast %mul3A_1873 : vector<16xf32> to vector<1x16xf32>
        tpu.vector_store %arg6[%swap3A_1874, %swap3A_1875], %swap3A_1878 {strides = array<i32>} : memref<112x1024xf32, #tpu.memory_space<vmem>>, vector<1x16xf32>,
        %add3A_1879 = arith.constant 1 : i32
        %add3A_1880 = arith.addi %add3A_104, %add3A_1879 : i32
        %get3A_1881 = arith.index_cast %add3A_1880 : i32 to index
        %get3A_1882 = arith.constant 1008 : index
        %get3A_1883 = tpu.vector_load %arg6[%get3A_1881, %get3A_1882] {strides = array<i32>} : memref<112x1024xf32, #tpu.memory_space<vmem>>, vector<1x16xf32>,
        %get3A_1884 = vector.shape_cast %get3A_1883 : vector<1x16xf32> to vector<16xf32>
        %mul3A_1885 = arith.constant 3.200000e+01 : f32
        %mul3A_1886 = vector.broadcast %mul3A_1885 : f32 to vector<16xf32>
        %mul3A_1887 = arith.mulf %get3A_1884, %mul3A_1886 : vector<16xf32>
        %add3A_1888 = arith.constant 1 : i32
        %add3A_1889 = arith.addi %add3A_104, %add3A_1888 : i32
        %swap3A_1890 = arith.index_cast %add3A_1889 : i32 to index
        %swap3A_1891 = arith.constant 1008 : index
        %swap3A_1892 = tpu.vector_load %arg6[%swap3A_1890, %swap3A_1891] {strides = array<i32>} : memref<112x1024xf32, #tpu.memory_space<vmem>>, vector<1x16xf32>,
        %swap3A_1893 = vector.shape_cast %swap3A_1892 : vector<1x16xf32> to vector<16xf32>
        %swap3A_1894 = vector.shape_cast %mul3A_1887 : vector<16xf32> to vector<1x16xf32>
        tpu.vector_store %arg6[%swap3A_1890, %swap3A_1891], %swap3A_1894 {strides = array<i32>} : memref<112x1024xf32, #tpu.memory_space<vmem>>, vector<1x16xf32>,
      }
      %scan3A_84 = arith.constant 8 : i32
      %mul3A_85 = arith.constant 16 : i32
      %mul3A_86 = arith.muli %rem3A_52, %mul3A_85 : i32
      %mul3A_87 = arith.constant 16 : i32
      %mul3A_88 = arith.muli %scan3A_50, %mul3A_87 : i32
      %add3A_89 = arith.addi %mul3A_32, %mul3A_88 : i32
      %dma_start3A = arith.constant 0 : i32
      %dma_start3A_90 = tpu.memref_slice %arg6[%mul3A_86, %dma_start3A] : memref<112x1024xf32, #tpu.memory_space<vmem>> -> memref<16x1024xf32, #tpu.memory_space<vmem>>
      %dma_start3A_91 = arith.constant 0 : i32
      %dma_start3A_92 = tpu.memref_slice %arg4[%select_n3A, %add3A_89, %dma_start3A_91] : memref<4x2048x1024xf32, #tpu.memory_space<hbm>> -> memref<1x16x1024xf32, #tpu.memory_space<hbm>>
      %dma_start3A_93 = tpu.memref_squeeze %dma_start3A_92 : memref<1x16x1024xf32, #tpu.memory_space<hbm>> -> memref<16x1024xf32, #tpu.memory_space<hbm>>
      %dma_start3A_94 = tpu.memref_slice %arg8[%rem3A_52] : memref<7x!tpu.dma_semaphore, #tpu.memory_space<semaphore_mem>> -> memref<1x!tpu.dma_semaphore, #tpu.memory_space<semaphore_mem>>
      %dma_start3A_95 = tpu.memref_squeeze %dma_start3A_94 : memref<1x!tpu.dma_semaphore, #tpu.memory_space<semaphore_mem>> -> memref<!tpu.dma_semaphore, #tpu.memory_space<semaphore_mem>>
      %dma_start3A_96 = arith.constant 0 : i32
      %dma_start3A_97 = tpu.memref_slice %arg4[%select_n3A, %add3A_89, %dma_start3A_96] : memref<4x2048x1024xf32, #tpu.memory_space<hbm>> -> memref<1x16x1024xf32, #tpu.memory_space<hbm>>
      %dma_start3A_98 = tpu.memref_squeeze %dma_start3A_97 : memref<1x16x1024xf32, #tpu.memory_space<hbm>> -> memref<16x1024xf32, #tpu.memory_space<hbm>>
      %dma_start3A_99 = arith.constant 0 : i32
      %dma_start3A_100 = tpu.memref_slice %arg6[%mul3A_86, %dma_start3A_99] : memref<112x1024xf32, #tpu.memory_space<vmem>> -> memref<16x1024xf32, #tpu.memory_space<vmem>>
      tpu.enqueue_dma source(%dma_start3A_100 : memref<16x1024xf32, #tpu.memory_space<vmem>>) target(%dma_start3A_98 : memref<16x1024xf32, #tpu.memory_space<hbm>>) target_semaphore(%dma_start3A_95 : memref<!tpu.dma_semaphore, #tpu.memory_space<semaphore_mem>>)
    }
    %scan3A_43 = arith.constant 16 : i32
    %scan3A_44 = arith.constant 0 : i32
    %scan3A_45 = arith.constant 9 : i32
    %scan3A_46 = arith.constant 7 : i32
    %scan3A_47 = arith.addi %scan3A_45, %scan3A_46 : i32
    %scan3A_48 = arith.constant 1 : i32
    scf.for %scan3A_50 = %scan3A_45 to %scan3A_47 step %scan3A_48  : i32 {
      %rem3A_51 = arith.constant 7 : i32
      %rem3A_52 = arith.remsi %scan3A_50, %rem3A_51 : i32
      %mul3A_53 = arith.constant 16 : i32
      %mul3A_54 = arith.muli %rem3A_52, %mul3A_53 : i32
      %mul3A_55 = arith.constant 16 : i32
      %mul3A_56 = arith.muli %scan3A_50, %mul3A_55 : i32
      %add3A_57 = arith.addi %mul3A_32, %mul3A_56 : i32
      %dma_wait3A = arith.constant 0 : i32
      %dma_wait3A_58 = tpu.memref_slice %arg6[%mul3A_54, %dma_wait3A] : memref<112x1024xf32, #tpu.memory_space<vmem>> -> memref<16x1024xf32, #tpu.memory_space<vmem>>
      %dma_wait3A_59 = arith.constant 0 : i32
      %dma_wait3A_60 = tpu.memref_slice %arg4[%select_n3A, %add3A_57, %dma_wait3A_59] : memref<4x2048x1024xf32, #tpu.memory_space<hbm>> -> memref<1x16x1024xf32, #tpu.memory_space<hbm>>
      %dma_wait3A_61 = tpu.memref_squeeze %dma_wait3A_60 : memref<1x16x1024xf32, #tpu.memory_space<hbm>> -> memref<16x1024xf32, #tpu.memory_space<hbm>>
      %dma_wait3A_62 = tpu.memref_slice %arg8[%rem3A_52] : memref<7x!tpu.dma_semaphore, #tpu.memory_space<semaphore_mem>> -> memref<1x!tpu.dma_semaphore, #tpu.memory_space<semaphore_mem>>
      %dma_wait3A_63 = tpu.memref_squeeze %dma_wait3A_62 : memref<1x!tpu.dma_semaphore, #tpu.memory_space<semaphore_mem>> -> memref<!tpu.dma_semaphore, #tpu.memory_space<semaphore_mem>>
      %dma_wait3A_64 = arith.constant 0 : i32
      %dma_wait3A_65 = tpu.memref_slice %arg4[%select_n3A, %add3A_57, %dma_wait3A_64] : memref<4x2048x1024xf32, #tpu.memory_space<hbm>> -> memref<1x16x1024xf32, #tpu.memory_space<hbm>>
      %dma_wait3A_66 = tpu.memref_squeeze %dma_wait3A_65 : memref<1x16x1024xf32, #tpu.memory_space<hbm>> -> memref<16x1024xf32, #tpu.memory_space<hbm>>
      %dma_wait3A_67 = arith.constant 0 : i32
      %dma_wait3A_68 = tpu.memref_slice %arg6[%mul3A_54, %dma_wait3A_67] : memref<112x1024xf32, #tpu.memory_space<vmem>> -> memref<16x1024xf32, #tpu.memory_space<vmem>>
      tpu.wait_dma2 semaphore(%dma_wait3A_63 : memref<!tpu.dma_semaphore, #tpu.memory_space<semaphore_mem>>) src(%dma_wait3A_68 : memref<16x1024xf32, #tpu.memory_space<vmem>>) dst(%dma_wait3A_66 : memref<16x1024xf32, #tpu.memory_space<hbm>>)
    }
    %scan3A_49 = arith.constant 7 : i32
    return
  }
}

</mosaic_0001>

<sc_bundles>
// kernel: _emb_lookup.3.cloned.1.call-start
scs
__scs_entry_jumppad:
0x0: {  	(pc) =	sbr.rel $0x88, $3  }
0x1: {  	(tag) =	ssettag $0x0;
	lr =	simm.s32 $0x1  }
0x2: {  	[smem:$0x3F9F] =	sst lr;
	_ =	strace $0xD0000000  }
0x3: {  	_ = 	snop  }
0x4: {  	_ = 	snop  }
0x5: {  	_ = 	snop  }
0x6: {  	_ = 	snop  }
0x7: {  	_ = 	snop  }
__scs_overlays_trampoline_lowered:
0x8: {  	[smem:$0x3FAE] =	sst s0  }
0x9: {  	[smem:$0x3FAF] =	sst s1  }
0xa: {  	[smem:$0x3FB0] =	sst s2  }
0xb: {  	[smem:$0x3FB1] =	sst s3  }
0xc: {  	[smem:$0x3FB2] =	sst s4  }
0xd: {  	[smem:$0x3FB3] =	sst s5  }
0xe: {  	[smem:$0x3FB4] =	sst s6  }
0xf: {  	[smem:$0x3FB5] =	sst s7  }
0x10: {  	[smem:$0x3FB6] =	sst s8  }
0x11: {  	[smem:$0x3FB7] =	sst s9;
	s0 =	simm.s32 @!p0 $0x0  }
0x12: {  	s1 =	sld [smem:$0x3F9D];
	s0 =	simm.s32 @p0 $0x1  }
0x13: {  	[smem:$0x3FB8] =	sst s0;
	s0 =	simm.s32 @!p1 $0x0  }
0x14: {  	s2 =	sld [smem:$0x3F9C];
	s0 =	simm.s32 @p1 $0x1  }
0x15: {  	[smem:$0x3FB9] =	sst s0;
	s0 =	simm.s32 @!p2 $0x0  }
0x16: {  	s3 =	sld [smem:$0x3FDB];
	s0 =	simm.s32 @p2 $0x1  }
0x17: {  	s4 =	simm.s32 $0x1BF5;
	[smem:$0x3FBB] =	sst s0  }
0x18: {  	s0 =	sld [smem:$0x3F9E];
	_ =	swait.ge [sflag:s4], $0x0  }
0x19: {  	s7 =	sld [smem:$0x3F9F]  }
0x1a: {  	s8 =	sadd.s32 $0xFFFFE003, lr  }
0x1b: {  	s9 =	sadd.s32 $0xFFFFFEF7, lr;
	s5 =	simm.s32 $0xFFFFFFFF;
	p2 =	slt.u32 s8, $0xFFFFF086  }
0x1c: {  	p1 =	slt.u32 s9, $0xF7A;
	s5 =	simm.s32 @!p2 $0x0  }
0x1d: {  	s5 =	simm.s32 @p1 $0x1;
	p0 =	seq.s32 s7, s2  }
0x1e: {  	s7 =	smul.u32 @!p0 $0xF7A, s2;
	p2 =	seq.s32 @!p0 s5, $0x0  }
0x1f: {  	s9 =	smul.u32 $0xF7A, s1;
	s8 =	simm.s32 @!p0 $0x1BF5;
	p2 =	por !p2, p0  }
0x20: {  	[sflag:s8] =	ssyncset.s32 @!p0 $0xFFFFF086;
	s6 =	sadd.s32 @!p0 s3, s7;
	s7 =	simm.s32 @!p0 $0x108  }
0x21: {  	s3 =	sadd.s32 s3, s9;
	s6 =	sadd.s32 @!p0 $0x88, s6;
	s7 =	simm.s32 @p2 $0x1082  }
0x22: {  	[simem:s7], [sflag:s8] =	dma.local @!p0 [hbm:s6], $0xF7A  }
0x23: {  	s9 =	sor.u32 $0xD0000000, s2;
	s6 =	simm.s32 $0x108;
	_ =	swait.ge @!p0 [sflag:s8], $0x0  }
0x24: {  	s3 =	sadd.s32 $0x88, s3;
	s6 =	simm.s32 @!p1 $0x1082;
	[sflag:s4] =	ssyncset.s32 $0xFFFFF086  }
0x25: {  	[simem:s6], [sflag:s4] =	dma.local [hbm:s3], $0xF7A  }
0x26: {  	[smem:$0x3F9F] =	sst s1;
	(tag) =	ssettag s2;
	_ =	strace s9  }
0x27: {  	s1 =	sld [smem:$0x3FAF]  }
0x28: {  	s2 =	sld [smem:$0x3FB0]  }
0x29: {  	s4 =	sld [smem:$0x3FB2]  }
0x2a: {  	p0 =	seq.s32 s5, $0x0;
	s5 =	sld [smem:$0x3FB3]  }
0x2b: {  	s6 =	sld [smem:$0x3FB4]  }
0x2c: {  	s7 =	sld [smem:$0x3FB5]  }
0x2d: {  	s3 =	simm.s32 $0x108;
	s8 =	sld [smem:$0x3FB6]  }
0x2e: {  	s3 =	simm.s32 @!p0 $0x1082;
	s9 =	sld [smem:$0x3FB7]  }
0x2f: {  	lr =	sadd.s32 s0, s3;
	s0 =	sld [smem:$0x3FAE]  }
0x30: {  	s3 =	sld [smem:$0x3FB1]  }
0x31: {  	[smem:$0x3FBA] =	sst s10  }
0x32: {  	s10 =	sld [smem:$0x3FB8];
	_ =	sdelay $0x3  }
0x33: {  	p0 =	seq.s32 s10, $0x1;
	s10 =	sld [smem:$0x3FBA];
	_ =	sdelay $0x3  }
0x34: {  	[smem:$0x3FBA] =	sst s10  }
0x35: {  	s10 =	sld [smem:$0x3FB9];
	_ =	sdelay $0x3  }
0x36: {  	p1 =	seq.s32 s10, $0x1;
	s10 =	sld [smem:$0x3FBA];
	_ =	sdelay $0x3  }
0x37: {  	[smem:$0x3FBA] =	sst s10  }
0x38: {  	s10 =	sld [smem:$0x3FBB]  }
0x39: {  	_ = 	snop;
	(pc) =	sbr.ind lr, $3  }
0x3a: {  	_ = 	snop  }
0x3b: {  	_ = 	snop  }
0x3c: {  	p2 =	seq.s32 s10, $0x1;
	s10 =	sld [smem:$0x3FBA]  }
0x3d: {  	_ =	shalt  }
0x3e: {  	_ =	shalt  }
0x3f: {  	_ =	shalt  }
0x40: {  	_ =	shalt  }
0x41: {  	_ =	shalt  }
0x42: {  	_ =	shalt  }
0x43: {  	_ =	shalt  }
0x44: {  	_ =	shalt  }
0x45: {  	_ =	shalt  }
0x46: {  	_ =	shalt  }
0x47: {  	_ =	shalt  }
0x48: {  	_ =	shalt  }
0x49: {  	_ =	shalt  }
0x4a: {  	_ =	shalt  }
0x4b: {  	_ =	shalt  }
0x4c: {  	_ =	shalt  }
0x4d: {  	_ =	shalt  }
0x4e: {  	_ =	shalt  }
0x4f: {  	_ =	shalt  }
0x50: {  	_ =	shalt  }
0x51: {  	_ =	shalt  }
0x52: {  	_ =	shalt  }
0x53: {  	_ =	shalt  }
0x54: {  	_ =	shalt  }
0x55: {  	_ =	shalt  }
0x56: {  	_ =	shalt  }
0x57: {  	_ =	shalt  }
0x58: {  	_ =	shalt  }
0x59: {  	_ =	shalt  }
0x5a: {  	_ =	shalt  }
0x5b: {  	_ =	shalt  }
0x5c: {  	_ =	shalt  }
0x5d: {  	_ =	shalt  }
0x5e: {  	_ =	shalt  }
0x5f: {  	_ =	shalt  }
0x60: {  	_ =	shalt  }
0x61: {  	_ =	shalt  }
0x62: {  	_ =	shalt  }
0x63: {  	_ =	shalt  }
0x64: {  	_ =	shalt  }
0x65: {  	_ =	shalt  }
0x66: {  	_ =	shalt  }
0x67: {  	_ =	shalt  }
0x68: {  	_ =	shalt  }
0x69: {  	_ =	shalt  }
0x6a: {  	_ =	shalt  }
0x6b: {  	_ =	shalt  }
0x6c: {  	_ =	shalt  }
0x6d: {  	_ =	shalt  }
0x6e: {  	_ =	shalt  }
0x6f: {  	_ =	shalt  }
0x70: {  	_ =	shalt  }
0x71: {  	_ =	shalt  }
0x72: {  	_ =	shalt  }
0x73: {  	_ =	shalt  }
0x74: {  	_ =	shalt  }
0x75: {  	_ =	shalt  }
0x76: {  	_ =	shalt  }
0x77: {  	_ =	shalt  }
0x78: {  	_ =	shalt  }
0x79: {  	_ =	shalt  }
0x7a: {  	_ =	shalt  }
0x7b: {  	_ =	shalt  }
0x7c: {  	_ =	shalt  }
0x7d: {  	_ =	shalt  }
0x7e: {  	_ =	shalt  }
0x7f: {  	_ =	shalt  }
0x80: {  	_ =	shalt  }
0x81: {  	_ =	shalt  }
0x82: {  	_ =	shalt  }
0x83: {  	_ =	shalt  }
0x84: {  	_ =	shalt  }
0x85: {  	_ =	shalt  }
0x86: {  	_ =	shalt  }
0x87: {  	_ =	shalt  }
.Lfunc_end0:
.L_simem_size_0:
called_computation_lowered:
.L_overlay_start_0:
0x88: {  	s2 =	sld [smem:$0x3FD9]  }
0x89: {  	s3 =	sld [smem:$0x3FFE];
	_ =	sdelay $0x1  }
0x8a: {  	s1 =	srdreg.scid  }
0x8b: {  	s0 =	sand.u32 $0x1, s1  }
0x8c: {  	s18 =	sshll.u32 s0, $0xA;
	s2 =	sadd.s32 s3, s2  }
0x8d: {  	s2 =	sadd.s32 s2, s18  }
0x8e: {  	[smem:$0x3FC6] =	sst s2  }
0x8f: {  	_ = 	snop  }
0x90: {  	s2 =	sld [smem:$0x3FC9]  }
0x91: {  	s19 =	sld [smem:$0x3FC8]  }
0x92: {  	s4 =	sld [smem:$0x3FD0];
	(tm) =	ssettm $0x1  }
0x93: {  	s5 =	sld [smem:$0x3FFB];
	_ =	sdelay $0x3  }
0x94: {  	_ =	strace s5  }
0x95: {  	s5 =	sld [smem:$0x3FFC];
	_ =	sdelay $0x3  }
0x96: {  	_ =	strace s5  }
0x97: {  	s5 =	sld [smem:$0x3FFD];
	_ =	sdelay $0x3  }
0x98: {  	_ =	strace s5  }
0x99: {  	_ =	strace $0x8FFFFFFF  }
0x9a: {  	s20 =	sld [smem:$0x3FDB];
	_ =	sdelay $0x1  }
0x9b: {  	s6 =	simm.s32 $_scs_section_size  }
0x9c: {  	s7 =	simm.s32 $_size__tile_overlayer_lowered;
	s8 =	simm.s32 $_tile_overlayer_lowered  }
0x9d: {  	s23 =	simm.s32 $0x1BFF;
	s22 =	sshll.u32 s8, $0x1;
	s5 =	sadd.s32 s6, s20  }
0x9e: {  	s9 =	simm.s32 $0x0;
	s21 =	sshll.u32 s7, $0x1;
	s7 =	sadd.s32 s22, s5  }
0x9f: {  	[timem:s9], [sflag:s23] =	dma.local [hbm:s7], s21  }
0xa0: {  	_ =	swait.ge [sflag:s23], s21  }
0xa1: {  	s6 =	ssub.s32 $0x0, s21;
	[sflag:s23] =	ssyncset.done $0x0  }
0xa2: {  	[sflag:s23] =	ssyncadd.s32 s6;
	_ =	sdelay $0x1  }
0xa3: {  	s24 =	simm.s32 $0x1B8B  }
0xa4: {  	_ =	swait.ge [sflag:s24], $0x1  }
0xa5: {  	[sflag:s24] =	ssyncset.done $0x0  }
0xa6: {  	s25 =	simm.s32 $0x1B8E;
	[sflag:s24] =	ssyncadd.s32 $0xFFFFFFFF  }
0xa7: {  	s26 =	simm.s32 $execute0_lowered;
	[smem:$0x3FD2] =	sst s25  }
0xa8: {  	s6 =	sshll.u32 s26, $0x1;
	_ =	strace $0x80000046;
	[dreg:$0x1] =	wrdreg $0xFFFFFFFF  }
0xa9: {  	s28 =	simm.s32 $_size_execute0_lowered;
	s5 =	sadd.s32 s5, s6;
	[dreg:$0x0] =	wrdreg $0x0  }
0xaa: {  	s6 =	sshll.u32 s28, $0x1;
	[dreg:$0x2] =	wrdreg s5  }
0xab: {  	[dreg:$0x3] =	wrdreg s6  }
0xac: {  	[dreg:$0x4] =	wrdreg $0xC0  }
0xad: {  	_ =	task [dreg:s9], $0x5FFFF  }
0xae: {  	[dreg:$0x1] =	wrdreg $0xFFFFFFFF  }
0xaf: {  	[dreg:$0x0] =	wrdreg $0x60  }
0xb0: {  	[dreg:$0x2] =	wrdreg s2  }
0xb1: {  	[dreg:$0x3] =	wrdreg s19  }
0xb2: {  	[dreg:$0x4] =	wrdreg s4  }
0xb3: {  	[dreg:$0x5] =	wrdreg $0x9  }
0xb4: {  	_ =	task.clear_ibuf [dreg:s9], $0x6FFFF;
	_ =	strace $0x90000046  }
0xb5: {  	s29 =	simm.s32 $0x9;
	_ =	strace $0x80000048  }
0xb6: {  	_ =	swait.ge [sflag:s29], $0x1  }
0xb7: {  	[sflag:s29] =	ssyncadd.s32 $0xFFFFFFFF  }
0xb8: {  	_ =	strace $0x90000048  }
0xb9: {  	_ =	sfence  }
0xba: {  	s30 =	sld [smem:$0x0];
	_ =	sdelay $0x2  }
0xbb: {  	s31 =	sshll.u32 s1, $0xD;
	s1 =	sshrl.u32 s1, $0x2  }
0xbc: {  	s3 =	sand.u32 $0x4000, s31;
	s1 =	sadd.s32 s1, s30  }
0xbd: {  	s0 =	sor.u32 s3, s0;
	s1 =	sshll.u32 s1, $0x11  }
0xbe: {  	s0 =	sor.u32 s1, s0  }
0xbf: {  	s0 =	sadd.s32 $0x8F2B, s0  }
0xc0: {  	[sflag:s0] =	ssyncadd.remote.s32 $0x1  }
0xc1: {  	_ =	sfence.sel $0xFFFF  }
0xc2: {  	[dreg:$0x0] =	wrdreg $0xFFFFFFFF;
	(pc) =	sbr.abs _section_cstart, $3  }
0xc3: {  	[dreg:$0x1] =	wrdreg $0xFFFFFFFF  }
0xc4: {  	_ =	task.clear_ibuf [dreg:s9], $0x2FFFF;
	_ =	strace $0x9FFFFFFF  }
0xc5: {  	(tm) =	ssettm $0x7FFFFFFF  }
tec
execute0_lowered:
.L_overlay_start_1:
0x0: {  	(tag) =	ssettag $0x1  }
0x1: {  	s0 =	rddreg [dreg:$0x0]  }
0x2: {  	s1 =	rddreg [dreg:$0x1]  }
0x3: {  	s2 =	rddreg [dreg:$0x2];
	s3 =	simm.s32 $0x0;
	s4 =	srdreg.scid  }
0x4: {  	s8 =	stileid.u32;
	s12 =	simm.s32 $0xF;
	s21 =	simm.s32 $0x1A100  }
0x5: {  	s22 =	simm.s32 $0x1A900;
	s23 =	simm.s32 $0x1B100;
	s28 =	simm.s32 $0xC  }
0x6: {  	s29 =	simm.s32 $0xD;
	s30 =	simm.s32 $0xE;
	s31 =	simm.s32 $0x8  }
0x7: {  	[smem:$0x7FF] =	sst s3;
	s4 =	sand.u32 $0x1, s4;
	s6 =	sshll.u32 s8, $0x1  }
0x8: {  	s8 =	sshrl.u32 s8, $0x2;
	_ =	strace $0x80000047;
	s5 =	ssub.s32 $0x2, s4  }
0x9: {  	s6 =	sand.u32 $0x6, s6;
	s24 =	sshll.u32 s8, $0x4;
	s26 =	sshll.u32 s8, $0x12  }
0xa: {  	s7 =	sshrl.u32 s5, $0x1;
	s4 =	sor.u32 s4, s6;
	s0 =	sadd.s32 s0, s24  }
0xb: {  	s6 =	sadd.s32 $0x200, s1;
	s24 =	simm.s32 $0x1B900;
	s9 =	ssub.s32 s5, s7  }
0xc: {  	s10 =	sshll.u32 s4, $0xF;
	s4 =	sshll.u32 s4, $0x7;
	s5 =	sadd.s32 $0x100, s1  }
0xd: {  	v2 =	vlaneseq.u32;
	s7 =	sadd.s32 $0x300, s1;
	s4 =	sadd.s32 s4, s0;
	s25 =	sadd.s32 s10, s2  }
0xe: {  	vm0 =	vmmov $0xffff;
	v1 =	vshrl.u32 v2, $0x3;
	s9 =	smax.u32 s9, $0x1;
	s0 =	simm.s32 $0x9;
	s2 =	simm.s32 $0x0  }
0xf: {  	v0 =	vand.u32 $0x7, v2;
	v2 =	vor.u32 $0x8, v2;
	v1 =	vmul.u32 $0x8, v1;
	s8 =	sadd.s32 s25, s26;
	s25 =	simm.s32 $0xA;
	s26 =	simm.s32 $0xB  }
.LBB2_1:
0x10: {  	s10 =	simm.s32 $0x80;
	s11 =	simm.s32 $0x200  }
0x11: {  	[tilespmem:s3], [sflag:$0xF] =	stream.strided.gather [hbm4b:s4+s10], $0x100, s11, s10, $0x38;
	[tilespmem:$0x1C100] =	vst v63  }
0x12: {  	_ =	swait.ge [sflag:s12], $0x100  }
0x13: {  	[sflag:s12] =	ssyncset.done $0x0  }
0x14: {  	[sflag:s12] =	ssyncadd.s32 $0xFFFFFF00  }
0x15: {  	v3 =	vld [tilespmem:$0x0];
	_ =	sdelay $0x4  }
0x16: {  	v4 =	vshll.u32 v3, $0x3  }
0x17: {  	v3 =	vand.u32 $0x7, v3;
	v4 =	vand.u32 $0xFFFFFFC0, v4  }
0x18: {  	v3 =	vor.u32 v3, v4  }
0x19: {  	v4 =	vperm.xlane v3, v0;
	_ =	sdelay $0x1  }
0x1a: {  	v4 =	vadd.s32 v1, v4;
	_ =	sdelay $0x3  }
0x1b: {  	s14 =	simm.s32 $0x100  }
0x1c: {  	[tilespmem:s14], [sflag:$0x1] =	stream.indirect_vreg.gather [hbm4b:s1+s3], $0x80, v4, vm0, $0xb8;
	[tilespmem:$0x1C100] =	vst v63  }
0x1d: {  	s15 =	simm.s32 $0x900;
	v3 =	vperm.xlane v3, v2  }
0x1e: {  	[tilespmem:s15], [sflag:$0x1] =	stream.indirect_vreg.gather [hbm4b:s5+s3], $0x80, v4, vm0, $0xb8;
	[tilespmem:$0x1C100] =	vst v63  }
0x1f: {  	s16 =	simm.s32 $0x1100;
	v3 =	vadd.s32 v1, v3  }
0x20: {  	[tilespmem:s16], [sflag:$0x1] =	stream.indirect_vreg.gather [hbm4b:s6+s3], $0x80, v4, vm0, $0xb8;
	[tilespmem:$0x1C100] =	vst v63  }
0x21: {  	s17 =	simm.s32 $0x1900  }
0x22: {  	[tilespmem:s17], [sflag:$0x1] =	stream.indirect_vreg.gather [hbm4b:s7+s3], $0x80, v4, vm0, $0xb8;
	[tilespmem:$0x1C100] =	vst v63  }
0x23: {  	s18 =	simm.s32 $0x2100  }
0x24: {  	[tilespmem:s18], [sflag:$0x1] =	stream.indirect_vreg.gather [hbm4b:s1+s3], $0x80, v3, vm0, $0xb8;
	[tilespmem:$0x1C100] =	vst v63  }
0x25: {  	s19 =	simm.s32 $0x2900  }
0x26: {  	[tilespmem:s19], [sflag:$0x1] =	stream.indirect_vreg.gather [hbm4b:s5+s3], $0x80, v3, vm0, $0xb8;
	[tilespmem:$0x1C100] =	vst v63  }
0x27: {  	s20 =	simm.s32 $0x3100  }
0x28: {  	[tilespmem:s20], [sflag:$0x1] =	stream.indirect_vreg.gather [hbm4b:s6+s3], $0x80, v3, vm0, $0xb8;
	[tilespmem:$0x1C100] =	vst v63  }
0x29: {  	s11 =	simm.s32 $0x3900  }
0x2a: {  	[tilespmem:s11], [sflag:$0x1] =	stream.indirect_vreg.gather [hbm4b:s7+s3], $0x80, v3, vm0, $0xb8;
	[tilespmem:$0x1C100] =	vst v63  }
0x2b: {  	v3 =	vld [tilespmem:$0x10];
	_ =	sdelay $0x4  }
0x2c: {  	v58 =	vshll.u32 v3, $0x3  }
0x2d: {  	v3 =	vand.u32 $0x7, v3;
	v4 =	vand.u32 $0xFFFFFFC0, v58  }
0x2e: {  	v3 =	vor.u32 v3, v4  }
0x2f: {  	v4 =	vperm.xlane v3, v0;
	_ =	sdelay $0x1  }
0x30: {  	v4 =	vadd.s32 v1, v4;
	_ =	sdelay $0x3  }
0x31: {  	s13 =	simm.s32 $0x4100  }
0x32: {  	[tilespmem:s13], [sflag:$0x2] =	stream.indirect_vreg.gather [hbm4b:s1+s3], $0x80, v4, vm0, $0xb8;
	[tilespmem:$0x1C100] =	vst v63  }
0x33: {  	s14 =	simm.s32 $0x4900;
	v3 =	vperm.xlane v3, v2  }
0x34: {  	[tilespmem:s14], [sflag:$0x2] =	stream.indirect_vreg.gather [hbm4b:s5+s3], $0x80, v4, vm0, $0xb8;
	[tilespmem:$0x1C100] =	vst v63  }
0x35: {  	s15 =	simm.s32 $0x5100;
	v3 =	vadd.s32 v1, v3  }
0x36: {  	[tilespmem:s15], [sflag:$0x2] =	stream.indirect_vreg.gather [hbm4b:s6+s3], $0x80, v4, vm0, $0xb8;
	[tilespmem:$0x1C100] =	vst v63  }
0x37: {  	s16 =	simm.s32 $0x5900  }
0x38: {  	[tilespmem:s16], [sflag:$0x2] =	stream.indirect_vreg.gather [hbm4b:s7+s3], $0x80, v4, vm0, $0xb8;
	[tilespmem:$0x1C100] =	vst v63  }
0x39: {  	s17 =	simm.s32 $0x6100  }
0x3a: {  	[tilespmem:s17], [sflag:$0x2] =	stream.indirect_vreg.gather [hbm4b:s1+s3], $0x80, v3, vm0, $0xb8;
	[tilespmem:$0x1C100] =	vst v63  }
0x3b: {  	s18 =	simm.s32 $0x6900  }
0x3c: {  	[tilespmem:s18], [sflag:$0x2] =	stream.indirect_vreg.gather [hbm4b:s5+s3], $0x80, v3, vm0, $0xb8;
	[tilespmem:$0x1C100] =	vst v63  }
0x3d: {  	s19 =	simm.s32 $0x7100  }
0x3e: {  	[tilespmem:s19], [sflag:$0x2] =	stream.indirect_vreg.gather [hbm4b:s6+s3], $0x80, v3, vm0, $0xb8;
	[tilespmem:$0x1C100] =	vst v63  }
0x3f: {  	s20 =	simm.s32 $0x7900  }
0x40: {  	[tilespmem:s20], [sflag:$0x2] =	stream.indirect_vreg.gather [hbm4b:s7+s3], $0x80, v3, vm0, $0xb8;
	[tilespmem:$0x1C100] =	vst v63  }
0x41: {  	v3 =	vld [tilespmem:$0x20];
	_ =	sdelay $0x4  }
0x42: {  	v59 =	vshll.u32 v3, $0x3  }
0x43: {  	v3 =	vand.u32 $0x7, v3;
	v4 =	vand.u32 $0xFFFFFFC0, v59  }
0x44: {  	v3 =	vor.u32 v3, v4  }
0x45: {  	v4 =	vperm.xlane v3, v0;
	_ =	sdelay $0x1  }
0x46: {  	v4 =	vadd.s32 v1, v4;
	_ =	sdelay $0x3  }
0x47: {  	s11 =	simm.s32 $0x8100  }
0x48: {  	[tilespmem:s11], [sflag:$0x3] =	stream.indirect_vreg.gather [hbm4b:s1+s3], $0x80, v4, vm0, $0xb8;
	[tilespmem:$0x1C100] =	vst v63  }
0x49: {  	s13 =	simm.s32 $0x8900;
	v3 =	vperm.xlane v3, v2  }
0x4a: {  	[tilespmem:s13], [sflag:$0x3] =	stream.indirect_vreg.gather [hbm4b:s5+s3], $0x80, v4, vm0, $0xb8;
	[tilespmem:$0x1C100] =	vst v63  }
0x4b: {  	s14 =	simm.s32 $0x9100;
	v3 =	vadd.s32 v1, v3  }
0x4c: {  	[tilespmem:s14], [sflag:$0x3] =	stream.indirect_vreg.gather [hbm4b:s6+s3], $0x80, v4, vm0, $0xb8;
	[tilespmem:$0x1C100] =	vst v63  }
0x4d: {  	s15 =	simm.s32 $0x9900  }
0x4e: {  	[tilespmem:s15], [sflag:$0x3] =	stream.indirect_vreg.gather [hbm4b:s7+s3], $0x80, v4, vm0, $0xb8;
	[tilespmem:$0x1C100] =	vst v63  }
0x4f: {  	s16 =	simm.s32 $0xA100  }
0x50: {  	[tilespmem:s16], [sflag:$0x3] =	stream.indirect_vreg.gather [hbm4b:s1+s3], $0x80, v3, vm0, $0xb8;
	[tilespmem:$0x1C100] =	vst v63  }
0x51: {  	s17 =	simm.s32 $0xA900  }
0x52: {  	[tilespmem:s17], [sflag:$0x3] =	stream.indirect_vreg.gather [hbm4b:s5+s3], $0x80, v3, vm0, $0xb8;
	[tilespmem:$0x1C100] =	vst v63  }
0x53: {  	s18 =	simm.s32 $0xB100  }
0x54: {  	[tilespmem:s18], [sflag:$0x3] =	stream.indirect_vreg.gather [hbm4b:s6+s3], $0x80, v3, vm0, $0xb8;
	[tilespmem:$0x1C100] =	vst v63  }
0x55: {  	s19 =	simm.s32 $0xB900  }
0x56: {  	[tilespmem:s19], [sflag:$0x3] =	stream.indirect_vreg.gather [hbm4b:s7+s3], $0x80, v3, vm0, $0xb8;
	[tilespmem:$0x1C100] =	vst v63  }
0x57: {  	v3 =	vld [tilespmem:$0x30];
	_ =	sdelay $0x4  }
0x58: {  	v60 =	vshll.u32 v3, $0x3  }
0x59: {  	v3 =	vand.u32 $0x7, v3;
	v4 =	vand.u32 $0xFFFFFFC0, v60  }
0x5a: {  	v3 =	vor.u32 v3, v4  }
0x5b: {  	v4 =	vperm.xlane v3, v0;
	_ =	sdelay $0x1  }
0x5c: {  	v4 =	vadd.s32 v1, v4;
	_ =	sdelay $0x3  }
0x5d: {  	s20 =	simm.s32 $0xC100  }
0x5e: {  	[tilespmem:s20], [sflag:$0x4] =	stream.indirect_vreg.gather [hbm4b:s1+s3], $0x80, v4, vm0, $0xb8;
	[tilespmem:$0x1C100] =	vst v63  }
0x5f: {  	s11 =	simm.s32 $0xC900;
	v3 =	vperm.xlane v3, v2  }
0x60: {  	[tilespmem:s11], [sflag:$0x4] =	stream.indirect_vreg.gather [hbm4b:s5+s3], $0x80, v4, vm0, $0xb8;
	[tilespmem:$0x1C100] =	vst v63  }
0x61: {  	s13 =	simm.s32 $0xD100;
	v3 =	vadd.s32 v1, v3  }
0x62: {  	[tilespmem:s13], [sflag:$0x4] =	stream.indirect_vreg.gather [hbm4b:s6+s3], $0x80, v4, vm0, $0xb8;
	[tilespmem:$0x1C100] =	vst v63  }
0x63: {  	s14 =	simm.s32 $0xD900  }
0x64: {  	[tilespmem:s14], [sflag:$0x4] =	stream.indirect_vreg.gather [hbm4b:s7+s3], $0x80, v4, vm0, $0xb8;
	[tilespmem:$0x1C100] =	vst v63  }
0x65: {  	s15 =	simm.s32 $0xE100  }
0x66: {  	[tilespmem:s15], [sflag:$0x4] =	stream.indirect_vreg.gather [hbm4b:s1+s3], $0x80, v3, vm0, $0xb8;
	[tilespmem:$0x1C100] =	vst v63  }
0x67: {  	s16 =	simm.s32 $0xE900  }
0x68: {  	[tilespmem:s16], [sflag:$0x4] =	stream.indirect_vreg.gather [hbm4b:s5+s3], $0x80, v3, vm0, $0xb8;
	[tilespmem:$0x1C100] =	vst v63  }
0x69: {  	s17 =	simm.s32 $0xF100  }
0x6a: {  	[tilespmem:s17], [sflag:$0x4] =	stream.indirect_vreg.gather [hbm4b:s6+s3], $0x80, v3, vm0, $0xb8;
	[tilespmem:$0x1C100] =	vst v63  }
0x6b: {  	s18 =	simm.s32 $0xF900  }
0x6c: {  	[tilespmem:s18], [sflag:$0x4] =	stream.indirect_vreg.gather [hbm4b:s7+s3], $0x80, v3, vm0, $0xb8;
	[tilespmem:$0x1C100] =	vst v63  }
0x6d: {  	v3 =	vld [tilespmem:$0x40];
	_ =	sdelay $0x4  }
0x6e: {  	v61 =	vshll.u32 v3, $0x3  }
0x6f: {  	v3 =	vand.u32 $0x7, v3;
	v4 =	vand.u32 $0xFFFFFFC0, v61  }
0x70: {  	v3 =	vor.u32 v3, v4  }
0x71: {  	v4 =	vperm.xlane v3, v0;
	_ =	sdelay $0x1  }
0x72: {  	v4 =	vadd.s32 v1, v4;
	_ =	sdelay $0x3  }
0x73: {  	s19 =	simm.s32 $0x10100  }
0x74: {  	[tilespmem:s19], [sflag:$0x5] =	stream.indirect_vreg.gather [hbm4b:s1+s3], $0x80, v4, vm0, $0xb8;
	[tilespmem:$0x1C100] =	vst v63  }
0x75: {  	s20 =	simm.s32 $0x10900;
	v3 =	vperm.xlane v3, v2  }
0x76: {  	[tilespmem:s20], [sflag:$0x5] =	stream.indirect_vreg.gather [hbm4b:s5+s3], $0x80, v4, vm0, $0xb8;
	[tilespmem:$0x1C100] =	vst v63  }
0x77: {  	s11 =	simm.s32 $0x11100;
	v3 =	vadd.s32 v1, v3  }
0x78: {  	[tilespmem:s11], [sflag:$0x5] =	stream.indirect_vreg.gather [hbm4b:s6+s3], $0x80, v4, vm0, $0xb8;
	[tilespmem:$0x1C100] =	vst v63  }
0x79: {  	s13 =	simm.s32 $0x11900  }
0x7a: {  	[tilespmem:s13], [sflag:$0x5] =	stream.indirect_vreg.gather [hbm4b:s7+s3], $0x80, v4, vm0, $0xb8;
	[tilespmem:$0x1C100] =	vst v63  }
0x7b: {  	s14 =	simm.s32 $0x12100  }
0x7c: {  	[tilespmem:s14], [sflag:$0x5] =	stream.indirect_vreg.gather [hbm4b:s1+s3], $0x80, v3, vm0, $0xb8;
	[tilespmem:$0x1C100] =	vst v63  }
0x7d: {  	s15 =	simm.s32 $0x12900  }
0x7e: {  	[tilespmem:s15], [sflag:$0x5] =	stream.indirect_vreg.gather [hbm4b:s5+s3], $0x80, v3, vm0, $0xb8;
	[tilespmem:$0x1C100] =	vst v63  }
0x7f: {  	s16 =	simm.s32 $0x13100  }
0x80: {  	[tilespmem:s16], [sflag:$0x5] =	stream.indirect_vreg.gather [hbm4b:s6+s3], $0x80, v3, vm0, $0xb8;
	[tilespmem:$0x1C100] =	vst v63  }
0x81: {  	s17 =	simm.s32 $0x13900  }
0x82: {  	[tilespmem:s17], [sflag:$0x5] =	stream.indirect_vreg.gather [hbm4b:s7+s3], $0x80, v3, vm0, $0xb8;
	[tilespmem:$0x1C100] =	vst v63  }
0x83: {  	v3 =	vld [tilespmem:$0x50];
	_ =	sdelay $0x4  }
0x84: {  	v62 =	vshll.u32 v3, $0x3  }
0x85: {  	v3 =	vand.u32 $0x7, v3;
	v4 =	vand.u32 $0xFFFFFFC0, v62  }
0x86: {  	v3 =	vor.u32 v3, v4  }
0x87: {  	v4 =	vperm.xlane v3, v0;
	_ =	sdelay $0x1  }
0x88: {  	v4 =	vadd.s32 v1, v4;
	_ =	sdelay $0x3  }
0x89: {  	s18 =	simm.s32 $0x14100  }
0x8a: {  	[tilespmem:s18], [sflag:$0x6] =	stream.indirect_vreg.gather [hbm4b:s1+s3], $0x80, v4, vm0, $0xb8;
	[tilespmem:$0x1C100] =	vst v63  }
0x8b: {  	s19 =	simm.s32 $0x14900;
	v3 =	vperm.xlane v3, v2  }
0x8c: {  	[tilespmem:s19], [sflag:$0x6] =	stream.indirect_vreg.gather [hbm4b:s5+s3], $0x80, v4, vm0, $0xb8;
	[tilespmem:$0x1C100] =	vst v63  }
0x8d: {  	s20 =	simm.s32 $0x15100;
	v3 =	vadd.s32 v1, v3  }
0x8e: {  	[tilespmem:s20], [sflag:$0x6] =	stream.indirect_vreg.gather [hbm4b:s6+s3], $0x80, v4, vm0, $0xb8;
	[tilespmem:$0x1C100] =	vst v63  }
0x8f: {  	s11 =	simm.s32 $0x15900  }
0x90: {  	[tilespmem:s11], [sflag:$0x6] =	stream.indirect_vreg.gather [hbm4b:s7+s3], $0x80, v4, vm0, $0xb8;
	[tilespmem:$0x1C100] =	vst v63  }
0x91: {  	s13 =	simm.s32 $0x16100  }
0x92: {  	[tilespmem:s13], [sflag:$0x6] =	stream.indirect_vreg.gather [hbm4b:s1+s3], $0x80, v3, vm0, $0xb8;
	[tilespmem:$0x1C100] =	vst v63  }
0x93: {  	s14 =	simm.s32 $0x16900  }
0x94: {  	[tilespmem:s14], [sflag:$0x6] =	stream.indirect_vreg.gather [hbm4b:s5+s3], $0x80, v3, vm0, $0xb8;
	[tilespmem:$0x1C100] =	vst v63  }
0x95: {  	s15 =	simm.s32 $0x17100  }
0x96: {  	[tilespmem:s15], [sflag:$0x6] =	stream.indirect_vreg.gather [hbm4b:s6+s3], $0x80, v3, vm0, $0xb8;
	[tilespmem:$0x1C100] =	vst v63  }
0x97: {  	s16 =	simm.s32 $0x17900  }
0x98: {  	[tilespmem:s16], [sflag:$0x6] =	stream.indirect_vreg.gather [hbm4b:s7+s3], $0x80, v3, vm0, $0xb8;
	[tilespmem:$0x1C100] =	vst v63  }
0x99: {  	v3 =	vld [tilespmem:$0x60];
	_ =	sdelay $0x4  }
0x9a: {  	v63 =	vshll.u32 v3, $0x3  }
0x9b: {  	v3 =	vand.u32 $0x7, v3;
	v4 =	vand.u32 $0xFFFFFFC0, v63  }
0x9c: {  	v3 =	vor.u32 v3, v4  }
0x9d: {  	v4 =	vperm.xlane v3, v0;
	_ =	sdelay $0x1  }
0x9e: {  	v4 =	vadd.s32 v1, v4;
	_ =	sdelay $0x3  }
0x9f: {  	s17 =	simm.s32 $0x18100  }
0xa0: {  	[tilespmem:s17], [sflag:$0x7] =	stream.indirect_vreg.gather [hbm4b:s1+s3], $0x80, v4, vm0, $0xb8;
	[tilespmem:$0x1C100] =	vst v63  }
0xa1: {  	s18 =	simm.s32 $0x18900;
	v3 =	vperm.xlane v3, v2  }
0xa2: {  	[tilespmem:s18], [sflag:$0x7] =	stream.indirect_vreg.gather [hbm4b:s5+s3], $0x80, v4, vm0, $0xb8;
	[tilespmem:$0x1C100] =	vst v63  }
0xa3: {  	s19 =	simm.s32 $0x19100;
	v3 =	vadd.s32 v1, v3  }
0xa4: {  	[tilespmem:s19], [sflag:$0x7] =	stream.indirect_vreg.gather [hbm4b:s6+s3], $0x80, v4, vm0, $0xb8;
	[tilespmem:$0x1C100] =	vst v63  }
0xa5: {  	s20 =	simm.s32 $0x19900  }
0xa6: {  	[tilespmem:s20], [sflag:$0x7] =	stream.indirect_vreg.gather [hbm4b:s7+s3], $0x80, v4, vm0, $0xb8;
	[tilespmem:$0x1C100] =	vst v63  }
0xa7: {  	_ = 	snop  }
0xa8: {  	[tilespmem:s21], [sflag:$0x7] =	stream.indirect_vreg.gather [hbm4b:s1+s3], $0x80, v3, vm0, $0xb8;
	[tilespmem:$0x1C100] =	vst v63  }
0xa9: {  	_ = 	snop  }
0xaa: {  	[tilespmem:s22], [sflag:$0x7] =	stream.indirect_vreg.gather [hbm4b:s5+s3], $0x80, v3, vm0, $0xb8;
	[tilespmem:$0x1C100] =	vst v63  }
0xab: {  	_ = 	snop  }
0xac: {  	[tilespmem:s23], [sflag:$0x7] =	stream.indirect_vreg.gather [hbm4b:s6+s3], $0x80, v3, vm0, $0xb8;
	[tilespmem:$0x1C100] =	vst v63  }
0xad: {  	s10 =	simm.s32 $0x0;
	s11 =	simm.s32 $0x0  }
0xae: {  	[tilespmem:s24], [sflag:$0x7] =	stream.indirect_vreg.gather [hbm4b:s7+s3], $0x80, v3, vm0, $0xb8;
	[tilespmem:$0x1C100] =	vst v63  }
.LBB2_2:
0xaf: {  	s13 =	smul.u32 $0x25, s11;
	s14 =	sadd.s32 $0xFFFFFFFE, s11  }
0xb0: {  	p0 =	sgt.u32 s14, $0x8  }
0xb1: {  	s13 =	sshrl.u32 s13, $0x8;
	s14 =	sadd.s32 @!p0 $0x5, s11  }
0xb2: {  	s15 =	ssub.s32 s11, s13;
	s16 =	smul.u32 @!p0 $0x25, s14  }
0xb3: {  	s15 =	sand.u32 $0xFE, s15  }
0xb4: {  	s15 =	sshrl.u32 s15, $0x1;
	s16 =	sshrl.u32 @!p0 s16, $0x8  }
0xb5: {  	s13 =	sadd.s32 s13, s15;
	s15 =	ssub.s32 @!p0 s14, s16  }
0xb6: {  	s13 =	sand.u32 $0xFC, s13;
	s15 =	sand.u32 @!p0 $0xFE, s15  }
0xb7: {  	s13 =	sshrl.u32 s13, $0x2;
	s15 =	sshrl.u32 @!p0 s15, $0x1  }
0xb8: {  	s13 =	smul.u32 $0x7, s13;
	s15 =	sadd.s32 @!p0 s16, s15  }
0xb9: {  	s15 =	sand.u32 @!p0 $0xFC, s15  }
0xba: {  	s13 =	ssub.s32 s11, s13;
	s15 =	sshrl.u32 @!p0 s15, $0x2  }
0xbb: {  	s13 =	sand.u32 $0xFF, s13;
	s15 =	smul.u32 @!p0 $0x7, s15  }
0xbc: {  	s18 =	sadd.s32 $0x1, s13  }
0xbd: {  	_ =	swait.ge [sflag:s18], $0x4000;
	s15 =	ssub.s32 @!p0 s14, s15  }
0xbe: {  	[sflag:s18] =	ssyncset.done $0x0;
	s15 =	sand.u32 @!p0 $0xFF, s15  }
0xbf: {  	[sflag:s18] =	ssyncadd.s32 $0xFFFFC000;
	s16 =	sor.u32 @!p0 $0x8, s15  }
0xc0: {  	_ =	swait.ge @!p0 [sflag:s16], $0x4000  }
0xc1: {  	s14 =	sshll.u32 @!p0 s14, $0x4;
	[sflag:s16] =	ssyncset.done @!p0 $0x0  }
0xc2: {  	s14 =	sand.u32 @!p0 $0x3FFFFFF0, s14;
	[sflag:s16] =	ssyncadd.s32 @!p0 $0xFFFFC000  }
0xc3: {  	v3 =	vld @!p0 [tilespmem:s14+$0x0];
	_ =	sdelay $0x4  }
0xc4: {  	v4 =	vshll.u32 @!p0 v3, $0x3  }
0xc5: {  	v5 =	vlaneseq.u32 @!p0;
	v3 =	vand.u32 @!p0 $0x7, v3;
	v4 =	vand.u32 @!p0 $0xFFFFFFC0, v4  }
0xc6: {  	v6 =	vshrl.u32 @!p0 v5, $0x3;
	v3 =	vor.u32 @!p0 v3, v4;
	v4 =	vand.u32 @!p0 $0x7, v5  }
0xc7: {  	v6 =	vmul.u32 @!p0 $0x8, v6;
	v4 =	vperm.xlane @!p0 v3, v4;
	_ =	sdelay $0x1  }
0xc8: {  	v4 =	vadd.s32 @!p0 v6, v4;
	_ =	sdelay $0x2  }
0xc9: {  	s14 =	sshll.u32 @!p0 s15, $0xE  }
0xca: {  	vm1 =	vmmov @!p0 $0xffff;
	s17 =	simm.s32 @!p0 $0x0;
	s15 =	sadd.s32 @!p0 $0x1, s15;
	s16 =	sor.u32 @!p0 $0x100, s14  }
0xcb: {  	v5 =	vor.u32 @!p0 $0x8, v5;
	[tilespmem:s16], [sflag:s15] =	stream.indirect_vreg.gather @!p0 [hbm4b:s1+s17], $0x80, v4, vm1, $0xb8;
	[tilespmem:$0x1C100] =	vst v63  }
0xcc: {  	v3 =	vperm.xlane @!p0 v3, v5;
	s16 =	sor.u32 @!p0 $0x900, s14  }
0xcd: {  	[tilespmem:s16], [sflag:s15] =	stream.indirect_vreg.gather @!p0 [hbm4b:s5+s17], $0x80, v4, vm1, $0xb8;
	[tilespmem:$0x1C100] =	vst v63  }
0xce: {  	v3 =	vadd.s32 @!p0 v6, v3;
	s16 =	sor.u32 @!p0 $0x1100, s14  }
0xcf: {  	[tilespmem:s16], [sflag:s15] =	stream.indirect_vreg.gather @!p0 [hbm4b:s6+s17], $0x80, v4, vm1, $0xb8;
	[tilespmem:$0x1C100] =	vst v63  }
0xd0: {  	s19 =	smulhi.u32 $0x24924925, s11;
	s16 =	sor.u32 @!p0 $0x1900, s14  }
0xd1: {  	[tilespmem:s16], [sflag:s15] =	stream.indirect_vreg.gather @!p0 [hbm4b:s7+s17], $0x80, v4, vm1, $0xb8;
	[tilespmem:$0x1C100] =	vst v63  }
0xd2: {  	s20 =	ssub.s32 s11, s19;
	s18 =	sor.u32 @!p0 $0x2100, s14  }
0xd3: {  	[tilespmem:s18], [sflag:s15] =	stream.indirect_vreg.gather @!p0 [hbm4b:s1+s17], $0x80, v3, vm1, $0xb8;
	[tilespmem:$0x1C100] =	vst v63  }
0xd4: {  	s18 =	sshrl.u32 s20, $0x1  }
0xd5: {  	s16 =	sadd.s32 s19, s18;
	s18 =	sor.u32 @!p0 $0x2900, s14  }
0xd6: {  	[tilespmem:s18], [sflag:s15] =	stream.indirect_vreg.gather @!p0 [hbm4b:s5+s17], $0x80, v3, vm1, $0xb8;
	[tilespmem:$0x1C100] =	vst v63  }
0xd7: {  	s16 =	sshrl.u32 s16, $0x2;
	s18 =	sor.u32 @!p0 $0x3100, s14  }
0xd8: {  	[tilespmem:s18], [sflag:s15] =	stream.indirect_vreg.gather @!p0 [hbm4b:s6+s17], $0x80, v3, vm1, $0xb8;
	[tilespmem:$0x1C100] =	vst v63  }
0xd9: {  	s14 =	sor.u32 @!p0 $0x3900, s14;
	s16 =	smul.u32 $0x1C000, s16  }
0xda: {  	[tilespmem:s14], [sflag:s15] =	stream.indirect_vreg.gather @!p0 [hbm4b:s7+s17], $0x80, v3, vm1, $0xb8;
	[tilespmem:$0x1C100] =	vst v63  }
0xdb: {  	s14 =	ssub.s32 s10, s16;
	s15 =	simm.s32 $0x0;
	s16 =	simm.s32 $0x0  }
.LBB2_3:
0xdc: {  	s17 =	sand.u32 $0x1E000, s14;
	s18 =	sand.u32 $0x300, s16  }
0xdd: {  	s17 =	sor.u32 s18, s17  }
0xde: {  	v3 =	vld [tilespmem:s17+$0x100]  }
0xdf: {  	v4 =	vld [tilespmem:s17+$0x180]  }
0xe0: {  	v6 =	vld [tilespmem:s17+$0x190]  }
0xe1: {  	v8 =	vld [tilespmem:s17+$0x1A0]  }
0xe2: {  	v5 =	vld [tilespmem:s17+$0x110]  }
0xe3: {  	v38 =	vld [tilespmem:s17+$0x1B0];
	v3 =	vmul.f32 $3.200000000e+01, v3  }
0xe4: {  	v7 =	vld [tilespmem:s17+$0x120];
	v4 =	vmul.f32 $3.200000000e+01, v4  }
0xe5: {  	v41 =	vld [tilespmem:s17+$0x1C0];
	v39 =	vmul.f32 $3.200000000e+01, v6;
	[tilespmem:s17+$0x100] =	vst v3  }
0xe6: {  	v9 =	vld [tilespmem:s17+$0x130];
	v42 =	vmul.f32 $3.200000000e+01, v8;
	[tilespmem:s17+$0x180] =	vst v4  }
0xe7: {  	v44 =	vld [tilespmem:s17+$0x1D0];
	v3 =	vmul.f32 $3.200000000e+01, v5;
	[tilespmem:s17+$0x190] =	vst v39  }
0xe8: {  	v40 =	vld [tilespmem:s17+$0x140];
	v45 =	vmul.f32 $3.200000000e+01, v38;
	[tilespmem:s17+$0x1A0] =	vst v42  }
0xe9: {  	v47 =	vld [tilespmem:s17+$0x1E0];
	[tilespmem:s17+$0x110] =	vst v3;
	v3 =	vmul.f32 $3.200000000e+01, v7  }
0xea: {  	v43 =	vld [tilespmem:s17+$0x150];
	v48 =	vmul.f32 $3.200000000e+01, v41;
	[tilespmem:s17+$0x1B0] =	vst v45  }
0xeb: {  	v50 =	vld [tilespmem:s17+$0x1F0];
	[tilespmem:s17+$0x120] =	vst v3;
	v3 =	vmul.f32 $3.200000000e+01, v9  }
0xec: {  	v46 =	vld [tilespmem:s17+$0x160];
	v51 =	vmul.f32 $3.200000000e+01, v44;
	[tilespmem:s17+$0x1C0] =	vst v48  }
0xed: {  	v53 =	vld [tilespmem:s17+$0x580];
	[tilespmem:s17+$0x130] =	vst v3;
	v3 =	vmul.f32 $3.200000000e+01, v40  }
0xee: {  	v49 =	vld [tilespmem:s17+$0x170];
	v54 =	vmul.f32 $3.200000000e+01, v47;
	[tilespmem:s17+$0x1D0] =	vst v51  }
0xef: {  	v56 =	vld [tilespmem:s17+$0x590];
	[tilespmem:s17+$0x140] =	vst v3;
	v3 =	vmul.f32 $3.200000000e+01, v43  }
0xf0: {  	v52 =	vld [tilespmem:s17+$0x500];
	v57 =	vmul.f32 $3.200000000e+01, v50;
	[tilespmem:s17+$0x1E0] =	vst v54  }
0xf1: {  	v59 =	vld [tilespmem:s17+$0x5A0];
	[tilespmem:s17+$0x150] =	vst v3;
	v3 =	vmul.f32 $3.200000000e+01, v46  }
0xf2: {  	v55 =	vld [tilespmem:s17+$0x510];
	v60 =	vmul.f32 $3.200000000e+01, v53;
	[tilespmem:s17+$0x1F0] =	vst v57  }
0xf3: {  	v62 =	vld [tilespmem:s17+$0x5B0];
	[tilespmem:s17+$0x160] =	vst v3;
	v3 =	vmul.f32 $3.200000000e+01, v49  }
0xf4: {  	v58 =	vld [tilespmem:s17+$0x520];
	v63 =	vmul.f32 $3.200000000e+01, v56;
	[tilespmem:s17+$0x580] =	vst v60  }
0xf5: {  	v13 =	vld [tilespmem:s17+$0x5C0];
	[tilespmem:s17+$0x170] =	vst v3;
	v3 =	vmul.f32 $3.200000000e+01, v52  }
0xf6: {  	v61 =	vld [tilespmem:s17+$0x530];
	v14 =	vmul.f32 $3.200000000e+01, v59;
	[tilespmem:s17+$0x590] =	vst v63  }
0xf7: {  	v16 =	vld [tilespmem:s17+$0x5D0];
	[tilespmem:s17+$0x500] =	vst v3;
	v3 =	vmul.f32 $3.200000000e+01, v55  }
0xf8: {  	v12 =	vld [tilespmem:s17+$0x540];
	v17 =	vmul.f32 $3.200000000e+01, v62;
	[tilespmem:s17+$0x5A0] =	vst v14  }
0xf9: {  	v19 =	vld [tilespmem:s17+$0x5E0];
	[tilespmem:s17+$0x510] =	vst v3;
	v3 =	vmul.f32 $3.200000000e+01, v58  }
0xfa: {  	v15 =	vld [tilespmem:s17+$0x550];
	v20 =	vmul.f32 $3.200000000e+01, v13;
	[tilespmem:s17+$0x5B0] =	vst v17  }
0xfb: {  	v22 =	vld [tilespmem:s17+$0x5F0];
	[tilespmem:s17+$0x520] =	vst v3;
	v3 =	vmul.f32 $3.200000000e+01, v61  }
0xfc: {  	v18 =	vld [tilespmem:s17+$0x560];
	v23 =	vmul.f32 $3.200000000e+01, v16;
	[tilespmem:s17+$0x5C0] =	vst v20  }
0xfd: {  	v25 =	vld [tilespmem:s17+$0x980];
	[tilespmem:s17+$0x530] =	vst v3;
	v3 =	vmul.f32 $3.200000000e+01, v12  }
0xfe: {  	v21 =	vld [tilespmem:s17+$0x570];
	v26 =	vmul.f32 $3.200000000e+01, v19;
	[tilespmem:s17+$0x5D0] =	vst v23  }
0xff: {  	v34 =	vld [tilespmem:s17+$0x9B0];
	[tilespmem:s17+$0x540] =	vst v3;
	v3 =	vmul.f32 $3.200000000e+01, v15  }
0x100: {  	v24 =	vld [tilespmem:s17+$0x900];
	v29 =	vmul.f32 $3.200000000e+01, v22;
	[tilespmem:s17+$0x5E0] =	vst v26  }
0x101: {  	v37 =	vld [tilespmem:s17+$0x950];
	[tilespmem:s17+$0x550] =	vst v3;
	v3 =	vmul.f32 $3.200000000e+01, v18  }
0x102: {  	v27 =	vld [tilespmem:s17+$0x910];
	v32 =	vmul.f32 $3.200000000e+01, v25;
	[tilespmem:s17+$0x5F0] =	vst v29  }
0x103: {  	v28 =	vld [tilespmem:s17+$0x990];
	[tilespmem:s17+$0x560] =	vst v3;
	v3 =	vmul.f32 $3.200000000e+01, v21  }
0x104: {  	v30 =	vld [tilespmem:s17+$0x920];
	v41 =	vmul.f32 $3.200000000e+01, v34;
	[tilespmem:s17+$0x980] =	vst v32  }
0x105: {  	v31 =	vld [tilespmem:s17+$0x9A0];
	[tilespmem:s17+$0x570] =	vst v3;
	v3 =	vmul.f32 $3.200000000e+01, v24  }
0x106: {  	v33 =	vld [tilespmem:s17+$0x930];
	v44 =	vmul.f32 $3.200000000e+01, v37;
	[tilespmem:s17+$0x9B0] =	vst v41  }
0x107: {  	v41 =	vld [tilespmem:s17+$0x1530];
	[tilespmem:s17+$0x900] =	vst v3;
	v3 =	vmul.f32 $3.200000000e+01, v27  }
0x108: {  	v36 =	vld [tilespmem:s17+$0x940];
	v35 =	vmul.f32 $3.200000000e+01, v28;
	[tilespmem:s17+$0x950] =	vst v44  }
0x109: {  	v44 =	vld [tilespmem:s17+$0x15E0];
	[tilespmem:s17+$0x910] =	vst v3;
	v3 =	vmul.f32 $3.200000000e+01, v30  }
0x10a: {  	v38 =	vmul.f32 $3.200000000e+01, v31;
	[tilespmem:s17+$0x990] =	vst v35;
	v39 =	vld [tilespmem:s17+$0x9D0]  }
0x10b: {  	v40 =	vld [tilespmem:s17+$0x960];
	[tilespmem:s17+$0x920] =	vst v3;
	v3 =	vmul.f32 $3.200000000e+01, v33  }
0x10c: {  	[tilespmem:s17+$0x9A0] =	vst v38;
	v42 =	vld [tilespmem:s17+$0x9E0];
	v6 =	vmul.f32 $3.200000000e+01, v41  }
0x10d: {  	v43 =	vld [tilespmem:s17+$0x970];
	[tilespmem:s17+$0x930] =	vst v3;
	v3 =	vmul.f32 $3.200000000e+01, v36  }
0x10e: {  	v45 =	vld [tilespmem:s17+$0x9F0];
	v8 =	vmul.f32 $3.200000000e+01, v44;
	[tilespmem:s17+$0x1530] =	vst v6  }
0x10f: {  	v46 =	vld [tilespmem:s17+$0xD00];
	[tilespmem:s17+$0x940] =	vst v3;
	v3 =	vmul.f32 $3.200000000e+01, v39  }
0x110: {  	v48 =	vld [tilespmem:s17+$0xD80];
	[tilespmem:s17+$0x15E0] =	vst v8;
	v47 =	vmul.f32 $3.200000000e+01, v40  }
0x111: {  	v49 =	vld [tilespmem:s17+$0xD10];
	[tilespmem:s17+$0x9D0] =	vst v3;
	v3 =	vmul.f32 $3.200000000e+01, v42  }
0x112: {  	v51 =	vld [tilespmem:s17+$0xD90];
	[tilespmem:s17+$0x960] =	vst v47;
	v50 =	vmul.f32 $3.200000000e+01, v43  }
0x113: {  	v52 =	vld [tilespmem:s17+$0xD20];
	[tilespmem:s17+$0x9E0] =	vst v3;
	v3 =	vmul.f32 $3.200000000e+01, v45  }
0x114: {  	v54 =	vld [tilespmem:s17+$0xDA0];
	[tilespmem:s17+$0x970] =	vst v50;
	v53 =	vmul.f32 $3.200000000e+01, v46  }
0x115: {  	v47 =	vld [tilespmem:s17+$0x15A0];
	[tilespmem:s17+$0x9F0] =	vst v3;
	v3 =	vmul.f32 $3.200000000e+01, v48  }
0x116: {  	v57 =	vld [tilespmem:s17+$0xDB0];
	[tilespmem:s17+$0xD00] =	vst v53;
	v56 =	vmul.f32 $3.200000000e+01, v49  }
0x117: {  	v46 =	vld [tilespmem:s17+$0x1580];
	[tilespmem:s17+$0xD80] =	vst v3;
	v3 =	vmul.f32 $3.200000000e+01, v51  }
0x118: {  	v60 =	vld [tilespmem:s17+$0xDD0];
	[tilespmem:s17+$0xD10] =	vst v56;
	v59 =	vmul.f32 $3.200000000e+01, v52  }
0x119: {  	v50 =	vld [tilespmem:s17+$0x1560];
	[tilespmem:s17+$0xD90] =	vst v3;
	v3 =	vmul.f32 $3.200000000e+01, v54  }
0x11a: {  	v63 =	vld [tilespmem:s17+$0xDE0];
	v52 =	vmul.f32 $3.200000000e+01, v47;
	[tilespmem:s17+$0xD20] =	vst v59  }
0x11b: {  	v55 =	vld [tilespmem:s17+$0xD30];
	[tilespmem:s17+$0xDA0] =	vst v3;
	v3 =	vmul.f32 $3.200000000e+01, v57  }
0x11c: {  	v14 =	vld [tilespmem:s17+$0xDF0];
	v4 =	vmul.f32 $3.200000000e+01, v46;
	[tilespmem:s17+$0x15A0] =	vst v52  }
0x11d: {  	v58 =	vld [tilespmem:s17+$0xD50];
	[tilespmem:s17+$0xDB0] =	vst v3;
	v3 =	vmul.f32 $3.200000000e+01, v60  }
0x11e: {  	v17 =	vld [tilespmem:s17+$0x1180];
	v8 =	vmul.f32 $3.200000000e+01, v50;
	[tilespmem:s17+$0x1580] =	vst v4  }
0x11f: {  	v61 =	vld [tilespmem:s17+$0xD60];
	[tilespmem:s17+$0xDD0] =	vst v3;
	v3 =	vmul.f32 $3.200000000e+01, v63  }
0x120: {  	v20 =	vld [tilespmem:s17+$0x1190];
	v62 =	vmul.f32 $3.200000000e+01, v55;
	[tilespmem:s17+$0x1560] =	vst v8  }
0x121: {  	v12 =	vld [tilespmem:s17+$0xD70];
	[tilespmem:s17+$0xDE0] =	vst v3;
	v3 =	vmul.f32 $3.200000000e+01, v14  }
0x122: {  	v23 =	vld [tilespmem:s17+$0x11A0];
	[tilespmem:s17+$0xD30] =	vst v62;
	v13 =	vmul.f32 $3.200000000e+01, v58  }
0x123: {  	v15 =	vld [tilespmem:s17+$0x1100];
	[tilespmem:s17+$0xDF0] =	vst v3;
	v3 =	vmul.f32 $3.200000000e+01, v17  }
0x124: {  	v26 =	vld [tilespmem:s17+$0x11B0];
	[tilespmem:s17+$0xD50] =	vst v13;
	v16 =	vmul.f32 $3.200000000e+01, v61  }
0x125: {  	v18 =	vld [tilespmem:s17+$0x1110];
	[tilespmem:s17+$0x1180] =	vst v3;
	v3 =	vmul.f32 $3.200000000e+01, v20  }
0x126: {  	v29 =	vld [tilespmem:s17+$0x11D0];
	[tilespmem:s17+$0xD60] =	vst v16;
	v19 =	vmul.f32 $3.200000000e+01, v12  }
0x127: {  	v21 =	vld [tilespmem:s17+$0x1120];
	[tilespmem:s17+$0x1190] =	vst v3;
	v3 =	vmul.f32 $3.200000000e+01, v23  }
0x128: {  	v32 =	vld [tilespmem:s17+$0x11E0];
	[tilespmem:s17+$0xD70] =	vst v19;
	v22 =	vmul.f32 $3.200000000e+01, v15  }
0x129: {  	v24 =	vld [tilespmem:s17+$0x1130];
	[tilespmem:s17+$0x11A0] =	vst v3;
	v3 =	vmul.f32 $3.200000000e+01, v26  }
0x12a: {  	v35 =	vld [tilespmem:s17+$0x11F0];
	[tilespmem:s17+$0x1100] =	vst v22;
	v25 =	vmul.f32 $3.200000000e+01, v18  }
0x12b: {  	v36 =	vld [tilespmem:s17+$0x1500];
	[tilespmem:s17+$0x11B0] =	vst v3;
	v3 =	vmul.f32 $3.200000000e+01, v29  }
0x12c: {  	v38 =	vld [tilespmem:s17+$0x1510];
	[tilespmem:s17+$0x1110] =	vst v25;
	v28 =	vmul.f32 $3.200000000e+01, v21  }
0x12d: {  	v39 =	vld [tilespmem:s17+$0x1520];
	[tilespmem:s17+$0x11D0] =	vst v3;
	v3 =	vmul.f32 $3.200000000e+01, v32  }
0x12e: {  	[tilespmem:s17+$0x1120] =	vst v28;
	v31 =	vmul.f32 $3.200000000e+01, v24;
	v42 =	vld [tilespmem:s17+$0x15D0]  }
0x12f: {  	v45 =	vld [tilespmem:s17+$0x15F0];
	[tilespmem:s17+$0x11E0] =	vst v3;
	v3 =	vmul.f32 $3.200000000e+01, v35  }
0x130: {  	v27 =	vld [tilespmem:s17+$0x1150];
	[tilespmem:s17+$0x1130] =	vst v31;
	v43 =	vmul.f32 $3.200000000e+01, v36  }
0x131: {  	v30 =	vld [tilespmem:s17+$0x1160];
	[tilespmem:s17+$0x11F0] =	vst v3;
	v3 =	vmul.f32 $3.200000000e+01, v38  }
0x132: {  	v33 =	vld [tilespmem:s17+$0x1170];
	[tilespmem:s17+$0x1500] =	vst v43;
	v5 =	vmul.f32 $3.200000000e+01, v39  }
0x133: {  	s19 =	sand.u32 $0x3, s15;
	v7 =	vmul.f32 $3.200000000e+01, v42;
	[tilespmem:s17+$0x1510] =	vst v3;
	v3 =	vld [tilespmem:s17+$0x1590]  }
0x134: {  	s18 =	sshll.u32 s19, $0x8;
	v49 =	vld [tilespmem:s17+$0x1550];
	[tilespmem:s17+$0x1520] =	vst v5;
	v9 =	vmul.f32 $3.200000000e+01, v45  }
0x135: {  	s18 =	sadd.s32 s14, s18;
	v34 =	vmul.f32 $3.200000000e+01, v27;
	v48 =	vld [tilespmem:s17+$0x15B0];
	[tilespmem:s17+$0x15D0] =	vst v7  }
0x136: {  	s20 =	sor.u32 $0x1800, s18;
	v37 =	vmul.f32 $3.200000000e+01, v30;
	v51 =	vld [tilespmem:s17+$0x1570];
	[tilespmem:s17+$0x15F0] =	vst v9  }
0x137: {  	[tilespmem:s17+$0x1150] =	vst v34;
	v40 =	vmul.f32 $3.200000000e+01, v33;
	v53 =	vld [tilespmem:s20+$0x100]  }
0x138: {  	[tilespmem:s17+$0x1160] =	vst v37;
	v3 =	vmul.f32 $3.200000000e+01, v3  }
0x139: {  	v56 =	vld [tilespmem:s17+$0x1140];
	[tilespmem:s17+$0x1170] =	vst v40;
	v7 =	vmul.f32 $3.200000000e+01, v49  }
0x13a: {  	v6 =	vmul.f32 $3.200000000e+01, v48;
	[tilespmem:s17+$0x1590] =	vst v3;
	v3 =	vld [tilespmem:s17+$0x9C0]  }
0x13b: {  	v58 =	vld [tilespmem:s17+$0x1540];
	[tilespmem:s17+$0x1550] =	vst v7;
	v9 =	vmul.f32 $3.200000000e+01, v51  }
0x13c: {  	v55 =	vld [tilespmem:s17+$0xDC0];
	[tilespmem:s17+$0x15B0] =	vst v6;
	v5 =	vmul.f32 $3.200000000e+01, v53  }
0x13d: {  	s19 =	sadd.s32 $0x80, s18;
	v54 =	vld [tilespmem:s17+$0xD40];
	[tilespmem:s17+$0x1570] =	vst v9  }
0x13e: {  	v61 =	vmul.f32 $3.200000000e+01, v56;
	v57 =	vld [tilespmem:s17+$0x11C0];
	[tilespmem:s20+$0x100] =	vst v5;
	s20 =	sor.u32 $0x1800, s19  }
0x13f: {  	v60 =	vld [tilespmem:s20+$0x100];
	v3 =	vmul.f32 $3.200000000e+01, v3  }
0x140: {  	v59 =	vld [tilespmem:s17+$0x15C0];
	[tilespmem:s17+$0x1140] =	vst v61;
	v62 =	vmul.f32 $3.200000000e+01, v58  }
0x141: {  	[tilespmem:s17+$0x9C0] =	vst v3;
	v3 =	vmul.f32 $3.200000000e+01, v55  }
0x142: {  	[tilespmem:s17+$0x1540] =	vst v62;
	v4 =	vmul.f32 $3.200000000e+01, v54  }
0x143: {  	[tilespmem:s17+$0xDC0] =	vst v3;
	v3 =	vmul.f32 $3.200000000e+01, v57  }
0x144: {  	[tilespmem:s17+$0xD40] =	vst v4;
	v63 =	vmul.f32 $3.200000000e+01, v60  }
0x145: {  	[tilespmem:s17+$0x11C0] =	vst v3;
	v3 =	vmul.f32 $3.200000000e+01, v59  }
0x146: {  	[tilespmem:s20+$0x100] =	vst v63  }
0x147: {  	s20 =	sor.u32 $0x1810, s18;
	[tilespmem:s17+$0x15C0] =	vst v3  }
0x148: {  	v3 =	vld [tilespmem:s20+$0x100];
	_ =	sdelay $0x4  }
0x149: {  	v3 =	vmul.f32 $3.200000000e+01, v3;
	_ =	sdelay $0x1  }
0x14a: {  	[tilespmem:s20+$0x100] =	vst v3;
	s20 =	sor.u32 $0x1810, s19  }
0x14b: {  	v3 =	vld [tilespmem:s20+$0x100];
	_ =	sdelay $0x4  }
0x14c: {  	v3 =	vmul.f32 $3.200000000e+01, v3;
	_ =	sdelay $0x1  }
0x14d: {  	[tilespmem:s20+$0x100] =	vst v3;
	s20 =	sor.u32 $0x1820, s18  }
0x14e: {  	v3 =	vld [tilespmem:s20+$0x100];
	_ =	sdelay $0x4  }
0x14f: {  	v3 =	vmul.f32 $3.200000000e+01, v3;
	_ =	sdelay $0x1  }
0x150: {  	[tilespmem:s20+$0x100] =	vst v3;
	s20 =	sor.u32 $0x1820, s19  }
0x151: {  	v3 =	vld [tilespmem:s20+$0x100];
	_ =	sdelay $0x4  }
0x152: {  	v3 =	vmul.f32 $3.200000000e+01, v3;
	_ =	sdelay $0x1  }
0x153: {  	[tilespmem:s20+$0x100] =	vst v3;
	s20 =	sor.u32 $0x1830, s18  }
0x154: {  	v3 =	vld [tilespmem:s20+$0x100];
	_ =	sdelay $0x4  }
0x155: {  	v3 =	vmul.f32 $3.200000000e+01, v3;
	_ =	sdelay $0x1  }
0x156: {  	[tilespmem:s20+$0x100] =	vst v3;
	s20 =	sor.u32 $0x1830, s19  }
0x157: {  	v3 =	vld [tilespmem:s20+$0x100];
	_ =	sdelay $0x4  }
0x158: {  	v3 =	vmul.f32 $3.200000000e+01, v3;
	_ =	sdelay $0x1  }
0x159: {  	[tilespmem:s20+$0x100] =	vst v3;
	s20 =	sor.u32 $0x1840, s18  }
0x15a: {  	v3 =	vld [tilespmem:s20+$0x100];
	_ =	sdelay $0x4  }
0x15b: {  	v3 =	vmul.f32 $3.200000000e+01, v3;
	_ =	sdelay $0x1  }
0x15c: {  	[tilespmem:s20+$0x100] =	vst v3;
	s20 =	sor.u32 $0x1840, s19  }
0x15d: {  	v3 =	vld [tilespmem:s20+$0x100];
	_ =	sdelay $0x4  }
0x15e: {  	v3 =	vmul.f32 $3.200000000e+01, v3;
	_ =	sdelay $0x1  }
0x15f: {  	[tilespmem:s20+$0x100] =	vst v3;
	s20 =	sor.u32 $0x1850, s18  }
0x160: {  	v3 =	vld [tilespmem:s20+$0x100];
	_ =	sdelay $0x4  }
0x161: {  	v3 =	vmul.f32 $3.200000000e+01, v3;
	_ =	sdelay $0x1  }
0x162: {  	[tilespmem:s20+$0x100] =	vst v3;
	s20 =	sor.u32 $0x1850, s19  }
0x163: {  	v3 =	vld [tilespmem:s20+$0x100];
	_ =	sdelay $0x4  }
0x164: {  	v3 =	vmul.f32 $3.200000000e+01, v3;
	_ =	sdelay $0x1  }
0x165: {  	[tilespmem:s20+$0x100] =	vst v3;
	s20 =	sor.u32 $0x1860, s18  }
0x166: {  	v3 =	vld [tilespmem:s20+$0x100];
	_ =	sdelay $0x4  }
0x167: {  	v3 =	vmul.f32 $3.200000000e+01, v3;
	_ =	sdelay $0x1  }
0x168: {  	[tilespmem:s20+$0x100] =	vst v3;
	s20 =	sor.u32 $0x1860, s19  }
0x169: {  	v3 =	vld [tilespmem:s20+$0x100];
	_ =	sdelay $0x4  }
0x16a: {  	v3 =	vmul.f32 $3.200000000e+01, v3;
	_ =	sdelay $0x1  }
0x16b: {  	[tilespmem:s20+$0x100] =	vst v3;
	s20 =	sor.u32 $0x1870, s18  }
0x16c: {  	v3 =	vld [tilespmem:s20+$0x100];
	_ =	sdelay $0x4  }
0x16d: {  	v3 =	vmul.f32 $3.200000000e+01, v3;
	_ =	sdelay $0x1  }
0x16e: {  	[tilespmem:s20+$0x100] =	vst v3;
	s20 =	sor.u32 $0x1870, s19  }
0x16f: {  	v3 =	vld [tilespmem:s20+$0x100];
	_ =	sdelay $0x4  }
0x170: {  	v3 =	vmul.f32 $3.200000000e+01, v3;
	_ =	sdelay $0x1  }
0x171: {  	[tilespmem:s20+$0x100] =	vst v3;
	s20 =	sor.u32 $0x1C00, s18  }
0x172: {  	v3 =	vld [tilespmem:s20+$0x100];
	_ =	sdelay $0x4  }
0x173: {  	v3 =	vmul.f32 $3.200000000e+01, v3;
	_ =	sdelay $0x1  }
0x174: {  	[tilespmem:s20+$0x100] =	vst v3;
	s20 =	sor.u32 $0x1C00, s19  }
0x175: {  	v3 =	vld [tilespmem:s20+$0x100];
	_ =	sdelay $0x4  }
0x176: {  	v3 =	vmul.f32 $3.200000000e+01, v3;
	_ =	sdelay $0x1  }
0x177: {  	[tilespmem:s20+$0x100] =	vst v3;
	s20 =	sor.u32 $0x1C10, s18  }
0x178: {  	v3 =	vld [tilespmem:s20+$0x100];
	_ =	sdelay $0x4  }
0x179: {  	v3 =	vmul.f32 $3.200000000e+01, v3;
	_ =	sdelay $0x1  }
0x17a: {  	[tilespmem:s20+$0x100] =	vst v3;
	s20 =	sor.u32 $0x1C10, s19  }
0x17b: {  	v3 =	vld [tilespmem:s20+$0x100];
	_ =	sdelay $0x4  }
0x17c: {  	v3 =	vmul.f32 $3.200000000e+01, v3;
	_ =	sdelay $0x1  }
0x17d: {  	[tilespmem:s20+$0x100] =	vst v3;
	s20 =	sor.u32 $0x1C20, s18  }
0x17e: {  	v3 =	vld [tilespmem:s20+$0x100];
	_ =	sdelay $0x4  }
0x17f: {  	v3 =	vmul.f32 $3.200000000e+01, v3;
	_ =	sdelay $0x1  }
0x180: {  	[tilespmem:s20+$0x100] =	vst v3;
	s20 =	sor.u32 $0x1C20, s19  }
0x181: {  	v3 =	vld [tilespmem:s20+$0x100];
	_ =	sdelay $0x4  }
0x182: {  	v3 =	vmul.f32 $3.200000000e+01, v3;
	_ =	sdelay $0x1  }
0x183: {  	[tilespmem:s20+$0x100] =	vst v3;
	s20 =	sor.u32 $0x1C30, s18  }
0x184: {  	v3 =	vld [tilespmem:s20+$0x100];
	_ =	sdelay $0x4  }
0x185: {  	v3 =	vmul.f32 $3.200000000e+01, v3;
	_ =	sdelay $0x1  }
0x186: {  	[tilespmem:s20+$0x100] =	vst v3;
	s20 =	sor.u32 $0x1C30, s19  }
0x187: {  	v3 =	vld [tilespmem:s20+$0x100];
	_ =	sdelay $0x4  }
0x188: {  	v3 =	vmul.f32 $3.200000000e+01, v3;
	_ =	sdelay $0x1  }
0x189: {  	[tilespmem:s20+$0x100] =	vst v3;
	s20 =	sor.u32 $0x1C40, s18  }
0x18a: {  	v3 =	vld [tilespmem:s20+$0x100];
	_ =	sdelay $0x4  }
0x18b: {  	v3 =	vmul.f32 $3.200000000e+01, v3;
	_ =	sdelay $0x1  }
0x18c: {  	[tilespmem:s20+$0x100] =	vst v3;
	s20 =	sor.u32 $0x1C40, s19  }
0x18d: {  	v3 =	vld [tilespmem:s20+$0x100];
	_ =	sdelay $0x4  }
0x18e: {  	v3 =	vmul.f32 $3.200000000e+01, v3;
	_ =	sdelay $0x1  }
0x18f: {  	[tilespmem:s20+$0x100] =	vst v3;
	s20 =	sor.u32 $0x1C50, s18  }
0x190: {  	v3 =	vld [tilespmem:s20+$0x100];
	_ =	sdelay $0x4  }
0x191: {  	v3 =	vmul.f32 $3.200000000e+01, v3;
	_ =	sdelay $0x1  }
0x192: {  	[tilespmem:s20+$0x100] =	vst v3;
	s20 =	sor.u32 $0x1C50, s19  }
0x193: {  	v3 =	vld [tilespmem:s20+$0x100];
	_ =	sdelay $0x4  }
0x194: {  	v3 =	vmul.f32 $3.200000000e+01, v3;
	_ =	sdelay $0x1  }
0x195: {  	[tilespmem:s20+$0x100] =	vst v3;
	s20 =	sor.u32 $0x1C60, s18  }
0x196: {  	v3 =	vld [tilespmem:s20+$0x100];
	_ =	sdelay $0x4  }
0x197: {  	v3 =	vmul.f32 $3.200000000e+01, v3;
	_ =	sdelay $0x1  }
0x198: {  	[tilespmem:s20+$0x100] =	vst v3;
	s20 =	sor.u32 $0x1C60, s19  }
0x199: {  	v3 =	vld [tilespmem:s20+$0x100];
	_ =	sdelay $0x4  }
0x19a: {  	v3 =	vmul.f32 $3.200000000e+01, v3;
	_ =	sdelay $0x1  }
0x19b: {  	s18 =	sor.u32 $0x1C70, s18;
	[tilespmem:s20+$0x100] =	vst v3  }
0x19c: {  	v3 =	vld [tilespmem:s18+$0x100];
	_ =	sdelay $0x4  }
0x19d: {  	v3 =	vmul.f32 $3.200000000e+01, v3;
	_ =	sdelay $0x1  }
0x19e: {  	s20 =	sor.u32 $0x1C70, s19;
	[tilespmem:s18+$0x100] =	vst v3  }
0x19f: {  	v3 =	vld [tilespmem:s20+$0x100];
	_ =	sdelay $0x1  }
0x1a0: {  	p0 =	sne.s32 s16, $0x700  }
.Ltmp0:
0x1a1: {  	_ = 	snop;
	(pc) =	sbr.rel @p0 .LBB2_3-.Ltmp0, $3  }
0x1a2: {  	_ = 	snop  }
0x1a3: {  	v3 =	vmul.f32 $3.200000000e+01, v3;
	_ =	sdelay $0x1  }
0x1a4: {  	s15 =	sadd.s32 $0x1, s15;
	s16 =	sadd.s32 $0x100, s16;
	s14 =	sadd.s32 $0x800, s14;
	[tilespmem:s20+$0x100] =	vst v3  }
0x1a5: {  	s14 =	sshll.u32 s11, $0xB;
	s11 =	sadd.s32 $0x1, s11  }
0x1a6: {  	p0 =	sne.s32 s11, $0x10  }
.Ltmp1:
0x1a7: {  	_ = 	snop;
	(pc) =	sbr.rel @p0 .LBB2_2-.Ltmp1, $4  }
0x1a8: {  	_ = 	snop  }
0x1a9: {  	s15 =	sshll.u32 s13, $0xE;
	s20 =	sadd.s32 $0x8, s13  }
0x1aa: {  	s10 =	sadd.s32 $0x4000, s10;
	s14 =	sadd.s32 s14, s8;
	s15 =	sor.u32 $0x100, s15  }
0x1ab: {  	[hbm4b:s14+s3] =	stream.linear.scatter [tilespmem:s15], [sflag:s20], $0x4000, $0x38;
	[tilespmem:$0x1C100] =	vst v63  }
0x1ac: {  	_ =	swait.ge [sflag:s25], $0x4000  }
0x1ad: {  	[sflag:s25] =	ssyncset.done $0x0  }
0x1ae: {  	[sflag:s25] =	ssyncadd.s32 $0xFFFFC000  }
0x1af: {  	_ =	swait.ge [sflag:s26], $0x4000  }
0x1b0: {  	[sflag:s26] =	ssyncset.done $0x0  }
0x1b1: {  	[sflag:s26] =	ssyncadd.s32 $0xFFFFC000  }
0x1b2: {  	_ =	swait.ge [sflag:s28], $0x4000  }
0x1b3: {  	[sflag:s28] =	ssyncset.done $0x0  }
0x1b4: {  	[sflag:s28] =	ssyncadd.s32 $0xFFFFC000  }
0x1b5: {  	_ =	swait.ge [sflag:s29], $0x4000  }
0x1b6: {  	[sflag:s29] =	ssyncset.done $0x0  }
0x1b7: {  	[sflag:s29] =	ssyncadd.s32 $0xFFFFC000  }
0x1b8: {  	_ =	swait.ge [sflag:s30], $0x4000  }
0x1b9: {  	[sflag:s30] =	ssyncset.done $0x0  }
0x1ba: {  	s2 =	sadd.s32 $0x1, s2;
	[sflag:s30] =	ssyncadd.s32 $0xFFFFC000  }
0x1bb: {  	p0 =	sne.s32 s2, s9;
	_ =	swait.ge [sflag:s31], $0x4000  }
.Ltmp2:
0x1bc: {  	[sflag:s31] =	ssyncset.done $0x0;
	(pc) =	sbr.rel @p0 .LBB2_1-.Ltmp2, $4  }
0x1bd: {  	[sflag:s31] =	ssyncadd.s32 $0xFFFFC000  }
0x1be: {  	_ =	swait.ge [sflag:s0], $0x4000  }
0x1bf: {  	[sflag:s0] =	ssyncset.done $0x0  }
0x1c0: {  	[sflag:s0] =	ssyncadd.s32 $0xFFFFC000  }
0x1c1: {  	_ =	sfence.sel $0x180000  }
0x1c2: {  	[bflag:$0x0] =	sbarrier.arrive $0xFFFF  }
0x1c3: {  	_ =	strace $0x90000047  }
0x1c4: {  	s0 =	stileid.u32;
	[bflag:$0x2] =	sbarrier.arrive $0xFFFF  }
0x1c5: {  	p0 =	sne.s32 s0, $0x0;
	s0 =	rddreg [dreg:$0x3]  }
0x1c6: {  	s0 =	sadd.s32 @!p0 $0x100000, s0  }
0x1c7: {  	[sflag:s0] =	ssyncadd.tile.s32 @!p0 $0x1;
	_ =	shalt  }
.Lfunc_end2:
_tile_overlayer_lowered:
.L_overlay_start_2:
0x1c8: {  	(tag) =	ssettag $0x2  }
0x1c9: {  	s0 =	rddreg [dreg:$0x0];
	s2 =	stileid.u32  }
0x1ca: {  	s1 =	rddreg [dreg:$0x1];
	p0 =	sne.s32 s2, $0x0  }
0x1cb: {  	s3 =	rddreg [dreg:$0x2];
	[bflag:$0x3] =	sbarrier.arrive $0xFFFF;
	s2 =	simm.s32 @!p0 $0x1C0F  }
0x1cc: {  	[timem:s3], [sflag:s2] =	dma.local @!p0 [hbm:s0], s1  }
0x1cd: {  	s0 =	simm.s32 @!p0 $0xF  }
0x1ce: {  	_ =	swait.ge @!p0 [sflag:s0], s1  }
0x1cf: {  	s1 =	ssub.s32 @!p0 $0x0, s1;
	[sflag:s0] =	ssyncset.done @!p0 $0x0  }
0x1d0: {  	[sflag:s0] =	ssyncadd.s32 @!p0 s1  }
0x1d1: {  	[bflag:$0x3] =	sbarrier.arrive $0xFFFF  }
0x1d2: {  	_ =	shalt  }

</sc_bundles>
